<compile_context>
chip_gen: v7x
topology: tpu7x:2x2x1
jax: 0.10.2.dev20260603
libtpu: 0.0.44.dev20260713+nightly
codegen_flags: <defaults>
</compile_context>

<pallas_src>
import functools

import jax
import jax.numpy as jnp
from jax import lax
from jax.experimental import pallas as pl
from jax.experimental.pallas import tpu as pltpu
from jax.experimental.pallas import tpu_sc as plsc

BLANK_LABEL = 10
NUM_FRAMES = 8192
NUM_LABELS = 32
NUM_WORKERS = 16
F_PER = NUM_FRAMES // NUM_WORKERS
GROUPS = F_PER // 16
WORDS_PER = F_PER * NUM_LABELS


def _ctc_body(emis_hbm, out_hbm, cnt_hbm, stage_hbm,
              emis_v, idx_v, loc_v, dat_v, out_v, tmp_v, off_v,
              cnt_s, sem):
    wid = lax.axis_index("s")
    io = lax.iota(jnp.int32, 16)
    io32 = io * NUM_LABELS

    base = wid * WORDS_PER
    cp = pltpu.async_copy(emis_hbm.at[pl.ds(base, WORDS_PER)],
                          emis_v.at[pl.ds(NUM_LABELS, WORDS_PER)], sem)

    @pl.when(wid > 0)
    def _():
        pltpu.sync_copy(emis_hbm.at[pl.ds(base - NUM_LABELS, NUM_LABELS)],
                        emis_v.at[pl.ds(0, NUM_LABELS)])

    for w in range(NUM_WORKERS):
        cnt_s[w] = jnp.int32(0)
    plsc.subcore_barrier()
    cp.wait()

    v0 = emis_v[pl.ds(0, 16)]
    v1 = emis_v[pl.ds(16, 16)]
    mx = jnp.max(jnp.maximum(v0, v1))
    c0 = jnp.where(v0 == mx, io, 64)
    c1 = jnp.where(v1 == mx, io + 16, 64)
    p = jnp.min(jnp.minimum(c0, c1))
    p = jnp.where(wid == 0, -1, p)
    idx_v[pl.ds(0, 16)] = jnp.broadcast_to(p, (16,))

    @plsc.parallel_loop(0, GROUPS, unroll=2)
    def _amax(g):
        b0 = io32 + (g * (16 * NUM_LABELS) + NUM_LABELS)
        cj = io
        cm = plsc.load_gather(emis_v, [b0 + io])
        ci = cj
        for j in range(1, NUM_LABELS):
            cj = (cj + 1) & (NUM_LABELS - 1)
            vj = plsc.load_gather(emis_v, [b0 + cj])
            gt = vj > cm
            tie = (vj == cm) & (cj < ci)
            upd = gt | tie
            cm = jnp.where(upd, vj, cm)
            ci = jnp.where(upd, cj, ci)
        idx_v[pl.ds(16 + g * 16, 16)] = ci

    def comp_body(g, off):
        cur = idx_v[pl.ds(16 + g * 16, 16)]
        prev = plsc.load_gather(idx_v, [io + (g * 16 + 15)])
        keep = (cur != prev) & (cur != BLANK_LABEL)
        k32 = keep.astype(jnp.int32)
        pos = off + plsc.cumsum(k32) - 1
        plsc.store_scatter(loc_v, [pos], cur, mask=keep)
        return off + jnp.sum(k32)

    cnt = lax.fori_loop(0, GROUPS, comp_body, jnp.int32(0))

    pltpu.sync_copy(loc_v, stage_hbm.at[pl.ds(wid * F_PER, F_PER)])

    def push_body(j, carry):
        plsc.fetch_and_add(cnt_s.at[wid], cnt, subcore_id=j)
        return carry

    lax.fori_loop(0, NUM_WORKERS, push_body, 0)
    plsc.subcore_barrier()

    cvec = jnp.zeros((16,), jnp.int32)
    for w in range(NUM_WORKERS):
        cvec = jnp.where(io == w, cnt_s[w], cvec)
    offs = plsc.cumsum(cvec) - cvec
    total = jnp.sum(cvec)
    off_v[pl.ds(0, 16)] = offs

    @pl.when(wid == 0)
    def _():
        tmp_v[pl.ds(0, 16)] = jnp.broadcast_to(total, (16,))
        pltpu.sync_copy(tmp_v, cnt_hbm)

    pltpu.sync_copy(stage_hbm, dat_v)

    off_sc = [jnp.int32(0)]
    for w in range(1, NUM_WORKERS):
        off_sc.append(off_sc[w - 1] + cnt_s[w - 1])
    obc = [jnp.broadcast_to(off_sc[w], (16,)) for w in range(1, NUM_WORKERS)]
    tbc = jnp.broadcast_to(total, (16,))

    @plsc.parallel_loop(0, GROUPS, unroll=2)
    def _emit(t):
        k = wid * F_PER + t * 16 + io
        s = jnp.zeros((16,), jnp.int32)
        for w in range(1, NUM_WORKERS):
            s = s + (k >= obc[w - 1]).astype(jnp.int32)
        osrc = plsc.load_gather(off_v, [s])
        src = jnp.minimum((s * F_PER) + k - osrc, NUM_FRAMES - 1)
        val = plsc.load_gather(dat_v, [src])
        out_v[pl.ds(t * 16, 16)] = jnp.where(k < tbc, val, -1)

    pltpu.sync_copy(out_v, out_hbm.at[pl.ds(wid * F_PER, F_PER)])


_ctc_call = functools.partial(
    pl.kernel,
    out_type=[jax.ShapeDtypeStruct((NUM_FRAMES,), jnp.int32),
              jax.ShapeDtypeStruct((16,), jnp.int32),
              jax.ShapeDtypeStruct((NUM_FRAMES,), jnp.int32)],
    mesh=plsc.VectorSubcoreMesh(core_axis_name="c", subcore_axis_name="s",
                                num_cores=1),
    compiler_params=pltpu.CompilerParams(needs_layout_passes=False),
    scratch_types=[
        pltpu.VMEM(((F_PER + 1) * NUM_LABELS,), jnp.float32),
        pltpu.VMEM((16 + F_PER,), jnp.int32),
        pltpu.VMEM((F_PER,), jnp.int32),
        pltpu.VMEM((NUM_FRAMES,), jnp.int32),
        pltpu.VMEM((F_PER,), jnp.int32),
        pltpu.VMEM((16,), jnp.int32),
        pltpu.VMEM((16,), jnp.int32),
        pltpu.SMEM((NUM_WORKERS,), jnp.int32),
        pltpu.SemaphoreType.DMA,
    ],
)(_ctc_body)


def kernel(emission):
    compacted, counts, _ = _ctc_call(emission.reshape(-1))
    return compacted, counts[0]

# --- scband reference (transcript-rebuilt; emitter-appended) ---
"""Pipeline reference for scband-greedy-ctcdecoder-3393024164275 (READ-ONLY COPY).

The authoritative reference and input builder live on the scoring server;
editing this copy changes nothing except your own understanding.
"""

import jax, jax.numpy as jnp
import numpy as np

BLANK = 10


def setup_inputs(seed: int = 0) -> dict:
    key = jax.random.key(seed)
    emission = jax.random.normal(key, (8192, 32), dtype=jnp.float32)
    return {"emission": emission}


def reference(emission):
    # Greedy CTC decode: argmax per frame, collapse repeats, drop blanks.
    indices = jnp.argmax(emission, axis=-1)
    n = indices.shape[0]
    # unique_consecutive mask: keep first element and every change point
    keep = jnp.concatenate([jnp.array([True]), indices[1:] != indices[:-1]])
    # drop blank tokens
    keep = keep & (indices != BLANK)
    # Compact kept indices to the front (fixed-size output, padded with -1).
    # Stable sort on ~keep puts kept positions first while preserving order.
    order = jnp.argsort(~keep, stable=True)
    num_kept = jnp.sum(keep)
    compacted = jnp.where(jnp.arange(n) < num_kept, indices[order], -1)
    # The original module maps these indices through self.labels and joins
    # into a string; strings are not representable as jax arrays, so the
    # decoded label-index sequence (plus its length) is the faithful output.
    return compacted, num_kept

if __name__ == "__main__":
    import jax
    _d = setup_inputs()
    print(jax.jit(kernel)(*tuple(_d.values())))

</pallas_src>

<mosaic_0001>
#map = affine_map<(d0, d1) -> (0)>
module attributes {stable_mosaic.version = 14 : i64} {
  func.func @_ctc_body(%arg0: i32, %arg1: i32, %arg2: memref<262144xf32, #tpu.memory_space<hbm>>, %arg3: memref<8192xi32, #tpu.memory_space<hbm>>, %arg4: memref<16xi32, #tpu.memory_space<hbm>>, %arg5: memref<8192xi32, #tpu.memory_space<hbm>>, %arg6: memref<16416xf32, #tpu.memory_space<vmem>>, %arg7: memref<528xi32, #tpu.memory_space<vmem>>, %arg8: memref<512xi32, #tpu.memory_space<vmem>>, %arg9: memref<8192xi32, #tpu.memory_space<vmem>>, %arg10: memref<512xi32, #tpu.memory_space<vmem>>, %arg11: memref<16xi32, #tpu.memory_space<vmem>>, %arg12: memref<16xi32, #tpu.memory_space<vmem>>, %arg13: memref<16xi32, #tpu.memory_space<smem>>, %arg14: memref<!tpu.dma_semaphore, #tpu.memory_space<semaphore_mem>>) attributes {dimension_semantics = [#tpu.dimension_semantics<core_parallel>, #tpu.dimension_semantics<subcore_parallel>], iteration_bounds = array<i64: 1, 16>, scalar_prefetch = 0 : i64, scratch_operands = 9 : i64, tpu.core_type = #tpu.core_type<sc_vector_subcore>, window_params = [{transform_indices = #map}, {transform_indices = #map}, {transform_indices = #map}, {transform_indices = #map}]} {
    %iota3A = tpu.iota {dimensions = array<i32: 0>} : vector<16xi32>
    %mul3A = arith.constant 32 : i32
    %mul3A_0 = vector.broadcast %mul3A : i32 to vector<16xi32>
    %mul3A_1 = arith.muli %iota3A, %mul3A_0 : vector<16xi32>
    %mul3A_2 = arith.constant 16384 : i32
    %mul3A_3 = arith.muli %arg1, %mul3A_2 : i32
    %dma_start3A = arith.constant 32 : i32
    %dma_start3A_4 = tpu.memref_slice %arg6[%dma_start3A] : memref<16416xf32, #tpu.memory_space<vmem>> -> memref<16384xf32, #tpu.memory_space<vmem>>
    %dma_start3A_5 = tpu.memref_slice %arg2[%mul3A_3] : memref<262144xf32, #tpu.memory_space<hbm>> -> memref<16384xf32, #tpu.memory_space<hbm>>
    %dma_start3A_6 = arith.constant 32 : i32
    %dma_start3A_7 = tpu.memref_slice %arg6[%dma_start3A_6] : memref<16416xf32, #tpu.memory_space<vmem>> -> memref<16384xf32, #tpu.memory_space<vmem>>
    %dma_start3A_8 = tpu.memref_slice %arg2[%mul3A_3] : memref<262144xf32, #tpu.memory_space<hbm>> -> memref<16384xf32, #tpu.memory_space<hbm>>
    tpu.enqueue_dma source(%dma_start3A_8 : memref<16384xf32, #tpu.memory_space<hbm>>) target(%dma_start3A_7 : memref<16384xf32, #tpu.memory_space<vmem>>) target_semaphore(%arg14 : memref<!tpu.dma_semaphore, #tpu.memory_space<semaphore_mem>>)
    %gt3A = arith.constant 0 : i32
    %gt3A_9 = arith.cmpi sgt, %arg1, %gt3A : i32
    %convert_element_type3A = arith.extui %gt3A_9 : i1 to i32
    %cond3A = arith.constant 0 : i32
    %cond3A_10 = arith.cmpi ne, %convert_element_type3A, %cond3A : i32
    scf.if %cond3A_10 {
      %sub3A_348 = arith.constant 32 : i32
      %sub3A_349 = arith.subi %mul3A_3, %sub3A_348 : i32
      "tpu.region"() ({
        %run_scoped3A = tpu.sem_alloc : memref<!tpu.dma_semaphore, #tpu.memory_space<semaphore_mem>>
        %dma_start3A_350 = arith.constant 0 : i32
        %dma_start3A_351 = tpu.memref_slice %arg6[%dma_start3A_350] : memref<16416xf32, #tpu.memory_space<vmem>> -> memref<32xf32, #tpu.memory_space<vmem>>
        %dma_start3A_352 = tpu.memref_slice %arg2[%sub3A_349] : memref<262144xf32, #tpu.memory_space<hbm>> -> memref<32xf32, #tpu.memory_space<hbm>>
        %dma_start3A_353 = arith.constant 0 : i32
        %dma_start3A_354 = tpu.memref_slice %arg6[%dma_start3A_353] : memref<16416xf32, #tpu.memory_space<vmem>> -> memref<32xf32, #tpu.memory_space<vmem>>
        %dma_start3A_355 = tpu.memref_slice %arg2[%sub3A_349] : memref<262144xf32, #tpu.memory_space<hbm>> -> memref<32xf32, #tpu.memory_space<hbm>>
        tpu.enqueue_dma source(%dma_start3A_355 : memref<32xf32, #tpu.memory_space<hbm>>) target(%dma_start3A_354 : memref<32xf32, #tpu.memory_space<vmem>>) target_semaphore(%run_scoped3A : memref<!tpu.dma_semaphore, #tpu.memory_space<semaphore_mem>>)
        %dma_wait3A_356 = arith.constant 0 : i32
        %dma_wait3A_357 = tpu.memref_slice %arg6[%dma_wait3A_356] : memref<16416xf32, #tpu.memory_space<vmem>> -> memref<32xf32, #tpu.memory_space<vmem>>
        %dma_wait3A_358 = tpu.memref_slice %arg2[%sub3A_349] : memref<262144xf32, #tpu.memory_space<hbm>> -> memref<32xf32, #tpu.memory_space<hbm>>
        %dma_wait3A_359 = arith.constant 0 : i32
        %dma_wait3A_360 = tpu.memref_slice %arg6[%dma_wait3A_359] : memref<16416xf32, #tpu.memory_space<vmem>> -> memref<32xf32, #tpu.memory_space<vmem>>
        %dma_wait3A_361 = tpu.memref_slice %arg2[%sub3A_349] : memref<262144xf32, #tpu.memory_space<hbm>> -> memref<32xf32, #tpu.memory_space<hbm>>
        tpu.wait_dma2 semaphore(%run_scoped3A : memref<!tpu.dma_semaphore, #tpu.memory_space<semaphore_mem>>) src(%dma_wait3A_361 : memref<32xf32, #tpu.memory_space<hbm>>) dst(%dma_wait3A_360 : memref<32xf32, #tpu.memory_space<vmem>>)
        tpu.yield
      }) : () -> ()
    } else {
    }
    %swap3A = arith.constant 0 : i32
    %swap3A_11 = arith.constant 0 : i32
    %swap3A_12 = arith.index_cast %swap3A_11 : i32 to index
    %swap3A_13 = memref.load %arg13[%swap3A_12] : memref<16xi32, #tpu.memory_space<smem>>
    memref.store %swap3A, %arg13[%swap3A_12] : memref<16xi32, #tpu.memory_space<smem>>
    %swap3A_14 = arith.constant 0 : i32
    %swap3A_15 = arith.constant 1 : i32
    %swap3A_16 = arith.index_cast %swap3A_15 : i32 to index
    %swap3A_17 = memref.load %arg13[%swap3A_16] : memref<16xi32, #tpu.memory_space<smem>>
    memref.store %swap3A_14, %arg13[%swap3A_16] : memref<16xi32, #tpu.memory_space<smem>>
    %swap3A_18 = arith.constant 0 : i32
    %swap3A_19 = arith.constant 2 : i32
    %swap3A_20 = arith.index_cast %swap3A_19 : i32 to index
    %swap3A_21 = memref.load %arg13[%swap3A_20] : memref<16xi32, #tpu.memory_space<smem>>
    memref.store %swap3A_18, %arg13[%swap3A_20] : memref<16xi32, #tpu.memory_space<smem>>
    %swap3A_22 = arith.constant 0 : i32
    %swap3A_23 = arith.constant 3 : i32
    %swap3A_24 = arith.index_cast %swap3A_23 : i32 to index
    %swap3A_25 = memref.load %arg13[%swap3A_24] : memref<16xi32, #tpu.memory_space<smem>>
    memref.store %swap3A_22, %arg13[%swap3A_24] : memref<16xi32, #tpu.memory_space<smem>>
    %swap3A_26 = arith.constant 0 : i32
    %swap3A_27 = arith.constant 4 : i32
    %swap3A_28 = arith.index_cast %swap3A_27 : i32 to index
    %swap3A_29 = memref.load %arg13[%swap3A_28] : memref<16xi32, #tpu.memory_space<smem>>
    memref.store %swap3A_26, %arg13[%swap3A_28] : memref<16xi32, #tpu.memory_space<smem>>
    %swap3A_30 = arith.constant 0 : i32
    %swap3A_31 = arith.constant 5 : i32
    %swap3A_32 = arith.index_cast %swap3A_31 : i32 to index
    %swap3A_33 = memref.load %arg13[%swap3A_32] : memref<16xi32, #tpu.memory_space<smem>>
    memref.store %swap3A_30, %arg13[%swap3A_32] : memref<16xi32, #tpu.memory_space<smem>>
    %swap3A_34 = arith.constant 0 : i32
    %swap3A_35 = arith.constant 6 : i32
    %swap3A_36 = arith.index_cast %swap3A_35 : i32 to index
    %swap3A_37 = memref.load %arg13[%swap3A_36] : memref<16xi32, #tpu.memory_space<smem>>
    memref.store %swap3A_34, %arg13[%swap3A_36] : memref<16xi32, #tpu.memory_space<smem>>
    %swap3A_38 = arith.constant 0 : i32
    %swap3A_39 = arith.constant 7 : i32
    %swap3A_40 = arith.index_cast %swap3A_39 : i32 to index
    %swap3A_41 = memref.load %arg13[%swap3A_40] : memref<16xi32, #tpu.memory_space<smem>>
    memref.store %swap3A_38, %arg13[%swap3A_40] : memref<16xi32, #tpu.memory_space<smem>>
    %swap3A_42 = arith.constant 0 : i32
    %swap3A_43 = arith.constant 8 : i32
    %swap3A_44 = arith.index_cast %swap3A_43 : i32 to index
    %swap3A_45 = memref.load %arg13[%swap3A_44] : memref<16xi32, #tpu.memory_space<smem>>
    memref.store %swap3A_42, %arg13[%swap3A_44] : memref<16xi32, #tpu.memory_space<smem>>
    %swap3A_46 = arith.constant 0 : i32
    %swap3A_47 = arith.constant 9 : i32
    %swap3A_48 = arith.index_cast %swap3A_47 : i32 to index
    %swap3A_49 = memref.load %arg13[%swap3A_48] : memref<16xi32, #tpu.memory_space<smem>>
    memref.store %swap3A_46, %arg13[%swap3A_48] : memref<16xi32, #tpu.memory_space<smem>>
    %swap3A_50 = arith.constant 0 : i32
    %swap3A_51 = arith.constant 10 : i32
    %swap3A_52 = arith.index_cast %swap3A_51 : i32 to index
    %swap3A_53 = memref.load %arg13[%swap3A_52] : memref<16xi32, #tpu.memory_space<smem>>
    memref.store %swap3A_50, %arg13[%swap3A_52] : memref<16xi32, #tpu.memory_space<smem>>
    %swap3A_54 = arith.constant 0 : i32
    %swap3A_55 = arith.constant 11 : i32
    %swap3A_56 = arith.index_cast %swap3A_55 : i32 to index
    %swap3A_57 = memref.load %arg13[%swap3A_56] : memref<16xi32, #tpu.memory_space<smem>>
    memref.store %swap3A_54, %arg13[%swap3A_56] : memref<16xi32, #tpu.memory_space<smem>>
    %swap3A_58 = arith.constant 0 : i32
    %swap3A_59 = arith.constant 12 : i32
    %swap3A_60 = arith.index_cast %swap3A_59 : i32 to index
    %swap3A_61 = memref.load %arg13[%swap3A_60] : memref<16xi32, #tpu.memory_space<smem>>
    memref.store %swap3A_58, %arg13[%swap3A_60] : memref<16xi32, #tpu.memory_space<smem>>
    %swap3A_62 = arith.constant 0 : i32
    %swap3A_63 = arith.constant 13 : i32
    %swap3A_64 = arith.index_cast %swap3A_63 : i32 to index
    %swap3A_65 = memref.load %arg13[%swap3A_64] : memref<16xi32, #tpu.memory_space<smem>>
    memref.store %swap3A_62, %arg13[%swap3A_64] : memref<16xi32, #tpu.memory_space<smem>>
    %swap3A_66 = arith.constant 0 : i32
    %swap3A_67 = arith.constant 14 : i32
    %swap3A_68 = arith.index_cast %swap3A_67 : i32 to index
    %swap3A_69 = memref.load %arg13[%swap3A_68] : memref<16xi32, #tpu.memory_space<smem>>
    memref.store %swap3A_66, %arg13[%swap3A_68] : memref<16xi32, #tpu.memory_space<smem>>
    %swap3A_70 = arith.constant 0 : i32
    %swap3A_71 = arith.constant 15 : i32
    %swap3A_72 = arith.index_cast %swap3A_71 : i32 to index
    %swap3A_73 = memref.load %arg13[%swap3A_72] : memref<16xi32, #tpu.memory_space<smem>>
    memref.store %swap3A_70, %arg13[%swap3A_72] : memref<16xi32, #tpu.memory_space<smem>>
    %barrier3A = arith.constant 0 : index
    tpu.barrier barrier_id(%barrier3A)
    %dma_wait3A = arith.constant 32 : i32
    %dma_wait3A_74 = tpu.memref_slice %arg6[%dma_wait3A] : memref<16416xf32, #tpu.memory_space<vmem>> -> memref<16384xf32, #tpu.memory_space<vmem>>
    %dma_wait3A_75 = tpu.memref_slice %arg2[%mul3A_3] : memref<262144xf32, #tpu.memory_space<hbm>> -> memref<16384xf32, #tpu.memory_space<hbm>>
    %dma_wait3A_76 = arith.constant 32 : i32
    %dma_wait3A_77 = tpu.memref_slice %arg6[%dma_wait3A_76] : memref<16416xf32, #tpu.memory_space<vmem>> -> memref<16384xf32, #tpu.memory_space<vmem>>
    %dma_wait3A_78 = tpu.memref_slice %arg2[%mul3A_3] : memref<262144xf32, #tpu.memory_space<hbm>> -> memref<16384xf32, #tpu.memory_space<hbm>>
    tpu.wait_dma2 semaphore(%arg14 : memref<!tpu.dma_semaphore, #tpu.memory_space<semaphore_mem>>) src(%dma_wait3A_78 : memref<16384xf32, #tpu.memory_space<hbm>>) dst(%dma_wait3A_77 : memref<16384xf32, #tpu.memory_space<vmem>>)
    %get3A = arith.constant 0 : index
    %get3A_79 = tpu.vector_load %arg6[%get3A] {strides = array<i32>} : memref<16416xf32, #tpu.memory_space<vmem>>, vector<16xf32>,
    %get3A_80 = arith.constant 16 : index
    %get3A_81 = tpu.vector_load %arg6[%get3A_80] {strides = array<i32>} : memref<16416xf32, #tpu.memory_space<vmem>>, vector<16xf32>,
    %max3A = arith.maximumf %get3A_79, %get3A_81 : vector<16xf32>
    %reduce_max3A = arith.constant true
    %reduce_max3A_82 = vector.broadcast %reduce_max3A : i1 to vector<16xi1>
    %reduce_max3A_83 = tpu.scan <max>, %max3A masked %reduce_max3A_82 : vector<16xf32>, vector<16xi1> -> vector<16xf32>
    %reduce_max3A_84 = vector.extract %reduce_max3A_83[15] : f32 from vector<16xf32>
    %eq3A = vector.broadcast %reduce_max3A_84 : f32 to vector<16xf32>
    %eq3A_85 = arith.cmpf oeq, %get3A_79, %eq3A : vector<16xf32>
    %jit3A = arith.constant 64 : i32
    %broadcast_in_dim3A = vector.broadcast %jit3A : i32 to vector<16xi32>
    %select_n3A = arith.select %eq3A_85, %iota3A, %broadcast_in_dim3A : vector<16xi1>, vector<16xi32>
    %eq3A_86 = vector.broadcast %reduce_max3A_84 : f32 to vector<16xf32>
    %eq3A_87 = arith.cmpf oeq, %get3A_81, %eq3A_86 : vector<16xf32>
    %add3A = arith.constant 16 : i32
    %add3A_88 = vector.broadcast %add3A : i32 to vector<16xi32>
    %add3A_89 = arith.addi %iota3A, %add3A_88 : vector<16xi32>
    %jit3A_90 = arith.constant 64 : i32
    %broadcast_in_dim3A_91 = vector.broadcast %jit3A_90 : i32 to vector<16xi32>
    %select_n3A_92 = arith.select %eq3A_87, %add3A_89, %broadcast_in_dim3A_91 : vector<16xi1>, vector<16xi32>
    %min3A = arith.minsi %select_n3A, %select_n3A_92 : vector<16xi32>
    %reduce_min3A = arith.constant true
    %reduce_min3A_93 = vector.broadcast %reduce_min3A : i1 to vector<16xi1>
    %reduce_min3A_94 = arith.constant -2147483648 : i32
    %reduce_min3A_95 = vector.broadcast %reduce_min3A_94 : i32 to vector<16xi32>
    %reduce_min3A_96 = arith.xori %min3A, %reduce_min3A_95 : vector<16xi32>
    %reduce_min3A_97 = tpu.scan <min>, %reduce_min3A_96 masked %reduce_min3A_93 : vector<16xi32>, vector<16xi1> -> vector<16xi32>
    %reduce_min3A_98 = arith.xori %reduce_min3A_97, %reduce_min3A_95 : vector<16xi32>
    %reduce_min3A_99 = vector.extract %reduce_min3A_98[15] : i32 from vector<16xi32>
    %eq3A_100 = arith.constant 0 : i32
    %eq3A_101 = arith.cmpi eq, %arg1, %eq3A_100 : i32
    %jit3A_102 = arith.constant -1 : i32
    %select_n3A_103 = arith.select %eq3A_101, %jit3A_102, %reduce_min3A_99 : i32
    %broadcast_in_dim3A_104 = vector.broadcast %select_n3A_103 : i32 to vector<16xi32>
    %swap3A_105 = arith.constant 0 : index
    %swap3A_106 = tpu.vector_load %arg7[%swap3A_105] {strides = array<i32>} : memref<528xi32, #tpu.memory_space<vmem>>, vector<16xi32>,
    tpu.vector_store %arg7[%swap3A_105], %broadcast_in_dim3A_104 {strides = array<i32>} : memref<528xi32, #tpu.memory_space<vmem>>, vector<16xi32>,
    %parallel_loop3A = arith.constant 0 : i32
    %parallel_loop3A_107 = arith.constant 32 : i32
    %parallel_loop3A_108 = arith.constant 1 : i32
    scf.for %parallel_loop3A_348 = %parallel_loop3A to %parallel_loop3A_107 step %parallel_loop3A_108  : i32 {
      %parallel_loop3A_349 = arith.constant 512 : i32
      %parallel_loop3A_350 = arith.muli %parallel_loop3A_348, %parallel_loop3A_349 : i32
      %parallel_loop3A_351 = arith.constant 32 : i32
      %parallel_loop3A_352 = arith.addi %parallel_loop3A_350, %parallel_loop3A_351 : i32
      %parallel_loop3A_353 = vector.broadcast %parallel_loop3A_352 : i32 to vector<16xi32>
      %parallel_loop3A_354 = arith.addi %mul3A_1, %parallel_loop3A_353 : vector<16xi32>
      %parallel_loop3A_355 = arith.addi %parallel_loop3A_354, %iota3A : vector<16xi32>
      %parallel_loop3A_356 = tpu.vector_load_idx %arg6[%parallel_loop3A_355] : memref<16416xf32, #tpu.memory_space<vmem>>[vector<16xi32>], vector<16xf32>,
      %parallel_loop3A_357 = arith.constant 1 : i32
      %parallel_loop3A_358 = vector.broadcast %parallel_loop3A_357 : i32 to vector<16xi32>
      %parallel_loop3A_359 = arith.addi %iota3A, %parallel_loop3A_358 : vector<16xi32>
      %parallel_loop3A_360 = arith.constant 31 : i32
      %parallel_loop3A_361 = vector.broadcast %parallel_loop3A_360 : i32 to vector<16xi32>
      %parallel_loop3A_362 = arith.andi %parallel_loop3A_359, %parallel_loop3A_361 : vector<16xi32>
      %parallel_loop3A_363 = arith.addi %parallel_loop3A_354, %parallel_loop3A_362 : vector<16xi32>
      %parallel_loop3A_364 = tpu.vector_load_idx %arg6[%parallel_loop3A_363] : memref<16416xf32, #tpu.memory_space<vmem>>[vector<16xi32>], vector<16xf32>,
      %parallel_loop3A_365 = arith.cmpf ogt, %parallel_loop3A_364, %parallel_loop3A_356 : vector<16xf32>
      %parallel_loop3A_366 = arith.cmpf oeq, %parallel_loop3A_364, %parallel_loop3A_356 : vector<16xf32>
      %parallel_loop3A_367 = arith.cmpi slt, %parallel_loop3A_362, %iota3A : vector<16xi32>
      %parallel_loop3A_368 = arith.andi %parallel_loop3A_366, %parallel_loop3A_367 : vector<16xi1>
      %parallel_loop3A_369 = arith.ori %parallel_loop3A_365, %parallel_loop3A_368 : vector<16xi1>
      %parallel_loop3A_370 = arith.select %parallel_loop3A_369, %parallel_loop3A_364, %parallel_loop3A_356 : vector<16xi1>, vector<16xf32>
      %parallel_loop3A_371 = arith.select %parallel_loop3A_369, %parallel_loop3A_362, %iota3A : vector<16xi1>, vector<16xi32>
      %parallel_loop3A_372 = arith.constant 1 : i32
      %parallel_loop3A_373 = vector.broadcast %parallel_loop3A_372 : i32 to vector<16xi32>
      %parallel_loop3A_374 = arith.addi %parallel_loop3A_362, %parallel_loop3A_373 : vector<16xi32>
      %parallel_loop3A_375 = arith.constant 31 : i32
      %parallel_loop3A_376 = vector.broadcast %parallel_loop3A_375 : i32 to vector<16xi32>
      %parallel_loop3A_377 = arith.andi %parallel_loop3A_374, %parallel_loop3A_376 : vector<16xi32>
      %parallel_loop3A_378 = arith.addi %parallel_loop3A_354, %parallel_loop3A_377 : vector<16xi32>
      %parallel_loop3A_379 = tpu.vector_load_idx %arg6[%parallel_loop3A_378] : memref<16416xf32, #tpu.memory_space<vmem>>[vector<16xi32>], vector<16xf32>,
      %parallel_loop3A_380 = arith.cmpf ogt, %parallel_loop3A_379, %parallel_loop3A_370 : vector<16xf32>
      %parallel_loop3A_381 = arith.cmpf oeq, %parallel_loop3A_379, %parallel_loop3A_370 : vector<16xf32>
      %parallel_loop3A_382 = arith.cmpi slt, %parallel_loop3A_377, %parallel_loop3A_371 : vector<16xi32>
      %parallel_loop3A_383 = arith.andi %parallel_loop3A_381, %parallel_loop3A_382 : vector<16xi1>
      %parallel_loop3A_384 = arith.ori %parallel_loop3A_380, %parallel_loop3A_383 : vector<16xi1>
      %parallel_loop3A_385 = arith.select %parallel_loop3A_384, %parallel_loop3A_379, %parallel_loop3A_370 : vector<16xi1>, vector<16xf32>
      %parallel_loop3A_386 = arith.select %parallel_loop3A_384, %parallel_loop3A_377, %parallel_loop3A_371 : vector<16xi1>, vector<16xi32>
      %parallel_loop3A_387 = arith.constant 1 : i32
      %parallel_loop3A_388 = vector.broadcast %parallel_loop3A_387 : i32 to vector<16xi32>
      %parallel_loop3A_389 = arith.addi %parallel_loop3A_377, %parallel_loop3A_388 : vector<16xi32>
      %parallel_loop3A_390 = arith.constant 31 : i32
      %parallel_loop3A_391 = vector.broadcast %parallel_loop3A_390 : i32 to vector<16xi32>
      %parallel_loop3A_392 = arith.andi %parallel_loop3A_389, %parallel_loop3A_391 : vector<16xi32>
      %parallel_loop3A_393 = arith.addi %parallel_loop3A_354, %parallel_loop3A_392 : vector<16xi32>
      %parallel_loop3A_394 = tpu.vector_load_idx %arg6[%parallel_loop3A_393] : memref<16416xf32, #tpu.memory_space<vmem>>[vector<16xi32>], vector<16xf32>,
      %parallel_loop3A_395 = arith.cmpf ogt, %parallel_loop3A_394, %parallel_loop3A_385 : vector<16xf32>
      %parallel_loop3A_396 = arith.cmpf oeq, %parallel_loop3A_394, %parallel_loop3A_385 : vector<16xf32>
      %parallel_loop3A_397 = arith.cmpi slt, %parallel_loop3A_392, %parallel_loop3A_386 : vector<16xi32>
      %parallel_loop3A_398 = arith.andi %parallel_loop3A_396, %parallel_loop3A_397 : vector<16xi1>
      %parallel_loop3A_399 = arith.ori %parallel_loop3A_395, %parallel_loop3A_398 : vector<16xi1>
      %parallel_loop3A_400 = arith.select %parallel_loop3A_399, %parallel_loop3A_394, %parallel_loop3A_385 : vector<16xi1>, vector<16xf32>
      %parallel_loop3A_401 = arith.select %parallel_loop3A_399, %parallel_loop3A_392, %parallel_loop3A_386 : vector<16xi1>, vector<16xi32>
      %parallel_loop3A_402 = arith.constant 1 : i32
      %parallel_loop3A_403 = vector.broadcast %parallel_loop3A_402 : i32 to vector<16xi32>
      %parallel_loop3A_404 = arith.addi %parallel_loop3A_392, %parallel_loop3A_403 : vector<16xi32>
      %parallel_loop3A_405 = arith.constant 31 : i32
      %parallel_loop3A_406 = vector.broadcast %parallel_loop3A_405 : i32 to vector<16xi32>
      %parallel_loop3A_407 = arith.andi %parallel_loop3A_404, %parallel_loop3A_406 : vector<16xi32>
      %parallel_loop3A_408 = arith.addi %parallel_loop3A_354, %parallel_loop3A_407 : vector<16xi32>
      %parallel_loop3A_409 = tpu.vector_load_idx %arg6[%parallel_loop3A_408] : memref<16416xf32, #tpu.memory_space<vmem>>[vector<16xi32>], vector<16xf32>,
      %parallel_loop3A_410 = arith.cmpf ogt, %parallel_loop3A_409, %parallel_loop3A_400 : vector<16xf32>
      %parallel_loop3A_411 = arith.cmpf oeq, %parallel_loop3A_409, %parallel_loop3A_400 : vector<16xf32>
      %parallel_loop3A_412 = arith.cmpi slt, %parallel_loop3A_407, %parallel_loop3A_401 : vector<16xi32>
      %parallel_loop3A_413 = arith.andi %parallel_loop3A_411, %parallel_loop3A_412 : vector<16xi1>
      %parallel_loop3A_414 = arith.ori %parallel_loop3A_410, %parallel_loop3A_413 : vector<16xi1>
      %parallel_loop3A_415 = arith.select %parallel_loop3A_414, %parallel_loop3A_409, %parallel_loop3A_400 : vector<16xi1>, vector<16xf32>
      %parallel_loop3A_416 = arith.select %parallel_loop3A_414, %parallel_loop3A_407, %parallel_loop3A_401 : vector<16xi1>, vector<16xi32>
      %parallel_loop3A_417 = arith.constant 1 : i32
      %parallel_loop3A_418 = vector.broadcast %parallel_loop3A_417 : i32 to vector<16xi32>
      %parallel_loop3A_419 = arith.addi %parallel_loop3A_407, %parallel_loop3A_418 : vector<16xi32>
      %parallel_loop3A_420 = arith.constant 31 : i32
      %parallel_loop3A_421 = vector.broadcast %parallel_loop3A_420 : i32 to vector<16xi32>
      %parallel_loop3A_422 = arith.andi %parallel_loop3A_419, %parallel_loop3A_421 : vector<16xi32>
      %parallel_loop3A_423 = arith.addi %parallel_loop3A_354, %parallel_loop3A_422 : vector<16xi32>
      %parallel_loop3A_424 = tpu.vector_load_idx %arg6[%parallel_loop3A_423] : memref<16416xf32, #tpu.memory_space<vmem>>[vector<16xi32>], vector<16xf32>,
      %parallel_loop3A_425 = arith.cmpf ogt, %parallel_loop3A_424, %parallel_loop3A_415 : vector<16xf32>
      %parallel_loop3A_426 = arith.cmpf oeq, %parallel_loop3A_424, %parallel_loop3A_415 : vector<16xf32>
      %parallel_loop3A_427 = arith.cmpi slt, %parallel_loop3A_422, %parallel_loop3A_416 : vector<16xi32>
      %parallel_loop3A_428 = arith.andi %parallel_loop3A_426, %parallel_loop3A_427 : vector<16xi1>
      %parallel_loop3A_429 = arith.ori %parallel_loop3A_425, %parallel_loop3A_428 : vector<16xi1>
      %parallel_loop3A_430 = arith.select %parallel_loop3A_429, %parallel_loop3A_424, %parallel_loop3A_415 : vector<16xi1>, vector<16xf32>
      %parallel_loop3A_431 = arith.select %parallel_loop3A_429, %parallel_loop3A_422, %parallel_loop3A_416 : vector<16xi1>, vector<16xi32>
      %parallel_loop3A_432 = arith.constant 1 : i32
      %parallel_loop3A_433 = vector.broadcast %parallel_loop3A_432 : i32 to vector<16xi32>
      %parallel_loop3A_434 = arith.addi %parallel_loop3A_422, %parallel_loop3A_433 : vector<16xi32>
      %parallel_loop3A_435 = arith.constant 31 : i32
      %parallel_loop3A_436 = vector.broadcast %parallel_loop3A_435 : i32 to vector<16xi32>
      %parallel_loop3A_437 = arith.andi %parallel_loop3A_434, %parallel_loop3A_436 : vector<16xi32>
      %parallel_loop3A_438 = arith.addi %parallel_loop3A_354, %parallel_loop3A_437 : vector<16xi32>
      %parallel_loop3A_439 = tpu.vector_load_idx %arg6[%parallel_loop3A_438] : memref<16416xf32, #tpu.memory_space<vmem>>[vector<16xi32>], vector<16xf32>,
      %parallel_loop3A_440 = arith.cmpf ogt, %parallel_loop3A_439, %parallel_loop3A_430 : vector<16xf32>
      %parallel_loop3A_441 = arith.cmpf oeq, %parallel_loop3A_439, %parallel_loop3A_430 : vector<16xf32>
      %parallel_loop3A_442 = arith.cmpi slt, %parallel_loop3A_437, %parallel_loop3A_431 : vector<16xi32>
      %parallel_loop3A_443 = arith.andi %parallel_loop3A_441, %parallel_loop3A_442 : vector<16xi1>
      %parallel_loop3A_444 = arith.ori %parallel_loop3A_440, %parallel_loop3A_443 : vector<16xi1>
      %parallel_loop3A_445 = arith.select %parallel_loop3A_444, %parallel_loop3A_439, %parallel_loop3A_430 : vector<16xi1>, vector<16xf32>
      %parallel_loop3A_446 = arith.select %parallel_loop3A_444, %parallel_loop3A_437, %parallel_loop3A_431 : vector<16xi1>, vector<16xi32>
      %parallel_loop3A_447 = arith.constant 1 : i32
      %parallel_loop3A_448 = vector.broadcast %parallel_loop3A_447 : i32 to vector<16xi32>
      %parallel_loop3A_449 = arith.addi %parallel_loop3A_437, %parallel_loop3A_448 : vector<16xi32>
      %parallel_loop3A_450 = arith.constant 31 : i32
      %parallel_loop3A_451 = vector.broadcast %parallel_loop3A_450 : i32 to vector<16xi32>
      %parallel_loop3A_452 = arith.andi %parallel_loop3A_449, %parallel_loop3A_451 : vector<16xi32>
      %parallel_loop3A_453 = arith.addi %parallel_loop3A_354, %parallel_loop3A_452 : vector<16xi32>
      %parallel_loop3A_454 = tpu.vector_load_idx %arg6[%parallel_loop3A_453] : memref<16416xf32, #tpu.memory_space<vmem>>[vector<16xi32>], vector<16xf32>,
      %parallel_loop3A_455 = arith.cmpf ogt, %parallel_loop3A_454, %parallel_loop3A_445 : vector<16xf32>
      %parallel_loop3A_456 = arith.cmpf oeq, %parallel_loop3A_454, %parallel_loop3A_445 : vector<16xf32>
      %parallel_loop3A_457 = arith.cmpi slt, %parallel_loop3A_452, %parallel_loop3A_446 : vector<16xi32>
      %parallel_loop3A_458 = arith.andi %parallel_loop3A_456, %parallel_loop3A_457 : vector<16xi1>
      %parallel_loop3A_459 = arith.ori %parallel_loop3A_455, %parallel_loop3A_458 : vector<16xi1>
      %parallel_loop3A_460 = arith.select %parallel_loop3A_459, %parallel_loop3A_454, %parallel_loop3A_445 : vector<16xi1>, vector<16xf32>
      %parallel_loop3A_461 = arith.select %parallel_loop3A_459, %parallel_loop3A_452, %parallel_loop3A_446 : vector<16xi1>, vector<16xi32>
      %parallel_loop3A_462 = arith.constant 1 : i32
      %parallel_loop3A_463 = vector.broadcast %parallel_loop3A_462 : i32 to vector<16xi32>
      %parallel_loop3A_464 = arith.addi %parallel_loop3A_452, %parallel_loop3A_463 : vector<16xi32>
      %parallel_loop3A_465 = arith.constant 31 : i32
      %parallel_loop3A_466 = vector.broadcast %parallel_loop3A_465 : i32 to vector<16xi32>
      %parallel_loop3A_467 = arith.andi %parallel_loop3A_464, %parallel_loop3A_466 : vector<16xi32>
      %parallel_loop3A_468 = arith.addi %parallel_loop3A_354, %parallel_loop3A_467 : vector<16xi32>
      %parallel_loop3A_469 = tpu.vector_load_idx %arg6[%parallel_loop3A_468] : memref<16416xf32, #tpu.memory_space<vmem>>[vector<16xi32>], vector<16xf32>,
      %parallel_loop3A_470 = arith.cmpf ogt, %parallel_loop3A_469, %parallel_loop3A_460 : vector<16xf32>
      %parallel_loop3A_471 = arith.cmpf oeq, %parallel_loop3A_469, %parallel_loop3A_460 : vector<16xf32>
      %parallel_loop3A_472 = arith.cmpi slt, %parallel_loop3A_467, %parallel_loop3A_461 : vector<16xi32>
      %parallel_loop3A_473 = arith.andi %parallel_loop3A_471, %parallel_loop3A_472 : vector<16xi1>
      %parallel_loop3A_474 = arith.ori %parallel_loop3A_470, %parallel_loop3A_473 : vector<16xi1>
      %parallel_loop3A_475 = arith.select %parallel_loop3A_474, %parallel_loop3A_469, %parallel_loop3A_460 : vector<16xi1>, vector<16xf32>
      %parallel_loop3A_476 = arith.select %parallel_loop3A_474, %parallel_loop3A_467, %parallel_loop3A_461 : vector<16xi1>, vector<16xi32>
      %parallel_loop3A_477 = arith.constant 1 : i32
      %parallel_loop3A_478 = vector.broadcast %parallel_loop3A_477 : i32 to vector<16xi32>
      %parallel_loop3A_479 = arith.addi %parallel_loop3A_467, %parallel_loop3A_478 : vector<16xi32>
      %parallel_loop3A_480 = arith.constant 31 : i32
      %parallel_loop3A_481 = vector.broadcast %parallel_loop3A_480 : i32 to vector<16xi32>
      %parallel_loop3A_482 = arith.andi %parallel_loop3A_479, %parallel_loop3A_481 : vector<16xi32>
      %parallel_loop3A_483 = arith.addi %parallel_loop3A_354, %parallel_loop3A_482 : vector<16xi32>
      %parallel_loop3A_484 = tpu.vector_load_idx %arg6[%parallel_loop3A_483] : memref<16416xf32, #tpu.memory_space<vmem>>[vector<16xi32>], vector<16xf32>,
      %parallel_loop3A_485 = arith.cmpf ogt, %parallel_loop3A_484, %parallel_loop3A_475 : vector<16xf32>
      %parallel_loop3A_486 = arith.cmpf oeq, %parallel_loop3A_484, %parallel_loop3A_475 : vector<16xf32>
      %parallel_loop3A_487 = arith.cmpi slt, %parallel_loop3A_482, %parallel_loop3A_476 : vector<16xi32>
      %parallel_loop3A_488 = arith.andi %parallel_loop3A_486, %parallel_loop3A_487 : vector<16xi1>
      %parallel_loop3A_489 = arith.ori %parallel_loop3A_485, %parallel_loop3A_488 : vector<16xi1>
      %parallel_loop3A_490 = arith.select %parallel_loop3A_489, %parallel_loop3A_484, %parallel_loop3A_475 : vector<16xi1>, vector<16xf32>
      %parallel_loop3A_491 = arith.select %parallel_loop3A_489, %parallel_loop3A_482, %parallel_loop3A_476 : vector<16xi1>, vector<16xi32>
      %parallel_loop3A_492 = arith.constant 1 : i32
      %parallel_loop3A_493 = vector.broadcast %parallel_loop3A_492 : i32 to vector<16xi32>
      %parallel_loop3A_494 = arith.addi %parallel_loop3A_482, %parallel_loop3A_493 : vector<16xi32>
      %parallel_loop3A_495 = arith.constant 31 : i32
      %parallel_loop3A_496 = vector.broadcast %parallel_loop3A_495 : i32 to vector<16xi32>
      %parallel_loop3A_497 = arith.andi %parallel_loop3A_494, %parallel_loop3A_496 : vector<16xi32>
      %parallel_loop3A_498 = arith.addi %parallel_loop3A_354, %parallel_loop3A_497 : vector<16xi32>
      %parallel_loop3A_499 = tpu.vector_load_idx %arg6[%parallel_loop3A_498] : memref<16416xf32, #tpu.memory_space<vmem>>[vector<16xi32>], vector<16xf32>,
      %parallel_loop3A_500 = arith.cmpf ogt, %parallel_loop3A_499, %parallel_loop3A_490 : vector<16xf32>
      %parallel_loop3A_501 = arith.cmpf oeq, %parallel_loop3A_499, %parallel_loop3A_490 : vector<16xf32>
      %parallel_loop3A_502 = arith.cmpi slt, %parallel_loop3A_497, %parallel_loop3A_491 : vector<16xi32>
      %parallel_loop3A_503 = arith.andi %parallel_loop3A_501, %parallel_loop3A_502 : vector<16xi1>
      %parallel_loop3A_504 = arith.ori %parallel_loop3A_500, %parallel_loop3A_503 : vector<16xi1>
      %parallel_loop3A_505 = arith.select %parallel_loop3A_504, %parallel_loop3A_499, %parallel_loop3A_490 : vector<16xi1>, vector<16xf32>
      %parallel_loop3A_506 = arith.select %parallel_loop3A_504, %parallel_loop3A_497, %parallel_loop3A_491 : vector<16xi1>, vector<16xi32>
      %parallel_loop3A_507 = arith.constant 1 : i32
      %parallel_loop3A_508 = vector.broadcast %parallel_loop3A_507 : i32 to vector<16xi32>
      %parallel_loop3A_509 = arith.addi %parallel_loop3A_497, %parallel_loop3A_508 : vector<16xi32>
      %parallel_loop3A_510 = arith.constant 31 : i32
      %parallel_loop3A_511 = vector.broadcast %parallel_loop3A_510 : i32 to vector<16xi32>
      %parallel_loop3A_512 = arith.andi %parallel_loop3A_509, %parallel_loop3A_511 : vector<16xi32>
      %parallel_loop3A_513 = arith.addi %parallel_loop3A_354, %parallel_loop3A_512 : vector<16xi32>
      %parallel_loop3A_514 = tpu.vector_load_idx %arg6[%parallel_loop3A_513] : memref<16416xf32, #tpu.memory_space<vmem>>[vector<16xi32>], vector<16xf32>,
      %parallel_loop3A_515 = arith.cmpf ogt, %parallel_loop3A_514, %parallel_loop3A_505 : vector<16xf32>
      %parallel_loop3A_516 = arith.cmpf oeq, %parallel_loop3A_514, %parallel_loop3A_505 : vector<16xf32>
      %parallel_loop3A_517 = arith.cmpi slt, %parallel_loop3A_512, %parallel_loop3A_506 : vector<16xi32>
      %parallel_loop3A_518 = arith.andi %parallel_loop3A_516, %parallel_loop3A_517 : vector<16xi1>
      %parallel_loop3A_519 = arith.ori %parallel_loop3A_515, %parallel_loop3A_518 : vector<16xi1>
      %parallel_loop3A_520 = arith.select %parallel_loop3A_519, %parallel_loop3A_514, %parallel_loop3A_505 : vector<16xi1>, vector<16xf32>
      %parallel_loop3A_521 = arith.select %parallel_loop3A_519, %parallel_loop3A_512, %parallel_loop3A_506 : vector<16xi1>, vector<16xi32>
      %parallel_loop3A_522 = arith.constant 1 : i32
      %parallel_loop3A_523 = vector.broadcast %parallel_loop3A_522 : i32 to vector<16xi32>
      %parallel_loop3A_524 = arith.addi %parallel_loop3A_512, %parallel_loop3A_523 : vector<16xi32>
      %parallel_loop3A_525 = arith.constant 31 : i32
      %parallel_loop3A_526 = vector.broadcast %parallel_loop3A_525 : i32 to vector<16xi32>
      %parallel_loop3A_527 = arith.andi %parallel_loop3A_524, %parallel_loop3A_526 : vector<16xi32>
      %parallel_loop3A_528 = arith.addi %parallel_loop3A_354, %parallel_loop3A_527 : vector<16xi32>
      %parallel_loop3A_529 = tpu.vector_load_idx %arg6[%parallel_loop3A_528] : memref<16416xf32, #tpu.memory_space<vmem>>[vector<16xi32>], vector<16xf32>,
      %parallel_loop3A_530 = arith.cmpf ogt, %parallel_loop3A_529, %parallel_loop3A_520 : vector<16xf32>
      %parallel_loop3A_531 = arith.cmpf oeq, %parallel_loop3A_529, %parallel_loop3A_520 : vector<16xf32>
      %parallel_loop3A_532 = arith.cmpi slt, %parallel_loop3A_527, %parallel_loop3A_521 : vector<16xi32>
      %parallel_loop3A_533 = arith.andi %parallel_loop3A_531, %parallel_loop3A_532 : vector<16xi1>
      %parallel_loop3A_534 = arith.ori %parallel_loop3A_530, %parallel_loop3A_533 : vector<16xi1>
      %parallel_loop3A_535 = arith.select %parallel_loop3A_534, %parallel_loop3A_529, %parallel_loop3A_520 : vector<16xi1>, vector<16xf32>
      %parallel_loop3A_536 = arith.select %parallel_loop3A_534, %parallel_loop3A_527, %parallel_loop3A_521 : vector<16xi1>, vector<16xi32>
      %parallel_loop3A_537 = arith.constant 1 : i32
      %parallel_loop3A_538 = vector.broadcast %parallel_loop3A_537 : i32 to vector<16xi32>
      %parallel_loop3A_539 = arith.addi %parallel_loop3A_527, %parallel_loop3A_538 : vector<16xi32>
      %parallel_loop3A_540 = arith.constant 31 : i32
      %parallel_loop3A_541 = vector.broadcast %parallel_loop3A_540 : i32 to vector<16xi32>
      %parallel_loop3A_542 = arith.andi %parallel_loop3A_539, %parallel_loop3A_541 : vector<16xi32>
      %parallel_loop3A_543 = arith.addi %parallel_loop3A_354, %parallel_loop3A_542 : vector<16xi32>
      %parallel_loop3A_544 = tpu.vector_load_idx %arg6[%parallel_loop3A_543] : memref<16416xf32, #tpu.memory_space<vmem>>[vector<16xi32>], vector<16xf32>,
      %parallel_loop3A_545 = arith.cmpf ogt, %parallel_loop3A_544, %parallel_loop3A_535 : vector<16xf32>
      %parallel_loop3A_546 = arith.cmpf oeq, %parallel_loop3A_544, %parallel_loop3A_535 : vector<16xf32>
      %parallel_loop3A_547 = arith.cmpi slt, %parallel_loop3A_542, %parallel_loop3A_536 : vector<16xi32>
      %parallel_loop3A_548 = arith.andi %parallel_loop3A_546, %parallel_loop3A_547 : vector<16xi1>
      %parallel_loop3A_549 = arith.ori %parallel_loop3A_545, %parallel_loop3A_548 : vector<16xi1>
      %parallel_loop3A_550 = arith.select %parallel_loop3A_549, %parallel_loop3A_544, %parallel_loop3A_535 : vector<16xi1>, vector<16xf32>
      %parallel_loop3A_551 = arith.select %parallel_loop3A_549, %parallel_loop3A_542, %parallel_loop3A_536 : vector<16xi1>, vector<16xi32>
      %parallel_loop3A_552 = arith.constant 1 : i32
      %parallel_loop3A_553 = vector.broadcast %parallel_loop3A_552 : i32 to vector<16xi32>
      %parallel_loop3A_554 = arith.addi %parallel_loop3A_542, %parallel_loop3A_553 : vector<16xi32>
      %parallel_loop3A_555 = arith.constant 31 : i32
      %parallel_loop3A_556 = vector.broadcast %parallel_loop3A_555 : i32 to vector<16xi32>
      %parallel_loop3A_557 = arith.andi %parallel_loop3A_554, %parallel_loop3A_556 : vector<16xi32>
      %parallel_loop3A_558 = arith.addi %parallel_loop3A_354, %parallel_loop3A_557 : vector<16xi32>
      %parallel_loop3A_559 = tpu.vector_load_idx %arg6[%parallel_loop3A_558] : memref<16416xf32, #tpu.memory_space<vmem>>[vector<16xi32>], vector<16xf32>,
      %parallel_loop3A_560 = arith.cmpf ogt, %parallel_loop3A_559, %parallel_loop3A_550 : vector<16xf32>
      %parallel_loop3A_561 = arith.cmpf oeq, %parallel_loop3A_559, %parallel_loop3A_550 : vector<16xf32>
      %parallel_loop3A_562 = arith.cmpi slt, %parallel_loop3A_557, %parallel_loop3A_551 : vector<16xi32>
      %parallel_loop3A_563 = arith.andi %parallel_loop3A_561, %parallel_loop3A_562 : vector<16xi1>
      %parallel_loop3A_564 = arith.ori %parallel_loop3A_560, %parallel_loop3A_563 : vector<16xi1>
      %parallel_loop3A_565 = arith.select %parallel_loop3A_564, %parallel_loop3A_559, %parallel_loop3A_550 : vector<16xi1>, vector<16xf32>
      %parallel_loop3A_566 = arith.select %parallel_loop3A_564, %parallel_loop3A_557, %parallel_loop3A_551 : vector<16xi1>, vector<16xi32>
      %parallel_loop3A_567 = arith.constant 1 : i32
      %parallel_loop3A_568 = vector.broadcast %parallel_loop3A_567 : i32 to vector<16xi32>
      %parallel_loop3A_569 = arith.addi %parallel_loop3A_557, %parallel_loop3A_568 : vector<16xi32>
      %parallel_loop3A_570 = arith.constant 31 : i32
      %parallel_loop3A_571 = vector.broadcast %parallel_loop3A_570 : i32 to vector<16xi32>
      %parallel_loop3A_572 = arith.andi %parallel_loop3A_569, %parallel_loop3A_571 : vector<16xi32>
      %parallel_loop3A_573 = arith.addi %parallel_loop3A_354, %parallel_loop3A_572 : vector<16xi32>
      %parallel_loop3A_574 = tpu.vector_load_idx %arg6[%parallel_loop3A_573] : memref<16416xf32, #tpu.memory_space<vmem>>[vector<16xi32>], vector<16xf32>,
      %parallel_loop3A_575 = arith.cmpf ogt, %parallel_loop3A_574, %parallel_loop3A_565 : vector<16xf32>
      %parallel_loop3A_576 = arith.cmpf oeq, %parallel_loop3A_574, %parallel_loop3A_565 : vector<16xf32>
      %parallel_loop3A_577 = arith.cmpi slt, %parallel_loop3A_572, %parallel_loop3A_566 : vector<16xi32>
      %parallel_loop3A_578 = arith.andi %parallel_loop3A_576, %parallel_loop3A_577 : vector<16xi1>
      %parallel_loop3A_579 = arith.ori %parallel_loop3A_575, %parallel_loop3A_578 : vector<16xi1>
      %parallel_loop3A_580 = arith.select %parallel_loop3A_579, %parallel_loop3A_574, %parallel_loop3A_565 : vector<16xi1>, vector<16xf32>
      %parallel_loop3A_581 = arith.select %parallel_loop3A_579, %parallel_loop3A_572, %parallel_loop3A_566 : vector<16xi1>, vector<16xi32>
      %parallel_loop3A_582 = arith.constant 1 : i32
      %parallel_loop3A_583 = vector.broadcast %parallel_loop3A_582 : i32 to vector<16xi32>
      %parallel_loop3A_584 = arith.addi %parallel_loop3A_572, %parallel_loop3A_583 : vector<16xi32>
      %parallel_loop3A_585 = arith.constant 31 : i32
      %parallel_loop3A_586 = vector.broadcast %parallel_loop3A_585 : i32 to vector<16xi32>
      %parallel_loop3A_587 = arith.andi %parallel_loop3A_584, %parallel_loop3A_586 : vector<16xi32>
      %parallel_loop3A_588 = arith.addi %parallel_loop3A_354, %parallel_loop3A_587 : vector<16xi32>
      %parallel_loop3A_589 = tpu.vector_load_idx %arg6[%parallel_loop3A_588] : memref<16416xf32, #tpu.memory_space<vmem>>[vector<16xi32>], vector<16xf32>,
      %parallel_loop3A_590 = arith.cmpf ogt, %parallel_loop3A_589, %parallel_loop3A_580 : vector<16xf32>
      %parallel_loop3A_591 = arith.cmpf oeq, %parallel_loop3A_589, %parallel_loop3A_580 : vector<16xf32>
      %parallel_loop3A_592 = arith.cmpi slt, %parallel_loop3A_587, %parallel_loop3A_581 : vector<16xi32>
      %parallel_loop3A_593 = arith.andi %parallel_loop3A_591, %parallel_loop3A_592 : vector<16xi1>
      %parallel_loop3A_594 = arith.ori %parallel_loop3A_590, %parallel_loop3A_593 : vector<16xi1>
      %parallel_loop3A_595 = arith.select %parallel_loop3A_594, %parallel_loop3A_589, %parallel_loop3A_580 : vector<16xi1>, vector<16xf32>
      %parallel_loop3A_596 = arith.select %parallel_loop3A_594, %parallel_loop3A_587, %parallel_loop3A_581 : vector<16xi1>, vector<16xi32>
      %parallel_loop3A_597 = arith.constant 1 : i32
      %parallel_loop3A_598 = vector.broadcast %parallel_loop3A_597 : i32 to vector<16xi32>
      %parallel_loop3A_599 = arith.addi %parallel_loop3A_587, %parallel_loop3A_598 : vector<16xi32>
      %parallel_loop3A_600 = arith.constant 31 : i32
      %parallel_loop3A_601 = vector.broadcast %parallel_loop3A_600 : i32 to vector<16xi32>
      %parallel_loop3A_602 = arith.andi %parallel_loop3A_599, %parallel_loop3A_601 : vector<16xi32>
      %parallel_loop3A_603 = arith.addi %parallel_loop3A_354, %parallel_loop3A_602 : vector<16xi32>
      %parallel_loop3A_604 = tpu.vector_load_idx %arg6[%parallel_loop3A_603] : memref<16416xf32, #tpu.memory_space<vmem>>[vector<16xi32>], vector<16xf32>,
      %parallel_loop3A_605 = arith.cmpf ogt, %parallel_loop3A_604, %parallel_loop3A_595 : vector<16xf32>
      %parallel_loop3A_606 = arith.cmpf oeq, %parallel_loop3A_604, %parallel_loop3A_595 : vector<16xf32>
      %parallel_loop3A_607 = arith.cmpi slt, %parallel_loop3A_602, %parallel_loop3A_596 : vector<16xi32>
      %parallel_loop3A_608 = arith.andi %parallel_loop3A_606, %parallel_loop3A_607 : vector<16xi1>
      %parallel_loop3A_609 = arith.ori %parallel_loop3A_605, %parallel_loop3A_608 : vector<16xi1>
      %parallel_loop3A_610 = arith.select %parallel_loop3A_609, %parallel_loop3A_604, %parallel_loop3A_595 : vector<16xi1>, vector<16xf32>
      %parallel_loop3A_611 = arith.select %parallel_loop3A_609, %parallel_loop3A_602, %parallel_loop3A_596 : vector<16xi1>, vector<16xi32>
      %parallel_loop3A_612 = arith.constant 1 : i32
      %parallel_loop3A_613 = vector.broadcast %parallel_loop3A_612 : i32 to vector<16xi32>
      %parallel_loop3A_614 = arith.addi %parallel_loop3A_602, %parallel_loop3A_613 : vector<16xi32>
      %parallel_loop3A_615 = arith.constant 31 : i32
      %parallel_loop3A_616 = vector.broadcast %parallel_loop3A_615 : i32 to vector<16xi32>
      %parallel_loop3A_617 = arith.andi %parallel_loop3A_614, %parallel_loop3A_616 : vector<16xi32>
      %parallel_loop3A_618 = arith.addi %parallel_loop3A_354, %parallel_loop3A_617 : vector<16xi32>
      %parallel_loop3A_619 = tpu.vector_load_idx %arg6[%parallel_loop3A_618] : memref<16416xf32, #tpu.memory_space<vmem>>[vector<16xi32>], vector<16xf32>,
      %parallel_loop3A_620 = arith.cmpf ogt, %parallel_loop3A_619, %parallel_loop3A_610 : vector<16xf32>
      %parallel_loop3A_621 = arith.cmpf oeq, %parallel_loop3A_619, %parallel_loop3A_610 : vector<16xf32>
      %parallel_loop3A_622 = arith.cmpi slt, %parallel_loop3A_617, %parallel_loop3A_611 : vector<16xi32>
      %parallel_loop3A_623 = arith.andi %parallel_loop3A_621, %parallel_loop3A_622 : vector<16xi1>
      %parallel_loop3A_624 = arith.ori %parallel_loop3A_620, %parallel_loop3A_623 : vector<16xi1>
      %parallel_loop3A_625 = arith.select %parallel_loop3A_624, %parallel_loop3A_619, %parallel_loop3A_610 : vector<16xi1>, vector<16xf32>
      %parallel_loop3A_626 = arith.select %parallel_loop3A_624, %parallel_loop3A_617, %parallel_loop3A_611 : vector<16xi1>, vector<16xi32>
      %parallel_loop3A_627 = arith.constant 1 : i32
      %parallel_loop3A_628 = vector.broadcast %parallel_loop3A_627 : i32 to vector<16xi32>
      %parallel_loop3A_629 = arith.addi %parallel_loop3A_617, %parallel_loop3A_628 : vector<16xi32>
      %parallel_loop3A_630 = arith.constant 31 : i32
      %parallel_loop3A_631 = vector.broadcast %parallel_loop3A_630 : i32 to vector<16xi32>
      %parallel_loop3A_632 = arith.andi %parallel_loop3A_629, %parallel_loop3A_631 : vector<16xi32>
      %parallel_loop3A_633 = arith.addi %parallel_loop3A_354, %parallel_loop3A_632 : vector<16xi32>
      %parallel_loop3A_634 = tpu.vector_load_idx %arg6[%parallel_loop3A_633] : memref<16416xf32, #tpu.memory_space<vmem>>[vector<16xi32>], vector<16xf32>,
      %parallel_loop3A_635 = arith.cmpf ogt, %parallel_loop3A_634, %parallel_loop3A_625 : vector<16xf32>
      %parallel_loop3A_636 = arith.cmpf oeq, %parallel_loop3A_634, %parallel_loop3A_625 : vector<16xf32>
      %parallel_loop3A_637 = arith.cmpi slt, %parallel_loop3A_632, %parallel_loop3A_626 : vector<16xi32>
      %parallel_loop3A_638 = arith.andi %parallel_loop3A_636, %parallel_loop3A_637 : vector<16xi1>
      %parallel_loop3A_639 = arith.ori %parallel_loop3A_635, %parallel_loop3A_638 : vector<16xi1>
      %parallel_loop3A_640 = arith.select %parallel_loop3A_639, %parallel_loop3A_634, %parallel_loop3A_625 : vector<16xi1>, vector<16xf32>
      %parallel_loop3A_641 = arith.select %parallel_loop3A_639, %parallel_loop3A_632, %parallel_loop3A_626 : vector<16xi1>, vector<16xi32>
      %parallel_loop3A_642 = arith.constant 1 : i32
      %parallel_loop3A_643 = vector.broadcast %parallel_loop3A_642 : i32 to vector<16xi32>
      %parallel_loop3A_644 = arith.addi %parallel_loop3A_632, %parallel_loop3A_643 : vector<16xi32>
      %parallel_loop3A_645 = arith.constant 31 : i32
      %parallel_loop3A_646 = vector.broadcast %parallel_loop3A_645 : i32 to vector<16xi32>
      %parallel_loop3A_647 = arith.andi %parallel_loop3A_644, %parallel_loop3A_646 : vector<16xi32>
      %parallel_loop3A_648 = arith.addi %parallel_loop3A_354, %parallel_loop3A_647 : vector<16xi32>
      %parallel_loop3A_649 = tpu.vector_load_idx %arg6[%parallel_loop3A_648] : memref<16416xf32, #tpu.memory_space<vmem>>[vector<16xi32>], vector<16xf32>,
      %parallel_loop3A_650 = arith.cmpf ogt, %parallel_loop3A_649, %parallel_loop3A_640 : vector<16xf32>
      %parallel_loop3A_651 = arith.cmpf oeq, %parallel_loop3A_649, %parallel_loop3A_640 : vector<16xf32>
      %parallel_loop3A_652 = arith.cmpi slt, %parallel_loop3A_647, %parallel_loop3A_641 : vector<16xi32>
      %parallel_loop3A_653 = arith.andi %parallel_loop3A_651, %parallel_loop3A_652 : vector<16xi1>
      %parallel_loop3A_654 = arith.ori %parallel_loop3A_650, %parallel_loop3A_653 : vector<16xi1>
      %parallel_loop3A_655 = arith.select %parallel_loop3A_654, %parallel_loop3A_649, %parallel_loop3A_640 : vector<16xi1>, vector<16xf32>
      %parallel_loop3A_656 = arith.select %parallel_loop3A_654, %parallel_loop3A_647, %parallel_loop3A_641 : vector<16xi1>, vector<16xi32>
      %parallel_loop3A_657 = arith.constant 1 : i32
      %parallel_loop3A_658 = vector.broadcast %parallel_loop3A_657 : i32 to vector<16xi32>
      %parallel_loop3A_659 = arith.addi %parallel_loop3A_647, %parallel_loop3A_658 : vector<16xi32>
      %parallel_loop3A_660 = arith.constant 31 : i32
      %parallel_loop3A_661 = vector.broadcast %parallel_loop3A_660 : i32 to vector<16xi32>
      %parallel_loop3A_662 = arith.andi %parallel_loop3A_659, %parallel_loop3A_661 : vector<16xi32>
      %parallel_loop3A_663 = arith.addi %parallel_loop3A_354, %parallel_loop3A_662 : vector<16xi32>
      %parallel_loop3A_664 = tpu.vector_load_idx %arg6[%parallel_loop3A_663] : memref<16416xf32, #tpu.memory_space<vmem>>[vector<16xi32>], vector<16xf32>,
      %parallel_loop3A_665 = arith.cmpf ogt, %parallel_loop3A_664, %parallel_loop3A_655 : vector<16xf32>
      %parallel_loop3A_666 = arith.cmpf oeq, %parallel_loop3A_664, %parallel_loop3A_655 : vector<16xf32>
      %parallel_loop3A_667 = arith.cmpi slt, %parallel_loop3A_662, %parallel_loop3A_656 : vector<16xi32>
      %parallel_loop3A_668 = arith.andi %parallel_loop3A_666, %parallel_loop3A_667 : vector<16xi1>
      %parallel_loop3A_669 = arith.ori %parallel_loop3A_665, %parallel_loop3A_668 : vector<16xi1>
      %parallel_loop3A_670 = arith.select %parallel_loop3A_669, %parallel_loop3A_664, %parallel_loop3A_655 : vector<16xi1>, vector<16xf32>
      %parallel_loop3A_671 = arith.select %parallel_loop3A_669, %parallel_loop3A_662, %parallel_loop3A_656 : vector<16xi1>, vector<16xi32>
      %parallel_loop3A_672 = arith.constant 1 : i32
      %parallel_loop3A_673 = vector.broadcast %parallel_loop3A_672 : i32 to vector<16xi32>
      %parallel_loop3A_674 = arith.addi %parallel_loop3A_662, %parallel_loop3A_673 : vector<16xi32>
      %parallel_loop3A_675 = arith.constant 31 : i32
      %parallel_loop3A_676 = vector.broadcast %parallel_loop3A_675 : i32 to vector<16xi32>
      %parallel_loop3A_677 = arith.andi %parallel_loop3A_674, %parallel_loop3A_676 : vector<16xi32>
      %parallel_loop3A_678 = arith.addi %parallel_loop3A_354, %parallel_loop3A_677 : vector<16xi32>
      %parallel_loop3A_679 = tpu.vector_load_idx %arg6[%parallel_loop3A_678] : memref<16416xf32, #tpu.memory_space<vmem>>[vector<16xi32>], vector<16xf32>,
      %parallel_loop3A_680 = arith.cmpf ogt, %parallel_loop3A_679, %parallel_loop3A_670 : vector<16xf32>
      %parallel_loop3A_681 = arith.cmpf oeq, %parallel_loop3A_679, %parallel_loop3A_670 : vector<16xf32>
      %parallel_loop3A_682 = arith.cmpi slt, %parallel_loop3A_677, %parallel_loop3A_671 : vector<16xi32>
      %parallel_loop3A_683 = arith.andi %parallel_loop3A_681, %parallel_loop3A_682 : vector<16xi1>
      %parallel_loop3A_684 = arith.ori %parallel_loop3A_680, %parallel_loop3A_683 : vector<16xi1>
      %parallel_loop3A_685 = arith.select %parallel_loop3A_684, %parallel_loop3A_679, %parallel_loop3A_670 : vector<16xi1>, vector<16xf32>
      %parallel_loop3A_686 = arith.select %parallel_loop3A_684, %parallel_loop3A_677, %parallel_loop3A_671 : vector<16xi1>, vector<16xi32>
      %parallel_loop3A_687 = arith.constant 1 : i32
      %parallel_loop3A_688 = vector.broadcast %parallel_loop3A_687 : i32 to vector<16xi32>
      %parallel_loop3A_689 = arith.addi %parallel_loop3A_677, %parallel_loop3A_688 : vector<16xi32>
      %parallel_loop3A_690 = arith.constant 31 : i32
      %parallel_loop3A_691 = vector.broadcast %parallel_loop3A_690 : i32 to vector<16xi32>
      %parallel_loop3A_692 = arith.andi %parallel_loop3A_689, %parallel_loop3A_691 : vector<16xi32>
      %parallel_loop3A_693 = arith.addi %parallel_loop3A_354, %parallel_loop3A_692 : vector<16xi32>
      %parallel_loop3A_694 = tpu.vector_load_idx %arg6[%parallel_loop3A_693] : memref<16416xf32, #tpu.memory_space<vmem>>[vector<16xi32>], vector<16xf32>,
      %parallel_loop3A_695 = arith.cmpf ogt, %parallel_loop3A_694, %parallel_loop3A_685 : vector<16xf32>
      %parallel_loop3A_696 = arith.cmpf oeq, %parallel_loop3A_694, %parallel_loop3A_685 : vector<16xf32>
      %parallel_loop3A_697 = arith.cmpi slt, %parallel_loop3A_692, %parallel_loop3A_686 : vector<16xi32>
      %parallel_loop3A_698 = arith.andi %parallel_loop3A_696, %parallel_loop3A_697 : vector<16xi1>
      %parallel_loop3A_699 = arith.ori %parallel_loop3A_695, %parallel_loop3A_698 : vector<16xi1>
      %parallel_loop3A_700 = arith.select %parallel_loop3A_699, %parallel_loop3A_694, %parallel_loop3A_685 : vector<16xi1>, vector<16xf32>
      %parallel_loop3A_701 = arith.select %parallel_loop3A_699, %parallel_loop3A_692, %parallel_loop3A_686 : vector<16xi1>, vector<16xi32>
      %parallel_loop3A_702 = arith.constant 1 : i32
      %parallel_loop3A_703 = vector.broadcast %parallel_loop3A_702 : i32 to vector<16xi32>
      %parallel_loop3A_704 = arith.addi %parallel_loop3A_692, %parallel_loop3A_703 : vector<16xi32>
      %parallel_loop3A_705 = arith.constant 31 : i32
      %parallel_loop3A_706 = vector.broadcast %parallel_loop3A_705 : i32 to vector<16xi32>
      %parallel_loop3A_707 = arith.andi %parallel_loop3A_704, %parallel_loop3A_706 : vector<16xi32>
      %parallel_loop3A_708 = arith.addi %parallel_loop3A_354, %parallel_loop3A_707 : vector<16xi32>
      %parallel_loop3A_709 = tpu.vector_load_idx %arg6[%parallel_loop3A_708] : memref<16416xf32, #tpu.memory_space<vmem>>[vector<16xi32>], vector<16xf32>,
      %parallel_loop3A_710 = arith.cmpf ogt, %parallel_loop3A_709, %parallel_loop3A_700 : vector<16xf32>
      %parallel_loop3A_711 = arith.cmpf oeq, %parallel_loop3A_709, %parallel_loop3A_700 : vector<16xf32>
      %parallel_loop3A_712 = arith.cmpi slt, %parallel_loop3A_707, %parallel_loop3A_701 : vector<16xi32>
      %parallel_loop3A_713 = arith.andi %parallel_loop3A_711, %parallel_loop3A_712 : vector<16xi1>
      %parallel_loop3A_714 = arith.ori %parallel_loop3A_710, %parallel_loop3A_713 : vector<16xi1>
      %parallel_loop3A_715 = arith.select %parallel_loop3A_714, %parallel_loop3A_709, %parallel_loop3A_700 : vector<16xi1>, vector<16xf32>
      %parallel_loop3A_716 = arith.select %parallel_loop3A_714, %parallel_loop3A_707, %parallel_loop3A_701 : vector<16xi1>, vector<16xi32>
      %parallel_loop3A_717 = arith.constant 1 : i32
      %parallel_loop3A_718 = vector.broadcast %parallel_loop3A_717 : i32 to vector<16xi32>
      %parallel_loop3A_719 = arith.addi %parallel_loop3A_707, %parallel_loop3A_718 : vector<16xi32>
      %parallel_loop3A_720 = arith.constant 31 : i32
      %parallel_loop3A_721 = vector.broadcast %parallel_loop3A_720 : i32 to vector<16xi32>
      %parallel_loop3A_722 = arith.andi %parallel_loop3A_719, %parallel_loop3A_721 : vector<16xi32>
      %parallel_loop3A_723 = arith.addi %parallel_loop3A_354, %parallel_loop3A_722 : vector<16xi32>
      %parallel_loop3A_724 = tpu.vector_load_idx %arg6[%parallel_loop3A_723] : memref<16416xf32, #tpu.memory_space<vmem>>[vector<16xi32>], vector<16xf32>,
      %parallel_loop3A_725 = arith.cmpf ogt, %parallel_loop3A_724, %parallel_loop3A_715 : vector<16xf32>
      %parallel_loop3A_726 = arith.cmpf oeq, %parallel_loop3A_724, %parallel_loop3A_715 : vector<16xf32>
      %parallel_loop3A_727 = arith.cmpi slt, %parallel_loop3A_722, %parallel_loop3A_716 : vector<16xi32>
      %parallel_loop3A_728 = arith.andi %parallel_loop3A_726, %parallel_loop3A_727 : vector<16xi1>
      %parallel_loop3A_729 = arith.ori %parallel_loop3A_725, %parallel_loop3A_728 : vector<16xi1>
      %parallel_loop3A_730 = arith.select %parallel_loop3A_729, %parallel_loop3A_724, %parallel_loop3A_715 : vector<16xi1>, vector<16xf32>
      %parallel_loop3A_731 = arith.select %parallel_loop3A_729, %parallel_loop3A_722, %parallel_loop3A_716 : vector<16xi1>, vector<16xi32>
      %parallel_loop3A_732 = arith.constant 1 : i32
      %parallel_loop3A_733 = vector.broadcast %parallel_loop3A_732 : i32 to vector<16xi32>
      %parallel_loop3A_734 = arith.addi %parallel_loop3A_722, %parallel_loop3A_733 : vector<16xi32>
      %parallel_loop3A_735 = arith.constant 31 : i32
      %parallel_loop3A_736 = vector.broadcast %parallel_loop3A_735 : i32 to vector<16xi32>
      %parallel_loop3A_737 = arith.andi %parallel_loop3A_734, %parallel_loop3A_736 : vector<16xi32>
      %parallel_loop3A_738 = arith.addi %parallel_loop3A_354, %parallel_loop3A_737 : vector<16xi32>
      %parallel_loop3A_739 = tpu.vector_load_idx %arg6[%parallel_loop3A_738] : memref<16416xf32, #tpu.memory_space<vmem>>[vector<16xi32>], vector<16xf32>,
      %parallel_loop3A_740 = arith.cmpf ogt, %parallel_loop3A_739, %parallel_loop3A_730 : vector<16xf32>
      %parallel_loop3A_741 = arith.cmpf oeq, %parallel_loop3A_739, %parallel_loop3A_730 : vector<16xf32>
      %parallel_loop3A_742 = arith.cmpi slt, %parallel_loop3A_737, %parallel_loop3A_731 : vector<16xi32>
      %parallel_loop3A_743 = arith.andi %parallel_loop3A_741, %parallel_loop3A_742 : vector<16xi1>
      %parallel_loop3A_744 = arith.ori %parallel_loop3A_740, %parallel_loop3A_743 : vector<16xi1>
      %parallel_loop3A_745 = arith.select %parallel_loop3A_744, %parallel_loop3A_739, %parallel_loop3A_730 : vector<16xi1>, vector<16xf32>
      %parallel_loop3A_746 = arith.select %parallel_loop3A_744, %parallel_loop3A_737, %parallel_loop3A_731 : vector<16xi1>, vector<16xi32>
      %parallel_loop3A_747 = arith.constant 1 : i32
      %parallel_loop3A_748 = vector.broadcast %parallel_loop3A_747 : i32 to vector<16xi32>
      %parallel_loop3A_749 = arith.addi %parallel_loop3A_737, %parallel_loop3A_748 : vector<16xi32>
      %parallel_loop3A_750 = arith.constant 31 : i32
      %parallel_loop3A_751 = vector.broadcast %parallel_loop3A_750 : i32 to vector<16xi32>
      %parallel_loop3A_752 = arith.andi %parallel_loop3A_749, %parallel_loop3A_751 : vector<16xi32>
      %parallel_loop3A_753 = arith.addi %parallel_loop3A_354, %parallel_loop3A_752 : vector<16xi32>
      %parallel_loop3A_754 = tpu.vector_load_idx %arg6[%parallel_loop3A_753] : memref<16416xf32, #tpu.memory_space<vmem>>[vector<16xi32>], vector<16xf32>,
      %parallel_loop3A_755 = arith.cmpf ogt, %parallel_loop3A_754, %parallel_loop3A_745 : vector<16xf32>
      %parallel_loop3A_756 = arith.cmpf oeq, %parallel_loop3A_754, %parallel_loop3A_745 : vector<16xf32>
      %parallel_loop3A_757 = arith.cmpi slt, %parallel_loop3A_752, %parallel_loop3A_746 : vector<16xi32>
      %parallel_loop3A_758 = arith.andi %parallel_loop3A_756, %parallel_loop3A_757 : vector<16xi1>
      %parallel_loop3A_759 = arith.ori %parallel_loop3A_755, %parallel_loop3A_758 : vector<16xi1>
      %parallel_loop3A_760 = arith.select %parallel_loop3A_759, %parallel_loop3A_754, %parallel_loop3A_745 : vector<16xi1>, vector<16xf32>
      %parallel_loop3A_761 = arith.select %parallel_loop3A_759, %parallel_loop3A_752, %parallel_loop3A_746 : vector<16xi1>, vector<16xi32>
      %parallel_loop3A_762 = arith.constant 1 : i32
      %parallel_loop3A_763 = vector.broadcast %parallel_loop3A_762 : i32 to vector<16xi32>
      %parallel_loop3A_764 = arith.addi %parallel_loop3A_752, %parallel_loop3A_763 : vector<16xi32>
      %parallel_loop3A_765 = arith.constant 31 : i32
      %parallel_loop3A_766 = vector.broadcast %parallel_loop3A_765 : i32 to vector<16xi32>
      %parallel_loop3A_767 = arith.andi %parallel_loop3A_764, %parallel_loop3A_766 : vector<16xi32>
      %parallel_loop3A_768 = arith.addi %parallel_loop3A_354, %parallel_loop3A_767 : vector<16xi32>
      %parallel_loop3A_769 = tpu.vector_load_idx %arg6[%parallel_loop3A_768] : memref<16416xf32, #tpu.memory_space<vmem>>[vector<16xi32>], vector<16xf32>,
      %parallel_loop3A_770 = arith.cmpf ogt, %parallel_loop3A_769, %parallel_loop3A_760 : vector<16xf32>
      %parallel_loop3A_771 = arith.cmpf oeq, %parallel_loop3A_769, %parallel_loop3A_760 : vector<16xf32>
      %parallel_loop3A_772 = arith.cmpi slt, %parallel_loop3A_767, %parallel_loop3A_761 : vector<16xi32>
      %parallel_loop3A_773 = arith.andi %parallel_loop3A_771, %parallel_loop3A_772 : vector<16xi1>
      %parallel_loop3A_774 = arith.ori %parallel_loop3A_770, %parallel_loop3A_773 : vector<16xi1>
      %parallel_loop3A_775 = arith.select %parallel_loop3A_774, %parallel_loop3A_769, %parallel_loop3A_760 : vector<16xi1>, vector<16xf32>
      %parallel_loop3A_776 = arith.select %parallel_loop3A_774, %parallel_loop3A_767, %parallel_loop3A_761 : vector<16xi1>, vector<16xi32>
      %parallel_loop3A_777 = arith.constant 1 : i32
      %parallel_loop3A_778 = vector.broadcast %parallel_loop3A_777 : i32 to vector<16xi32>
      %parallel_loop3A_779 = arith.addi %parallel_loop3A_767, %parallel_loop3A_778 : vector<16xi32>
      %parallel_loop3A_780 = arith.constant 31 : i32
      %parallel_loop3A_781 = vector.broadcast %parallel_loop3A_780 : i32 to vector<16xi32>
      %parallel_loop3A_782 = arith.andi %parallel_loop3A_779, %parallel_loop3A_781 : vector<16xi32>
      %parallel_loop3A_783 = arith.addi %parallel_loop3A_354, %parallel_loop3A_782 : vector<16xi32>
      %parallel_loop3A_784 = tpu.vector_load_idx %arg6[%parallel_loop3A_783] : memref<16416xf32, #tpu.memory_space<vmem>>[vector<16xi32>], vector<16xf32>,
      %parallel_loop3A_785 = arith.cmpf ogt, %parallel_loop3A_784, %parallel_loop3A_775 : vector<16xf32>
      %parallel_loop3A_786 = arith.cmpf oeq, %parallel_loop3A_784, %parallel_loop3A_775 : vector<16xf32>
      %parallel_loop3A_787 = arith.cmpi slt, %parallel_loop3A_782, %parallel_loop3A_776 : vector<16xi32>
      %parallel_loop3A_788 = arith.andi %parallel_loop3A_786, %parallel_loop3A_787 : vector<16xi1>
      %parallel_loop3A_789 = arith.ori %parallel_loop3A_785, %parallel_loop3A_788 : vector<16xi1>
      %parallel_loop3A_790 = arith.select %parallel_loop3A_789, %parallel_loop3A_784, %parallel_loop3A_775 : vector<16xi1>, vector<16xf32>
      %parallel_loop3A_791 = arith.select %parallel_loop3A_789, %parallel_loop3A_782, %parallel_loop3A_776 : vector<16xi1>, vector<16xi32>
      %parallel_loop3A_792 = arith.constant 1 : i32
      %parallel_loop3A_793 = vector.broadcast %parallel_loop3A_792 : i32 to vector<16xi32>
      %parallel_loop3A_794 = arith.addi %parallel_loop3A_782, %parallel_loop3A_793 : vector<16xi32>
      %parallel_loop3A_795 = arith.constant 31 : i32
      %parallel_loop3A_796 = vector.broadcast %parallel_loop3A_795 : i32 to vector<16xi32>
      %parallel_loop3A_797 = arith.andi %parallel_loop3A_794, %parallel_loop3A_796 : vector<16xi32>
      %parallel_loop3A_798 = arith.addi %parallel_loop3A_354, %parallel_loop3A_797 : vector<16xi32>
      %parallel_loop3A_799 = tpu.vector_load_idx %arg6[%parallel_loop3A_798] : memref<16416xf32, #tpu.memory_space<vmem>>[vector<16xi32>], vector<16xf32>,
      %parallel_loop3A_800 = arith.cmpf ogt, %parallel_loop3A_799, %parallel_loop3A_790 : vector<16xf32>
      %parallel_loop3A_801 = arith.cmpf oeq, %parallel_loop3A_799, %parallel_loop3A_790 : vector<16xf32>
      %parallel_loop3A_802 = arith.cmpi slt, %parallel_loop3A_797, %parallel_loop3A_791 : vector<16xi32>
      %parallel_loop3A_803 = arith.andi %parallel_loop3A_801, %parallel_loop3A_802 : vector<16xi1>
      %parallel_loop3A_804 = arith.ori %parallel_loop3A_800, %parallel_loop3A_803 : vector<16xi1>
      %parallel_loop3A_805 = arith.select %parallel_loop3A_804, %parallel_loop3A_799, %parallel_loop3A_790 : vector<16xi1>, vector<16xf32>
      %parallel_loop3A_806 = arith.select %parallel_loop3A_804, %parallel_loop3A_797, %parallel_loop3A_791 : vector<16xi1>, vector<16xi32>
      %parallel_loop3A_807 = arith.constant 1 : i32
      %parallel_loop3A_808 = vector.broadcast %parallel_loop3A_807 : i32 to vector<16xi32>
      %parallel_loop3A_809 = arith.addi %parallel_loop3A_797, %parallel_loop3A_808 : vector<16xi32>
      %parallel_loop3A_810 = arith.constant 31 : i32
      %parallel_loop3A_811 = vector.broadcast %parallel_loop3A_810 : i32 to vector<16xi32>
      %parallel_loop3A_812 = arith.andi %parallel_loop3A_809, %parallel_loop3A_811 : vector<16xi32>
      %parallel_loop3A_813 = arith.addi %parallel_loop3A_354, %parallel_loop3A_812 : vector<16xi32>
      %parallel_loop3A_814 = tpu.vector_load_idx %arg6[%parallel_loop3A_813] : memref<16416xf32, #tpu.memory_space<vmem>>[vector<16xi32>], vector<16xf32>,
      %parallel_loop3A_815 = arith.cmpf ogt, %parallel_loop3A_814, %parallel_loop3A_805 : vector<16xf32>
      %parallel_loop3A_816 = arith.cmpf oeq, %parallel_loop3A_814, %parallel_loop3A_805 : vector<16xf32>
      %parallel_loop3A_817 = arith.cmpi slt, %parallel_loop3A_812, %parallel_loop3A_806 : vector<16xi32>
      %parallel_loop3A_818 = arith.andi %parallel_loop3A_816, %parallel_loop3A_817 : vector<16xi1>
      %parallel_loop3A_819 = arith.ori %parallel_loop3A_815, %parallel_loop3A_818 : vector<16xi1>
      %parallel_loop3A_820 = arith.select %parallel_loop3A_819, %parallel_loop3A_814, %parallel_loop3A_805 : vector<16xi1>, vector<16xf32>
      %parallel_loop3A_821 = arith.select %parallel_loop3A_819, %parallel_loop3A_812, %parallel_loop3A_806 : vector<16xi1>, vector<16xi32>
      %parallel_loop3A_822 = arith.constant 16 : i32
      %parallel_loop3A_823 = arith.muli %parallel_loop3A_348, %parallel_loop3A_822 : i32
      %parallel_loop3A_824 = arith.constant 16 : i32
      %parallel_loop3A_825 = arith.addi %parallel_loop3A_824, %parallel_loop3A_823 : i32
      %parallel_loop3A_826 = arith.index_cast %parallel_loop3A_825 : i32 to index
      %parallel_loop3A_827 = tpu.vector_load %arg7[%parallel_loop3A_826] {strides = array<i32>} : memref<528xi32, #tpu.memory_space<vmem>>, vector<16xi32>,
      tpu.vector_store %arg7[%parallel_loop3A_826], %parallel_loop3A_821 {strides = array<i32>} : memref<528xi32, #tpu.memory_space<vmem>>, vector<16xi32>,
    } {sc.loop_unroll_factor = 2 : i64, sc.parallel_access}
    %scan3A = arith.constant 0 : i32
    %scan3A_109 = arith.constant 0 : i32
    %scan3A_110 = arith.constant 32 : i32
    %scan3A_111 = arith.addi %scan3A_109, %scan3A_110 : i32
    %scan3A_112 = arith.constant 1 : i32
    %scan3A_113 = scf.for %scan3A_348 = %scan3A_109 to %scan3A_111 step %scan3A_112 iter_args(%scan3A_349 = %scan3A) -> (i32)  : i32 {
      %mul3A_350 = arith.constant 16 : i32
      %mul3A_351 = arith.muli %scan3A_348, %mul3A_350 : i32
      %add3A_352 = arith.constant 16 : i32
      %add3A_353 = arith.addi %add3A_352, %mul3A_351 : i32
      %get3A_354 = arith.index_cast %add3A_353 : i32 to index
      %get3A_355 = tpu.vector_load %arg7[%get3A_354] {strides = array<i32>} : memref<528xi32, #tpu.memory_space<vmem>>, vector<16xi32>,
      %mul3A_356 = arith.constant 16 : i32
      %mul3A_357 = arith.muli %scan3A_348, %mul3A_356 : i32
      %add3A_358 = arith.constant 15 : i32
      %add3A_359 = arith.addi %mul3A_357, %add3A_358 : i32
      %add3A_360 = vector.broadcast %add3A_359 : i32 to vector<16xi32>
      %add3A_361 = arith.addi %iota3A, %add3A_360 : vector<16xi32>
      %gather3A = tpu.vector_load_idx %arg7[%add3A_361] : memref<528xi32, #tpu.memory_space<vmem>>[vector<16xi32>], vector<16xi32>,
      %ne3A = arith.cmpi ne, %get3A_355, %gather3A : vector<16xi32>
      %ne3A_362 = arith.constant 10 : i32
      %ne3A_363 = vector.broadcast %ne3A_362 : i32 to vector<16xi32>
      %ne3A_364 = arith.cmpi ne, %get3A_355, %ne3A_363 : vector<16xi32>
      %and3A = arith.andi %ne3A, %ne3A_364 : vector<16xi1>
      %convert_element_type3A_365 = arith.extui %and3A : vector<16xi1> to vector<16xi32>
      %broadcast_in_dim3A_366 = arith.constant true
      %broadcast_in_dim3A_367 = vector.broadcast %broadcast_in_dim3A_366 : i1 to vector<16xi1>
      %masked_cumsum3A_368 = tpu.scan <sum>, %convert_element_type3A_365 masked %broadcast_in_dim3A_367 : vector<16xi32>, vector<16xi1> -> vector<16xi32>
      %add3A_369 = vector.broadcast %scan3A_349 : i32 to vector<16xi32>
      %add3A_370 = arith.addi %add3A_369, %masked_cumsum3A_368 : vector<16xi32>
      %sub3A_371 = arith.constant 1 : i32
      %sub3A_372 = vector.broadcast %sub3A_371 : i32 to vector<16xi32>
      %sub3A_373 = arith.subi %add3A_370, %sub3A_372 : vector<16xi32>
      tpu.vector_store_idx %arg8[%sub3A_373], %get3A_355 masked %and3A : memref<512xi32, #tpu.memory_space<vmem>>[vector<16xi32>], vector<16xi32>, vector<16xi1>
      %reduce_sum3A_374 = arith.constant true
      %reduce_sum3A_375 = vector.broadcast %reduce_sum3A_374 : i1 to vector<16xi1>
      %reduce_sum3A_376 = tpu.scan <sum>, %convert_element_type3A_365 masked %reduce_sum3A_375 : vector<16xi32>, vector<16xi1> -> vector<16xi32>
      %reduce_sum3A_377 = vector.extract %reduce_sum3A_376[15] : i32 from vector<16xi32>
      %add3A_378 = arith.addi %scan3A_349, %reduce_sum3A_377 : i32
      scf.yield %add3A_378 : i32
    }
    %scan3A_114 = arith.constant 32 : i32
    %mul3A_115 = arith.constant 512 : i32
    %mul3A_116 = arith.muli %arg1, %mul3A_115 : i32
    "tpu.region"() ({
      %run_scoped3A = tpu.sem_alloc : memref<!tpu.dma_semaphore, #tpu.memory_space<semaphore_mem>>
      %dma_start3A_348 = tpu.memref_slice %arg5[%mul3A_116] : memref<8192xi32, #tpu.memory_space<hbm>> -> memref<512xi32, #tpu.memory_space<hbm>>
      %dma_start3A_349 = tpu.memref_slice %arg5[%mul3A_116] : memref<8192xi32, #tpu.memory_space<hbm>> -> memref<512xi32, #tpu.memory_space<hbm>>
      tpu.enqueue_dma source(%arg8 : memref<512xi32, #tpu.memory_space<vmem>>) target(%dma_start3A_349 : memref<512xi32, #tpu.memory_space<hbm>>) target_semaphore(%run_scoped3A : memref<!tpu.dma_semaphore, #tpu.memory_space<semaphore_mem>>)
      %dma_wait3A_350 = tpu.memref_slice %arg5[%mul3A_116] : memref<8192xi32, #tpu.memory_space<hbm>> -> memref<512xi32, #tpu.memory_space<hbm>>
      %dma_wait3A_351 = tpu.memref_slice %arg5[%mul3A_116] : memref<8192xi32, #tpu.memory_space<hbm>> -> memref<512xi32, #tpu.memory_space<hbm>>
      tpu.wait_dma2 semaphore(%run_scoped3A : memref<!tpu.dma_semaphore, #tpu.memory_space<semaphore_mem>>) src(%arg8 : memref<512xi32, #tpu.memory_space<vmem>>) dst(%dma_wait3A_351 : memref<512xi32, #tpu.memory_space<hbm>>)
      tpu.yield
    }) : () -> ()
    %scan3A_117 = arith.constant 0 : i32
    %scan3A_118 = arith.constant 0 : i32
    %scan3A_119 = arith.constant 16 : i32
    %scan3A_120 = arith.addi %scan3A_118, %scan3A_119 : i32
    %scan3A_121 = arith.constant 1 : i32
    scf.for %scan3A_348 = %scan3A_118 to %scan3A_120 step %scan3A_121  : i32 {
      %sc_fetch_and_add3A = tpu.fetch_and_add_sync %arg13[%arg1], %scan3A_113, %scan3A_348 : memref<16xi32, #tpu.memory_space<smem>>, i32 -> i32
    }
    %scan3A_122 = arith.constant 16 : i32
    %barrier3A_123 = arith.constant 0 : index
    tpu.barrier barrier_id(%barrier3A_123)
    %broadcast_in_dim3A_124 = arith.constant 0 : i32
    %broadcast_in_dim3A_125 = vector.broadcast %broadcast_in_dim3A_124 : i32 to vector<16xi32>
    %eq3A_126 = arith.constant 0 : i32
    %eq3A_127 = vector.broadcast %eq3A_126 : i32 to vector<16xi32>
    %eq3A_128 = arith.cmpi eq, %iota3A, %eq3A_127 : vector<16xi32>
    %get3A_129 = arith.constant 0 : i32
    %get3A_130 = arith.index_cast %get3A_129 : i32 to index
    %get3A_131 = memref.load %arg13[%get3A_130] : memref<16xi32, #tpu.memory_space<smem>>
    %broadcast_in_dim3A_132 = vector.broadcast %get3A_131 : i32 to vector<16xi32>
    %select_n3A_133 = arith.select %eq3A_128, %broadcast_in_dim3A_132, %broadcast_in_dim3A_125 : vector<16xi1>, vector<16xi32>
    %eq3A_134 = arith.constant 1 : i32
    %eq3A_135 = vector.broadcast %eq3A_134 : i32 to vector<16xi32>
    %eq3A_136 = arith.cmpi eq, %iota3A, %eq3A_135 : vector<16xi32>
    %get3A_137 = arith.constant 1 : i32
    %get3A_138 = arith.index_cast %get3A_137 : i32 to index
    %get3A_139 = memref.load %arg13[%get3A_138] : memref<16xi32, #tpu.memory_space<smem>>
    %broadcast_in_dim3A_140 = vector.broadcast %get3A_139 : i32 to vector<16xi32>
    %select_n3A_141 = arith.select %eq3A_136, %broadcast_in_dim3A_140, %select_n3A_133 : vector<16xi1>, vector<16xi32>
    %eq3A_142 = arith.constant 2 : i32
    %eq3A_143 = vector.broadcast %eq3A_142 : i32 to vector<16xi32>
    %eq3A_144 = arith.cmpi eq, %iota3A, %eq3A_143 : vector<16xi32>
    %get3A_145 = arith.constant 2 : i32
    %get3A_146 = arith.index_cast %get3A_145 : i32 to index
    %get3A_147 = memref.load %arg13[%get3A_146] : memref<16xi32, #tpu.memory_space<smem>>
    %broadcast_in_dim3A_148 = vector.broadcast %get3A_147 : i32 to vector<16xi32>
    %select_n3A_149 = arith.select %eq3A_144, %broadcast_in_dim3A_148, %select_n3A_141 : vector<16xi1>, vector<16xi32>
    %eq3A_150 = arith.constant 3 : i32
    %eq3A_151 = vector.broadcast %eq3A_150 : i32 to vector<16xi32>
    %eq3A_152 = arith.cmpi eq, %iota3A, %eq3A_151 : vector<16xi32>
    %get3A_153 = arith.constant 3 : i32
    %get3A_154 = arith.index_cast %get3A_153 : i32 to index
    %get3A_155 = memref.load %arg13[%get3A_154] : memref<16xi32, #tpu.memory_space<smem>>
    %broadcast_in_dim3A_156 = vector.broadcast %get3A_155 : i32 to vector<16xi32>
    %select_n3A_157 = arith.select %eq3A_152, %broadcast_in_dim3A_156, %select_n3A_149 : vector<16xi1>, vector<16xi32>
    %eq3A_158 = arith.constant 4 : i32
    %eq3A_159 = vector.broadcast %eq3A_158 : i32 to vector<16xi32>
    %eq3A_160 = arith.cmpi eq, %iota3A, %eq3A_159 : vector<16xi32>
    %get3A_161 = arith.constant 4 : i32
    %get3A_162 = arith.index_cast %get3A_161 : i32 to index
    %get3A_163 = memref.load %arg13[%get3A_162] : memref<16xi32, #tpu.memory_space<smem>>
    %broadcast_in_dim3A_164 = vector.broadcast %get3A_163 : i32 to vector<16xi32>
    %select_n3A_165 = arith.select %eq3A_160, %broadcast_in_dim3A_164, %select_n3A_157 : vector<16xi1>, vector<16xi32>
    %eq3A_166 = arith.constant 5 : i32
    %eq3A_167 = vector.broadcast %eq3A_166 : i32 to vector<16xi32>
    %eq3A_168 = arith.cmpi eq, %iota3A, %eq3A_167 : vector<16xi32>
    %get3A_169 = arith.constant 5 : i32
    %get3A_170 = arith.index_cast %get3A_169 : i32 to index
    %get3A_171 = memref.load %arg13[%get3A_170] : memref<16xi32, #tpu.memory_space<smem>>
    %broadcast_in_dim3A_172 = vector.broadcast %get3A_171 : i32 to vector<16xi32>
    %select_n3A_173 = arith.select %eq3A_168, %broadcast_in_dim3A_172, %select_n3A_165 : vector<16xi1>, vector<16xi32>
    %eq3A_174 = arith.constant 6 : i32
    %eq3A_175 = vector.broadcast %eq3A_174 : i32 to vector<16xi32>
    %eq3A_176 = arith.cmpi eq, %iota3A, %eq3A_175 : vector<16xi32>
    %get3A_177 = arith.constant 6 : i32
    %get3A_178 = arith.index_cast %get3A_177 : i32 to index
    %get3A_179 = memref.load %arg13[%get3A_178] : memref<16xi32, #tpu.memory_space<smem>>
    %broadcast_in_dim3A_180 = vector.broadcast %get3A_179 : i32 to vector<16xi32>
    %select_n3A_181 = arith.select %eq3A_176, %broadcast_in_dim3A_180, %select_n3A_173 : vector<16xi1>, vector<16xi32>
    %eq3A_182 = arith.constant 7 : i32
    %eq3A_183 = vector.broadcast %eq3A_182 : i32 to vector<16xi32>
    %eq3A_184 = arith.cmpi eq, %iota3A, %eq3A_183 : vector<16xi32>
    %get3A_185 = arith.constant 7 : i32
    %get3A_186 = arith.index_cast %get3A_185 : i32 to index
    %get3A_187 = memref.load %arg13[%get3A_186] : memref<16xi32, #tpu.memory_space<smem>>
    %broadcast_in_dim3A_188 = vector.broadcast %get3A_187 : i32 to vector<16xi32>
    %select_n3A_189 = arith.select %eq3A_184, %broadcast_in_dim3A_188, %select_n3A_181 : vector<16xi1>, vector<16xi32>
    %eq3A_190 = arith.constant 8 : i32
    %eq3A_191 = vector.broadcast %eq3A_190 : i32 to vector<16xi32>
    %eq3A_192 = arith.cmpi eq, %iota3A, %eq3A_191 : vector<16xi32>
    %get3A_193 = arith.constant 8 : i32
    %get3A_194 = arith.index_cast %get3A_193 : i32 to index
    %get3A_195 = memref.load %arg13[%get3A_194] : memref<16xi32, #tpu.memory_space<smem>>
    %broadcast_in_dim3A_196 = vector.broadcast %get3A_195 : i32 to vector<16xi32>
    %select_n3A_197 = arith.select %eq3A_192, %broadcast_in_dim3A_196, %select_n3A_189 : vector<16xi1>, vector<16xi32>
    %eq3A_198 = arith.constant 9 : i32
    %eq3A_199 = vector.broadcast %eq3A_198 : i32 to vector<16xi32>
    %eq3A_200 = arith.cmpi eq, %iota3A, %eq3A_199 : vector<16xi32>
    %get3A_201 = arith.constant 9 : i32
    %get3A_202 = arith.index_cast %get3A_201 : i32 to index
    %get3A_203 = memref.load %arg13[%get3A_202] : memref<16xi32, #tpu.memory_space<smem>>
    %broadcast_in_dim3A_204 = vector.broadcast %get3A_203 : i32 to vector<16xi32>
    %select_n3A_205 = arith.select %eq3A_200, %broadcast_in_dim3A_204, %select_n3A_197 : vector<16xi1>, vector<16xi32>
    %eq3A_206 = arith.constant 10 : i32
    %eq3A_207 = vector.broadcast %eq3A_206 : i32 to vector<16xi32>
    %eq3A_208 = arith.cmpi eq, %iota3A, %eq3A_207 : vector<16xi32>
    %get3A_209 = arith.constant 10 : i32
    %get3A_210 = arith.index_cast %get3A_209 : i32 to index
    %get3A_211 = memref.load %arg13[%get3A_210] : memref<16xi32, #tpu.memory_space<smem>>
    %broadcast_in_dim3A_212 = vector.broadcast %get3A_211 : i32 to vector<16xi32>
    %select_n3A_213 = arith.select %eq3A_208, %broadcast_in_dim3A_212, %select_n3A_205 : vector<16xi1>, vector<16xi32>
    %eq3A_214 = arith.constant 11 : i32
    %eq3A_215 = vector.broadcast %eq3A_214 : i32 to vector<16xi32>
    %eq3A_216 = arith.cmpi eq, %iota3A, %eq3A_215 : vector<16xi32>
    %get3A_217 = arith.constant 11 : i32
    %get3A_218 = arith.index_cast %get3A_217 : i32 to index
    %get3A_219 = memref.load %arg13[%get3A_218] : memref<16xi32, #tpu.memory_space<smem>>
    %broadcast_in_dim3A_220 = vector.broadcast %get3A_219 : i32 to vector<16xi32>
    %select_n3A_221 = arith.select %eq3A_216, %broadcast_in_dim3A_220, %select_n3A_213 : vector<16xi1>, vector<16xi32>
    %eq3A_222 = arith.constant 12 : i32
    %eq3A_223 = vector.broadcast %eq3A_222 : i32 to vector<16xi32>
    %eq3A_224 = arith.cmpi eq, %iota3A, %eq3A_223 : vector<16xi32>
    %get3A_225 = arith.constant 12 : i32
    %get3A_226 = arith.index_cast %get3A_225 : i32 to index
    %get3A_227 = memref.load %arg13[%get3A_226] : memref<16xi32, #tpu.memory_space<smem>>
    %broadcast_in_dim3A_228 = vector.broadcast %get3A_227 : i32 to vector<16xi32>
    %select_n3A_229 = arith.select %eq3A_224, %broadcast_in_dim3A_228, %select_n3A_221 : vector<16xi1>, vector<16xi32>
    %eq3A_230 = arith.constant 13 : i32
    %eq3A_231 = vector.broadcast %eq3A_230 : i32 to vector<16xi32>
    %eq3A_232 = arith.cmpi eq, %iota3A, %eq3A_231 : vector<16xi32>
    %get3A_233 = arith.constant 13 : i32
    %get3A_234 = arith.index_cast %get3A_233 : i32 to index
    %get3A_235 = memref.load %arg13[%get3A_234] : memref<16xi32, #tpu.memory_space<smem>>
    %broadcast_in_dim3A_236 = vector.broadcast %get3A_235 : i32 to vector<16xi32>
    %select_n3A_237 = arith.select %eq3A_232, %broadcast_in_dim3A_236, %select_n3A_229 : vector<16xi1>, vector<16xi32>
    %eq3A_238 = arith.constant 14 : i32
    %eq3A_239 = vector.broadcast %eq3A_238 : i32 to vector<16xi32>
    %eq3A_240 = arith.cmpi eq, %iota3A, %eq3A_239 : vector<16xi32>
    %get3A_241 = arith.constant 14 : i32
    %get3A_242 = arith.index_cast %get3A_241 : i32 to index
    %get3A_243 = memref.load %arg13[%get3A_242] : memref<16xi32, #tpu.memory_space<smem>>
    %broadcast_in_dim3A_244 = vector.broadcast %get3A_243 : i32 to vector<16xi32>
    %select_n3A_245 = arith.select %eq3A_240, %broadcast_in_dim3A_244, %select_n3A_237 : vector<16xi1>, vector<16xi32>
    %eq3A_246 = arith.constant 15 : i32
    %eq3A_247 = vector.broadcast %eq3A_246 : i32 to vector<16xi32>
    %eq3A_248 = arith.cmpi eq, %iota3A, %eq3A_247 : vector<16xi32>
    %get3A_249 = arith.constant 15 : i32
    %get3A_250 = arith.index_cast %get3A_249 : i32 to index
    %get3A_251 = memref.load %arg13[%get3A_250] : memref<16xi32, #tpu.memory_space<smem>>
    %broadcast_in_dim3A_252 = vector.broadcast %get3A_251 : i32 to vector<16xi32>
    %select_n3A_253 = arith.select %eq3A_248, %broadcast_in_dim3A_252, %select_n3A_245 : vector<16xi1>, vector<16xi32>
    %broadcast_in_dim3A_254 = arith.constant true
    %broadcast_in_dim3A_255 = vector.broadcast %broadcast_in_dim3A_254 : i1 to vector<16xi1>
    %masked_cumsum3A = tpu.scan <sum>, %select_n3A_253 masked %broadcast_in_dim3A_255 : vector<16xi32>, vector<16xi1> -> vector<16xi32>
    %sub3A = arith.subi %masked_cumsum3A, %select_n3A_253 : vector<16xi32>
    %reduce_sum3A = arith.constant true
    %reduce_sum3A_256 = vector.broadcast %reduce_sum3A : i1 to vector<16xi1>
    %reduce_sum3A_257 = tpu.scan <sum>, %select_n3A_253 masked %reduce_sum3A_256 : vector<16xi32>, vector<16xi1> -> vector<16xi32>
    %reduce_sum3A_258 = vector.extract %reduce_sum3A_257[15] : i32 from vector<16xi32>
    %swap3A_259 = arith.constant 0 : index
    %swap3A_260 = tpu.vector_load %arg12[%swap3A_259] {strides = array<i32>} : memref<16xi32, #tpu.memory_space<vmem>>, vector<16xi32>,
    tpu.vector_store %arg12[%swap3A_259], %sub3A {strides = array<i32>} : memref<16xi32, #tpu.memory_space<vmem>>, vector<16xi32>,
    %eq3A_261 = arith.constant 0 : i32
    %eq3A_262 = arith.cmpi eq, %arg1, %eq3A_261 : i32
    %convert_element_type3A_263 = arith.extui %eq3A_262 : i1 to i32
    %cond3A_264 = arith.constant 0 : i32
    %cond3A_265 = arith.cmpi ne, %convert_element_type3A_263, %cond3A_264 : i32
    scf.if %cond3A_265 {
      %broadcast_in_dim3A_348 = vector.broadcast %reduce_sum3A_258 : i32 to vector<16xi32>
      %swap3A_349 = arith.constant 0 : index
      %swap3A_350 = tpu.vector_load %arg11[%swap3A_349] {strides = array<i32>} : memref<16xi32, #tpu.memory_space<vmem>>, vector<16xi32>,
      tpu.vector_store %arg11[%swap3A_349], %broadcast_in_dim3A_348 {strides = array<i32>} : memref<16xi32, #tpu.memory_space<vmem>>, vector<16xi32>,
      "tpu.region"() ({
        %run_scoped3A = tpu.sem_alloc : memref<!tpu.dma_semaphore, #tpu.memory_space<semaphore_mem>>
        tpu.enqueue_dma source(%arg11 : memref<16xi32, #tpu.memory_space<vmem>>) target(%arg4 : memref<16xi32, #tpu.memory_space<hbm>>) target_semaphore(%run_scoped3A : memref<!tpu.dma_semaphore, #tpu.memory_space<semaphore_mem>>)
        tpu.wait_dma2 semaphore(%run_scoped3A : memref<!tpu.dma_semaphore, #tpu.memory_space<semaphore_mem>>) src(%arg11 : memref<16xi32, #tpu.memory_space<vmem>>) dst(%arg4 : memref<16xi32, #tpu.memory_space<hbm>>)
        tpu.yield
      }) : () -> ()
    } else {
    }
    "tpu.region"() ({
      %run_scoped3A = tpu.sem_alloc : memref<!tpu.dma_semaphore, #tpu.memory_space<semaphore_mem>>
      tpu.enqueue_dma source(%arg5 : memref<8192xi32, #tpu.memory_space<hbm>>) target(%arg9 : memref<8192xi32, #tpu.memory_space<vmem>>) target_semaphore(%run_scoped3A : memref<!tpu.dma_semaphore, #tpu.memory_space<semaphore_mem>>)
      tpu.wait_dma2 semaphore(%run_scoped3A : memref<!tpu.dma_semaphore, #tpu.memory_space<semaphore_mem>>) src(%arg5 : memref<8192xi32, #tpu.memory_space<hbm>>) dst(%arg9 : memref<8192xi32, #tpu.memory_space<vmem>>)
      tpu.yield
    }) : () -> ()
    %get3A_266 = arith.constant 0 : i32
    %get3A_267 = arith.index_cast %get3A_266 : i32 to index
    %get3A_268 = memref.load %arg13[%get3A_267] : memref<16xi32, #tpu.memory_space<smem>>
    %add3A_269 = arith.constant 0 : i32
    %add3A_270 = arith.addi %add3A_269, %get3A_268 : i32
    %get3A_271 = arith.constant 1 : i32
    %get3A_272 = arith.index_cast %get3A_271 : i32 to index
    %get3A_273 = memref.load %arg13[%get3A_272] : memref<16xi32, #tpu.memory_space<smem>>
    %add3A_274 = arith.addi %add3A_270, %get3A_273 : i32
    %get3A_275 = arith.constant 2 : i32
    %get3A_276 = arith.index_cast %get3A_275 : i32 to index
    %get3A_277 = memref.load %arg13[%get3A_276] : memref<16xi32, #tpu.memory_space<smem>>
    %add3A_278 = arith.addi %add3A_274, %get3A_277 : i32
    %get3A_279 = arith.constant 3 : i32
    %get3A_280 = arith.index_cast %get3A_279 : i32 to index
    %get3A_281 = memref.load %arg13[%get3A_280] : memref<16xi32, #tpu.memory_space<smem>>
    %add3A_282 = arith.addi %add3A_278, %get3A_281 : i32
    %get3A_283 = arith.constant 4 : i32
    %get3A_284 = arith.index_cast %get3A_283 : i32 to index
    %get3A_285 = memref.load %arg13[%get3A_284] : memref<16xi32, #tpu.memory_space<smem>>
    %add3A_286 = arith.addi %add3A_282, %get3A_285 : i32
    %get3A_287 = arith.constant 5 : i32
    %get3A_288 = arith.index_cast %get3A_287 : i32 to index
    %get3A_289 = memref.load %arg13[%get3A_288] : memref<16xi32, #tpu.memory_space<smem>>
    %add3A_290 = arith.addi %add3A_286, %get3A_289 : i32
    %get3A_291 = arith.constant 6 : i32
    %get3A_292 = arith.index_cast %get3A_291 : i32 to index
    %get3A_293 = memref.load %arg13[%get3A_292] : memref<16xi32, #tpu.memory_space<smem>>
    %add3A_294 = arith.addi %add3A_290, %get3A_293 : i32
    %get3A_295 = arith.constant 7 : i32
    %get3A_296 = arith.index_cast %get3A_295 : i32 to index
    %get3A_297 = memref.load %arg13[%get3A_296] : memref<16xi32, #tpu.memory_space<smem>>
    %add3A_298 = arith.addi %add3A_294, %get3A_297 : i32
    %get3A_299 = arith.constant 8 : i32
    %get3A_300 = arith.index_cast %get3A_299 : i32 to index
    %get3A_301 = memref.load %arg13[%get3A_300] : memref<16xi32, #tpu.memory_space<smem>>
    %add3A_302 = arith.addi %add3A_298, %get3A_301 : i32
    %get3A_303 = arith.constant 9 : i32
    %get3A_304 = arith.index_cast %get3A_303 : i32 to index
    %get3A_305 = memref.load %arg13[%get3A_304] : memref<16xi32, #tpu.memory_space<smem>>
    %add3A_306 = arith.addi %add3A_302, %get3A_305 : i32
    %get3A_307 = arith.constant 10 : i32
    %get3A_308 = arith.index_cast %get3A_307 : i32 to index
    %get3A_309 = memref.load %arg13[%get3A_308] : memref<16xi32, #tpu.memory_space<smem>>
    %add3A_310 = arith.addi %add3A_306, %get3A_309 : i32
    %get3A_311 = arith.constant 11 : i32
    %get3A_312 = arith.index_cast %get3A_311 : i32 to index
    %get3A_313 = memref.load %arg13[%get3A_312] : memref<16xi32, #tpu.memory_space<smem>>
    %add3A_314 = arith.addi %add3A_310, %get3A_313 : i32
    %get3A_315 = arith.constant 12 : i32
    %get3A_316 = arith.index_cast %get3A_315 : i32 to index
    %get3A_317 = memref.load %arg13[%get3A_316] : memref<16xi32, #tpu.memory_space<smem>>
    %add3A_318 = arith.addi %add3A_314, %get3A_317 : i32
    %get3A_319 = arith.constant 13 : i32
    %get3A_320 = arith.index_cast %get3A_319 : i32 to index
    %get3A_321 = memref.load %arg13[%get3A_320] : memref<16xi32, #tpu.memory_space<smem>>
    %add3A_322 = arith.addi %add3A_318, %get3A_321 : i32
    %get3A_323 = arith.constant 14 : i32
    %get3A_324 = arith.index_cast %get3A_323 : i32 to index
    %get3A_325 = memref.load %arg13[%get3A_324] : memref<16xi32, #tpu.memory_space<smem>>
    %add3A_326 = arith.addi %add3A_322, %get3A_325 : i32
    %broadcast_in_dim3A_327 = vector.broadcast %add3A_270 : i32 to vector<16xi32>
    %broadcast_in_dim3A_328 = vector.broadcast %add3A_274 : i32 to vector<16xi32>
    %broadcast_in_dim3A_329 = vector.broadcast %add3A_278 : i32 to vector<16xi32>
    %broadcast_in_dim3A_330 = vector.broadcast %add3A_282 : i32 to vector<16xi32>
    %broadcast_in_dim3A_331 = vector.broadcast %add3A_286 : i32 to vector<16xi32>
    %broadcast_in_dim3A_332 = vector.broadcast %add3A_290 : i32 to vector<16xi32>
    %broadcast_in_dim3A_333 = vector.broadcast %add3A_294 : i32 to vector<16xi32>
    %broadcast_in_dim3A_334 = vector.broadcast %add3A_298 : i32 to vector<16xi32>
    %broadcast_in_dim3A_335 = vector.broadcast %add3A_302 : i32 to vector<16xi32>
    %broadcast_in_dim3A_336 = vector.broadcast %add3A_306 : i32 to vector<16xi32>
    %broadcast_in_dim3A_337 = vector.broadcast %add3A_310 : i32 to vector<16xi32>
    %broadcast_in_dim3A_338 = vector.broadcast %add3A_314 : i32 to vector<16xi32>
    %broadcast_in_dim3A_339 = vector.broadcast %add3A_318 : i32 to vector<16xi32>
    %broadcast_in_dim3A_340 = vector.broadcast %add3A_322 : i32 to vector<16xi32>
    %broadcast_in_dim3A_341 = vector.broadcast %add3A_326 : i32 to vector<16xi32>
    %broadcast_in_dim3A_342 = vector.broadcast %reduce_sum3A_258 : i32 to vector<16xi32>
    %parallel_loop3A_343 = arith.constant 0 : i32
    %parallel_loop3A_344 = arith.constant 32 : i32
    %parallel_loop3A_345 = arith.constant 1 : i32
    scf.for %parallel_loop3A_348 = %parallel_loop3A_343 to %parallel_loop3A_344 step %parallel_loop3A_345  : i32 {
      %parallel_loop3A_349 = arith.constant 512 : i32
      %parallel_loop3A_350 = arith.muli %arg1, %parallel_loop3A_349 : i32
      %parallel_loop3A_351 = arith.constant 16 : i32
      %parallel_loop3A_352 = arith.muli %parallel_loop3A_348, %parallel_loop3A_351 : i32
      %parallel_loop3A_353 = arith.addi %parallel_loop3A_350, %parallel_loop3A_352 : i32
      %parallel_loop3A_354 = vector.broadcast %parallel_loop3A_353 : i32 to vector<16xi32>
      %parallel_loop3A_355 = arith.addi %parallel_loop3A_354, %iota3A : vector<16xi32>
      %parallel_loop3A_356 = arith.constant 0 : i32
      %parallel_loop3A_357 = vector.broadcast %parallel_loop3A_356 : i32 to vector<16xi32>
      %parallel_loop3A_358 = arith.cmpi sge, %parallel_loop3A_355, %broadcast_in_dim3A_327 : vector<16xi32>
      %parallel_loop3A_359 = arith.extui %parallel_loop3A_358 : vector<16xi1> to vector<16xi32>
      %parallel_loop3A_360 = arith.addi %parallel_loop3A_357, %parallel_loop3A_359 : vector<16xi32>
      %parallel_loop3A_361 = arith.cmpi sge, %parallel_loop3A_355, %broadcast_in_dim3A_328 : vector<16xi32>
      %parallel_loop3A_362 = arith.extui %parallel_loop3A_361 : vector<16xi1> to vector<16xi32>
      %parallel_loop3A_363 = arith.addi %parallel_loop3A_360, %parallel_loop3A_362 : vector<16xi32>
      %parallel_loop3A_364 = arith.cmpi sge, %parallel_loop3A_355, %broadcast_in_dim3A_329 : vector<16xi32>
      %parallel_loop3A_365 = arith.extui %parallel_loop3A_364 : vector<16xi1> to vector<16xi32>
      %parallel_loop3A_366 = arith.addi %parallel_loop3A_363, %parallel_loop3A_365 : vector<16xi32>
      %parallel_loop3A_367 = arith.cmpi sge, %parallel_loop3A_355, %broadcast_in_dim3A_330 : vector<16xi32>
      %parallel_loop3A_368 = arith.extui %parallel_loop3A_367 : vector<16xi1> to vector<16xi32>
      %parallel_loop3A_369 = arith.addi %parallel_loop3A_366, %parallel_loop3A_368 : vector<16xi32>
      %parallel_loop3A_370 = arith.cmpi sge, %parallel_loop3A_355, %broadcast_in_dim3A_331 : vector<16xi32>
      %parallel_loop3A_371 = arith.extui %parallel_loop3A_370 : vector<16xi1> to vector<16xi32>
      %parallel_loop3A_372 = arith.addi %parallel_loop3A_369, %parallel_loop3A_371 : vector<16xi32>
      %parallel_loop3A_373 = arith.cmpi sge, %parallel_loop3A_355, %broadcast_in_dim3A_332 : vector<16xi32>
      %parallel_loop3A_374 = arith.extui %parallel_loop3A_373 : vector<16xi1> to vector<16xi32>
      %parallel_loop3A_375 = arith.addi %parallel_loop3A_372, %parallel_loop3A_374 : vector<16xi32>
      %parallel_loop3A_376 = arith.cmpi sge, %parallel_loop3A_355, %broadcast_in_dim3A_333 : vector<16xi32>
      %parallel_loop3A_377 = arith.extui %parallel_loop3A_376 : vector<16xi1> to vector<16xi32>
      %parallel_loop3A_378 = arith.addi %parallel_loop3A_375, %parallel_loop3A_377 : vector<16xi32>
      %parallel_loop3A_379 = arith.cmpi sge, %parallel_loop3A_355, %broadcast_in_dim3A_334 : vector<16xi32>
      %parallel_loop3A_380 = arith.extui %parallel_loop3A_379 : vector<16xi1> to vector<16xi32>
      %parallel_loop3A_381 = arith.addi %parallel_loop3A_378, %parallel_loop3A_380 : vector<16xi32>
      %parallel_loop3A_382 = arith.cmpi sge, %parallel_loop3A_355, %broadcast_in_dim3A_335 : vector<16xi32>
      %parallel_loop3A_383 = arith.extui %parallel_loop3A_382 : vector<16xi1> to vector<16xi32>
      %parallel_loop3A_384 = arith.addi %parallel_loop3A_381, %parallel_loop3A_383 : vector<16xi32>
      %parallel_loop3A_385 = arith.cmpi sge, %parallel_loop3A_355, %broadcast_in_dim3A_336 : vector<16xi32>
      %parallel_loop3A_386 = arith.extui %parallel_loop3A_385 : vector<16xi1> to vector<16xi32>
      %parallel_loop3A_387 = arith.addi %parallel_loop3A_384, %parallel_loop3A_386 : vector<16xi32>
      %parallel_loop3A_388 = arith.cmpi sge, %parallel_loop3A_355, %broadcast_in_dim3A_337 : vector<16xi32>
      %parallel_loop3A_389 = arith.extui %parallel_loop3A_388 : vector<16xi1> to vector<16xi32>
      %parallel_loop3A_390 = arith.addi %parallel_loop3A_387, %parallel_loop3A_389 : vector<16xi32>
      %parallel_loop3A_391 = arith.cmpi sge, %parallel_loop3A_355, %broadcast_in_dim3A_338 : vector<16xi32>
      %parallel_loop3A_392 = arith.extui %parallel_loop3A_391 : vector<16xi1> to vector<16xi32>
      %parallel_loop3A_393 = arith.addi %parallel_loop3A_390, %parallel_loop3A_392 : vector<16xi32>
      %parallel_loop3A_394 = arith.cmpi sge, %parallel_loop3A_355, %broadcast_in_dim3A_339 : vector<16xi32>
      %parallel_loop3A_395 = arith.extui %parallel_loop3A_394 : vector<16xi1> to vector<16xi32>
      %parallel_loop3A_396 = arith.addi %parallel_loop3A_393, %parallel_loop3A_395 : vector<16xi32>
      %parallel_loop3A_397 = arith.cmpi sge, %parallel_loop3A_355, %broadcast_in_dim3A_340 : vector<16xi32>
      %parallel_loop3A_398 = arith.extui %parallel_loop3A_397 : vector<16xi1> to vector<16xi32>
      %parallel_loop3A_399 = arith.addi %parallel_loop3A_396, %parallel_loop3A_398 : vector<16xi32>
      %parallel_loop3A_400 = arith.cmpi sge, %parallel_loop3A_355, %broadcast_in_dim3A_341 : vector<16xi32>
      %parallel_loop3A_401 = arith.extui %parallel_loop3A_400 : vector<16xi1> to vector<16xi32>
      %parallel_loop3A_402 = arith.addi %parallel_loop3A_399, %parallel_loop3A_401 : vector<16xi32>
      %parallel_loop3A_403 = tpu.vector_load_idx %arg12[%parallel_loop3A_402] : memref<16xi32, #tpu.memory_space<vmem>>[vector<16xi32>], vector<16xi32>,
      %parallel_loop3A_404 = arith.constant 512 : i32
      %parallel_loop3A_405 = vector.broadcast %parallel_loop3A_404 : i32 to vector<16xi32>
      %parallel_loop3A_406 = arith.muli %parallel_loop3A_402, %parallel_loop3A_405 : vector<16xi32>
      %parallel_loop3A_407 = arith.addi %parallel_loop3A_406, %parallel_loop3A_355 : vector<16xi32>
      %parallel_loop3A_408 = arith.subi %parallel_loop3A_407, %parallel_loop3A_403 : vector<16xi32>
      %parallel_loop3A_409 = arith.constant 8191 : i32
      %parallel_loop3A_410 = vector.broadcast %parallel_loop3A_409 : i32 to vector<16xi32>
      %parallel_loop3A_411 = arith.minsi %parallel_loop3A_408, %parallel_loop3A_410 : vector<16xi32>
      %parallel_loop3A_412 = tpu.vector_load_idx %arg9[%parallel_loop3A_411] : memref<8192xi32, #tpu.memory_space<vmem>>[vector<16xi32>], vector<16xi32>,
      %parallel_loop3A_413 = arith.cmpi slt, %parallel_loop3A_355, %broadcast_in_dim3A_342 : vector<16xi32>
      %parallel_loop3A_414 = arith.constant -1 : i32
      %parallel_loop3A_415 = vector.broadcast %parallel_loop3A_414 : i32 to vector<16xi32>
      %parallel_loop3A_416 = arith.select %parallel_loop3A_413, %parallel_loop3A_412, %parallel_loop3A_415 : vector<16xi1>, vector<16xi32>
      %parallel_loop3A_417 = arith.constant 16 : i32
      %parallel_loop3A_418 = arith.muli %parallel_loop3A_348, %parallel_loop3A_417 : i32
      %parallel_loop3A_419 = arith.index_cast %parallel_loop3A_418 : i32 to index
      %parallel_loop3A_420 = tpu.vector_load %arg10[%parallel_loop3A_419] {strides = array<i32>} : memref<512xi32, #tpu.memory_space<vmem>>, vector<16xi32>,
      tpu.vector_store %arg10[%parallel_loop3A_419], %parallel_loop3A_416 {strides = array<i32>} : memref<512xi32, #tpu.memory_space<vmem>>, vector<16xi32>,
    } {sc.loop_unroll_factor = 2 : i64, sc.parallel_access}
    %mul3A_346 = arith.constant 512 : i32
    %mul3A_347 = arith.muli %arg1, %mul3A_346 : i32
    "tpu.region"() ({
      %run_scoped3A = tpu.sem_alloc : memref<!tpu.dma_semaphore, #tpu.memory_space<semaphore_mem>>
      %dma_start3A_348 = tpu.memref_slice %arg3[%mul3A_347] : memref<8192xi32, #tpu.memory_space<hbm>> -> memref<512xi32, #tpu.memory_space<hbm>>
      %dma_start3A_349 = tpu.memref_slice %arg3[%mul3A_347] : memref<8192xi32, #tpu.memory_space<hbm>> -> memref<512xi32, #tpu.memory_space<hbm>>
      tpu.enqueue_dma source(%arg10 : memref<512xi32, #tpu.memory_space<vmem>>) target(%dma_start3A_349 : memref<512xi32, #tpu.memory_space<hbm>>) target_semaphore(%run_scoped3A : memref<!tpu.dma_semaphore, #tpu.memory_space<semaphore_mem>>)
      %dma_wait3A_350 = tpu.memref_slice %arg3[%mul3A_347] : memref<8192xi32, #tpu.memory_space<hbm>> -> memref<512xi32, #tpu.memory_space<hbm>>
      %dma_wait3A_351 = tpu.memref_slice %arg3[%mul3A_347] : memref<8192xi32, #tpu.memory_space<hbm>> -> memref<512xi32, #tpu.memory_space<hbm>>
      tpu.wait_dma2 semaphore(%run_scoped3A : memref<!tpu.dma_semaphore, #tpu.memory_space<semaphore_mem>>) src(%arg10 : memref<512xi32, #tpu.memory_space<vmem>>) dst(%dma_wait3A_351 : memref<512xi32, #tpu.memory_space<hbm>>)
      tpu.yield
    }) : () -> ()
    return
  }
}

</mosaic_0001>

<sc_bundles>
// kernel: kernel.3.cloned.1.call-start
scs
__scs_entry_jumppad:
0x0: {  	(pc) =	sbr.rel $0x88, $3  }
0x1: {  	(tag) =	ssettag $0x0;
	lr =	simm.s32 $0x1  }
0x2: {  	[smem:$0x3FA0] =	sst lr;
	_ =	strace $0xD0000000  }
0x3: {  	_ = 	snop  }
0x4: {  	_ = 	snop  }
0x5: {  	_ = 	snop  }
0x6: {  	_ = 	snop  }
0x7: {  	_ = 	snop  }
__scs_overlays_trampoline_lowered:
0x8: {  	[smem:$0x3FAF] =	sst s0  }
0x9: {  	[smem:$0x3FB0] =	sst s1  }
0xa: {  	[smem:$0x3FB1] =	sst s2  }
0xb: {  	[smem:$0x3FB2] =	sst s3  }
0xc: {  	[smem:$0x3FB3] =	sst s4  }
0xd: {  	[smem:$0x3FB4] =	sst s5  }
0xe: {  	[smem:$0x3FB5] =	sst s6  }
0xf: {  	[smem:$0x3FB6] =	sst s7  }
0x10: {  	[smem:$0x3FB7] =	sst s8  }
0x11: {  	[smem:$0x3FB8] =	sst s9;
	s0 =	simm.s32 @!p0 $0x0  }
0x12: {  	s1 =	sld [smem:$0x3F9E];
	s0 =	simm.s32 @p0 $0x1  }
0x13: {  	[smem:$0x3FB9] =	sst s0;
	s0 =	simm.s32 @!p1 $0x0  }
0x14: {  	s2 =	sld [smem:$0x3F9D];
	s0 =	simm.s32 @p1 $0x1  }
0x15: {  	[smem:$0x3FBA] =	sst s0;
	s0 =	simm.s32 @!p2 $0x0  }
0x16: {  	s3 =	sld [smem:$0x3FDB];
	s0 =	simm.s32 @p2 $0x1  }
0x17: {  	s4 =	simm.s32 $0x1BF5;
	[smem:$0x3FBC] =	sst s0  }
0x18: {  	s0 =	sld [smem:$0x3F9F];
	_ =	swait.ge [sflag:s4], $0x0  }
0x19: {  	s7 =	sld [smem:$0x3FA0]  }
0x1a: {  	s8 =	sadd.s32 $0xFFFFE003, lr  }
0x1b: {  	s9 =	sadd.s32 $0xFFFFFEF7, lr;
	s5 =	simm.s32 $0xFFFFFFFF;
	p2 =	slt.u32 s8, $0xFFFFF086  }
0x1c: {  	p1 =	slt.u32 s9, $0xF7A;
	s5 =	simm.s32 @!p2 $0x0  }
0x1d: {  	s5 =	simm.s32 @p1 $0x1;
	p0 =	seq.s32 s7, s2  }
0x1e: {  	s7 =	smul.u32 @!p0 $0xF7A, s2;
	p2 =	seq.s32 @!p0 s5, $0x0  }
0x1f: {  	s9 =	smul.u32 $0xF7A, s1;
	s8 =	simm.s32 @!p0 $0x1BF5;
	p2 =	por !p2, p0  }
0x20: {  	[sflag:s8] =	ssyncset.s32 @!p0 $0xFFFFF086;
	s6 =	sadd.s32 @!p0 s3, s7;
	s7 =	simm.s32 @!p0 $0x108  }
0x21: {  	s3 =	sadd.s32 s3, s9;
	s6 =	sadd.s32 @!p0 $0x88, s6;
	s7 =	simm.s32 @p2 $0x1082  }
0x22: {  	[simem:s7], [sflag:s8] =	dma.local @!p0 [hbm:s6], $0xF7A  }
0x23: {  	s9 =	sor.u32 $0xD0000000, s2;
	s6 =	simm.s32 $0x108;
	_ =	swait.ge @!p0 [sflag:s8], $0x0  }
0x24: {  	s3 =	sadd.s32 $0x88, s3;
	s6 =	simm.s32 @!p1 $0x1082;
	[sflag:s4] =	ssyncset.s32 $0xFFFFF086  }
0x25: {  	[simem:s6], [sflag:s4] =	dma.local [hbm:s3], $0xF7A  }
0x26: {  	[smem:$0x3FA0] =	sst s1;
	(tag) =	ssettag s2;
	_ =	strace s9  }
0x27: {  	s1 =	sld [smem:$0x3FB0]  }
0x28: {  	s2 =	sld [smem:$0x3FB1]  }
0x29: {  	s4 =	sld [smem:$0x3FB3]  }
0x2a: {  	p0 =	seq.s32 s5, $0x0;
	s5 =	sld [smem:$0x3FB4]  }
0x2b: {  	s6 =	sld [smem:$0x3FB5]  }
0x2c: {  	s7 =	sld [smem:$0x3FB6]  }
0x2d: {  	s3 =	simm.s32 $0x108;
	s8 =	sld [smem:$0x3FB7]  }
0x2e: {  	s3 =	simm.s32 @!p0 $0x1082;
	s9 =	sld [smem:$0x3FB8]  }
0x2f: {  	lr =	sadd.s32 s0, s3;
	s0 =	sld [smem:$0x3FAF]  }
0x30: {  	s3 =	sld [smem:$0x3FB2]  }
0x31: {  	[smem:$0x3FBB] =	sst s10  }
0x32: {  	s10 =	sld [smem:$0x3FB9];
	_ =	sdelay $0x3  }
0x33: {  	p0 =	seq.s32 s10, $0x1;
	s10 =	sld [smem:$0x3FBB];
	_ =	sdelay $0x3  }
0x34: {  	[smem:$0x3FBB] =	sst s10  }
0x35: {  	s10 =	sld [smem:$0x3FBA];
	_ =	sdelay $0x3  }
0x36: {  	p1 =	seq.s32 s10, $0x1;
	s10 =	sld [smem:$0x3FBB];
	_ =	sdelay $0x3  }
0x37: {  	[smem:$0x3FBB] =	sst s10  }
0x38: {  	s10 =	sld [smem:$0x3FBC]  }
0x39: {  	_ = 	snop;
	(pc) =	sbr.ind lr, $3  }
0x3a: {  	_ = 	snop  }
0x3b: {  	_ = 	snop  }
0x3c: {  	p2 =	seq.s32 s10, $0x1;
	s10 =	sld [smem:$0x3FBB]  }
0x3d: {  	_ =	shalt  }
0x3e: {  	_ =	shalt  }
0x3f: {  	_ =	shalt  }
0x40: {  	_ =	shalt  }
0x41: {  	_ =	shalt  }
0x42: {  	_ =	shalt  }
0x43: {  	_ =	shalt  }
0x44: {  	_ =	shalt  }
0x45: {  	_ =	shalt  }
0x46: {  	_ =	shalt  }
0x47: {  	_ =	shalt  }
0x48: {  	_ =	shalt  }
0x49: {  	_ =	shalt  }
0x4a: {  	_ =	shalt  }
0x4b: {  	_ =	shalt  }
0x4c: {  	_ =	shalt  }
0x4d: {  	_ =	shalt  }
0x4e: {  	_ =	shalt  }
0x4f: {  	_ =	shalt  }
0x50: {  	_ =	shalt  }
0x51: {  	_ =	shalt  }
0x52: {  	_ =	shalt  }
0x53: {  	_ =	shalt  }
0x54: {  	_ =	shalt  }
0x55: {  	_ =	shalt  }
0x56: {  	_ =	shalt  }
0x57: {  	_ =	shalt  }
0x58: {  	_ =	shalt  }
0x59: {  	_ =	shalt  }
0x5a: {  	_ =	shalt  }
0x5b: {  	_ =	shalt  }
0x5c: {  	_ =	shalt  }
0x5d: {  	_ =	shalt  }
0x5e: {  	_ =	shalt  }
0x5f: {  	_ =	shalt  }
0x60: {  	_ =	shalt  }
0x61: {  	_ =	shalt  }
0x62: {  	_ =	shalt  }
0x63: {  	_ =	shalt  }
0x64: {  	_ =	shalt  }
0x65: {  	_ =	shalt  }
0x66: {  	_ =	shalt  }
0x67: {  	_ =	shalt  }
0x68: {  	_ =	shalt  }
0x69: {  	_ =	shalt  }
0x6a: {  	_ =	shalt  }
0x6b: {  	_ =	shalt  }
0x6c: {  	_ =	shalt  }
0x6d: {  	_ =	shalt  }
0x6e: {  	_ =	shalt  }
0x6f: {  	_ =	shalt  }
0x70: {  	_ =	shalt  }
0x71: {  	_ =	shalt  }
0x72: {  	_ =	shalt  }
0x73: {  	_ =	shalt  }
0x74: {  	_ =	shalt  }
0x75: {  	_ =	shalt  }
0x76: {  	_ =	shalt  }
0x77: {  	_ =	shalt  }
0x78: {  	_ =	shalt  }
0x79: {  	_ =	shalt  }
0x7a: {  	_ =	shalt  }
0x7b: {  	_ =	shalt  }
0x7c: {  	_ =	shalt  }
0x7d: {  	_ =	shalt  }
0x7e: {  	_ =	shalt  }
0x7f: {  	_ =	shalt  }
0x80: {  	_ =	shalt  }
0x81: {  	_ =	shalt  }
0x82: {  	_ =	shalt  }
0x83: {  	_ =	shalt  }
0x84: {  	_ =	shalt  }
0x85: {  	_ =	shalt  }
0x86: {  	_ =	shalt  }
0x87: {  	_ =	shalt  }
.Lfunc_end0:
.L_simem_size_0:
called_computation_lowered:
.L_overlay_start_0:
0x88: {  	s0 =	sld [smem:$0x3FD9]  }
0x89: {  	s1 =	sld [smem:$0x3FFE];
	_ =	sdelay $0x3  }
0x8a: {  	s0 =	sadd.s32 s1, s0  }
0x8b: {  	[smem:$0x3FC7] =	sst s0  }
0x8c: {  	_ = 	snop  }
0x8d: {  	s0 =	sld [smem:$0x3FD0];
	_ =	sdelay $0x2  }
0x8e: {  	s13 =	simm.s32 $0xA;
	s2 =	simm.s32 $0x10  }
0x8f: {  	[smem:s2], [sflag:s13] =	dma.local [hbm:s0], $0x1  }
0x90: {  	_ =	swait.eq [sflag:s13], $0x1  }
0x91: {  	[sflag:s13] =	ssyncset.done $0x0  }
0x92: {  	s14 =	sld [smem:$0x10];
	[sflag:s13] =	ssyncadd.s32 $0xFFFFFFFF  }
0x93: {  	s15 =	sld [smem:$0x11];
	(tm) =	ssettm $0x1  }
0x94: {  	s16 =	sld [smem:$0x3FFB];
	_ =	sdelay $0x3  }
0x95: {  	_ =	strace s16  }
0x96: {  	s2 =	sld [smem:$0x3FFC];
	_ =	sdelay $0x3  }
0x97: {  	_ =	strace s2  }
0x98: {  	s2 =	sld [smem:$0x3FFD];
	_ =	sdelay $0x3  }
0x99: {  	_ =	strace s2  }
0x9a: {  	_ =	strace $0x8FFFFFFF  }
0x9b: {  	s17 =	sld [smem:$0x3FDB];
	_ =	sdelay $0x1  }
0x9c: {  	s3 =	simm.s32 $_scs_section_size  }
0x9d: {  	s4 =	simm.s32 $_size__tile_overlayer_lowered;
	s5 =	simm.s32 $_tile_overlayer_lowered  }
0x9e: {  	s20 =	simm.s32 $0x1BFF;
	s19 =	sshll.u32 s5, $0x1;
	s2 =	sadd.s32 s3, s17  }
0x9f: {  	s6 =	simm.s32 $0x0;
	s18 =	sshll.u32 s4, $0x1;
	s4 =	sadd.s32 s19, s2  }
0xa0: {  	[timem:s6], [sflag:s20] =	dma.local [hbm:s4], s18  }
0xa1: {  	_ =	swait.ge [sflag:s20], s18  }
0xa2: {  	s3 =	ssub.s32 $0x0, s18;
	[sflag:s20] =	ssyncset.done $0x0  }
0xa3: {  	[sflag:s20] =	ssyncadd.s32 s3;
	_ =	sdelay $0x1  }
0xa4: {  	s21 =	simm.s32 $0x1B8B  }
0xa5: {  	_ =	swait.ge [sflag:s21], $0x1  }
0xa6: {  	[sflag:s21] =	ssyncset.done $0x0  }
0xa7: {  	s23 =	simm.s32 $0x1B8E;
	s22 =	sld [smem:$0x3FFE];
	[sflag:s21] =	ssyncadd.s32 $0xFFFFFFFF  }
0xa8: {  	s24 =	simm.s32 $execute0_lowered;
	[smem:$0x3FD2] =	sst s23  }
0xa9: {  	s4 =	sshll.u32 s24, $0x1;
	_ =	strace $0x80000046;
	[dreg:$0x1] =	wrdreg $0xFFFFFFFF  }
0xaa: {  	s25 =	simm.s32 $_size_execute0_lowered;
	s2 =	sadd.s32 s2, s4;
	[dreg:$0x0] =	wrdreg $0x0  }
0xab: {  	s4 =	sshll.u32 s25, $0x1;
	[dreg:$0x2] =	wrdreg s2  }
0xac: {  	[dreg:$0x3] =	wrdreg s4  }
0xad: {  	[dreg:$0x4] =	wrdreg $0xC0  }
0xae: {  	_ =	task [dreg:s6], $0x5FFFF  }
0xaf: {  	[dreg:$0x1] =	wrdreg $0xFFFFFFFF  }
0xb0: {  	[dreg:$0x0] =	wrdreg $0x60  }
0xb1: {  	[dreg:$0x2] =	wrdreg s22  }
0xb2: {  	[dreg:$0x3] =	wrdreg s14  }
0xb3: {  	[dreg:$0x4] =	wrdreg s15  }
0xb4: {  	[dreg:$0x5] =	wrdreg $0x9  }
0xb5: {  	_ =	task.clear_ibuf [dreg:s6], $0x6FFFF;
	_ =	strace $0x90000046  }
0xb6: {  	s26 =	simm.s32 $0x9;
	_ =	strace $0x80000048  }
0xb7: {  	_ =	swait.ge [sflag:s26], $0x1  }
0xb8: {  	[sflag:s26] =	ssyncadd.s32 $0xFFFFFFFF  }
0xb9: {  	_ =	strace $0x90000048  }
0xba: {  	_ =	sfence  }
0xbb: {  	s28 =	sld [smem:$0x0];
	_ =	sdelay $0x1  }
0xbc: {  	s29 =	srdreg.scid  }
0xbd: {  	s30 =	sshll.u32 s29, $0xD;
	s31 =	sshrl.u32 s29, $0x2  }
0xbe: {  	s1 =	sand.u32 $0x1, s29;
	s2 =	sand.u32 $0x4000, s30;
	s0 =	sadd.s32 s31, s28  }
0xbf: {  	s1 =	sor.u32 s2, s1;
	s0 =	sshll.u32 s0, $0x11  }
0xc0: {  	s0 =	sor.u32 s0, s1  }
0xc1: {  	s0 =	sadd.s32 $0x8F2B, s0  }
0xc2: {  	[sflag:s0] =	ssyncadd.remote.s32 $0x1  }
0xc3: {  	_ =	sfence.sel $0xFFFF  }
0xc4: {  	[dreg:$0x0] =	wrdreg $0xFFFFFFFF;
	(pc) =	sbr.abs _section_cstart, $3  }
0xc5: {  	[dreg:$0x1] =	wrdreg $0xFFFFFFFF  }
0xc6: {  	_ =	task.clear_ibuf [dreg:s6], $0x2FFFF;
	_ =	strace $0x9FFFFFFF  }
0xc7: {  	(tm) =	ssettm $0x7FFFFFFF  }
tec
execute0_lowered:
.L_overlay_start_1:
0x0: {  	(tag) =	ssettag $0x1  }
0x1: {  	s5 =	rddreg [dreg:$0x0]  }
0x2: {  	s4 =	rddreg [dreg:$0x1]  }
0x3: {  	s1 =	rddreg [dreg:$0x2]  }
0x4: {  	s0 =	rddreg [dreg:$0x3]  }
0x5: {  	s3 =	simm.s32 $0x0;
	s2 =	stileid.u32;
	s8 =	simm.s32 $0x20  }
0x6: {  	[smem:$0x7FF] =	sst s3;
	s6 =	sadd.s32 $0x800, s5;
	s7 =	sshll.u32 s2, $0xB  }
0x7: {  	p0 =	seq.s32 s2, $0x0;
	_ =	strace $0x80000047;
	s7 =	sadd.s32 s6, s7  }
0x8: {  	[tilespmem:s8], [sflag:$0x1] =	stream.linear.gather [hbm4b:s7+s3], $0x4000, $0x38;
	[tilespmem:$0x6800] =	vst v63  }
0x9: {  	s7 =	sshll.u32 @!p0 s2, $0xE  }
0xa: {  	s7 =	sadd.s32 @!p0 $0xFFFFFFE0, s7  }
0xb: {  	s7 =	sshrl.u32 @!p0 s7, $0x3  }
0xc: {  	s6 =	sadd.s32 @!p0 s6, s7;
	s7 =	simm.s32 @!p0 $0x0  }
0xd: {  	[tilespmem:s7], [sflag:$0x2] =	stream.linear.gather @!p0 [hbm4b:s6+s7], $0x20, $0x38;
	[tilespmem:$0x6800] =	vst v63  }
0xe: {  	s6 =	simm.s32 @!p0 $0x2  }
0xf: {  	_ =	swait.ge @!p0 [sflag:s6], $0x20  }
0x10: {  	[sflag:s6] =	ssyncset.done @!p0 $0x0  }
0x11: {  	[sflag:s6] =	ssyncadd.s32 @!p0 $0xFFFFFFE0  }
0x12: {  	[smem:$0x0] =	sst s3  }
0x13: {  	[smem:$0x1] =	sst s3  }
0x14: {  	[smem:$0x2] =	sst s3  }
0x15: {  	[smem:$0x3] =	sst s3  }
0x16: {  	[smem:$0x4] =	sst s3  }
0x17: {  	[smem:$0x5] =	sst s3  }
0x18: {  	[smem:$0x6] =	sst s3  }
0x19: {  	[smem:$0x7] =	sst s3  }
0x1a: {  	[smem:$0x8] =	sst s3  }
0x1b: {  	[smem:$0x9] =	sst s3  }
0x1c: {  	[smem:$0xA] =	sst s3  }
0x1d: {  	[smem:$0xB] =	sst s3  }
0x1e: {  	[smem:$0xC] =	sst s3  }
0x1f: {  	[smem:$0xD] =	sst s3  }
0x20: {  	[smem:$0xE] =	sst s3  }
0x21: {  	[smem:$0xF] =	sst s3  }
0x22: {  	s25 =	simm.s32 $0x1;
	[bflag:$0x0] =	sbarrier.arrive $0xFFFF  }
0x23: {  	_ =	swait.ge [sflag:s25], $0x4000  }
0x24: {  	[sflag:s25] =	ssyncset.done $0x0  }
0x25: {  	[sflag:s25] =	ssyncadd.s32 $0xFFFFC000  }
0x26: {  	v0 =	vld [tilespmem:$0x0]  }
0x27: {  	v1 =	vld [tilespmem:$0x10];
	_ =	sdelay $0x4  }
0x28: {  	v51 =	vlaneseq.u32;
	vm3 =	vcmask $0xF00;
	v2 =	vmax.f32 v0, v1  }
0x29: {  	v3 =	vimm.s32 $0x18171615;
	vm2 =	vcmask $0x1F10;
	v4 =	vimm.s32 $0x1F1E1D;
	(xrf0) =	vmax.scan.msk.f32 $0xffff, v2  }
0x2a: {  	v5 =	vimm.s32 $0x75543312;
	v6 =	vimm.s32 $0x1001F1E;
	v14 =	vimm.s32 $0x201001F  }
0x2b: {  	v16 =	vimm.s32 $0x77563514;
	v38 =	vimm.s32 $0x78573615;
	v22 =	vimm.s32 $0x4030201  }
0x2c: {  	v40 =	vimm.s32 $0x79583716;
	v44 =	vimm.s32 $0xFDDCBB9A;
	v52 =	vimm.s32 $0x7A593817  }
0x2d: {  	v63 =	vimm.s32 $0xFFDEBD9C;
	v24 =	vimm.s32 $0x7C5B3A19;
	v35 =	vimm.s32 $0x7D5C3B1A  }
0x2e: {  	v13 =	vimm.s32 $0xB0A0908;
	v15 =	vmul.u32 $0x21, v51;
	v55 =	vadd.s32 $0x1, v51  }
0x2f: {  	v50 =	vadd.s32 $0x2, v51;
	v49 =	vadd.s32 $0x3, v51;
	v48 =	vadd.s32 $0x4, v51;
	v2, _, _ =	vpop (xrf0)  }
0x30: {  	v47 =	vadd.s32 $0x5, v51;
	v58 =	vadd.s32 $0x6, v51;
	v2 =	vbroadcast v2, $0xF  }
0x31: {  	v61 =	vadd.s32 $0x7, v51;
	v60 =	vadd.s32 $0x8, v51;
	v9 =	vunpack.c.0.s8.s32 v3  }
0x32: {  	v3 =	vimm.s32 $0x1C1B1A19;
	vm0 =	veq.f32 v1, v2;
	v1 =	vor.u32 $0x80000010, v51  }
0x33: {  	vm1 =	veq.f32 v0, v2;
	v0 =	vnsel vm0, $0x80000040, v1;
	v1 =	vor.u32 $0x80000000, v51  }
0x34: {  	v8 =	vunpack.c.0.s8.s32 v4;
	v4 =	vimm.s32 $0xF9D8B796;
	v0 =	vsel vm1, v1, v0  }
0x35: {  	v29 =	vunpack.c.0.s8.s32 v6;
	v6 =	vimm.s32 $0xFAD9B897;
	v17 =	vunpack.c.0.s8.s32 v14;
	(xrf0) =	vmin.scan.msk.u32 $0xffff, v0  }
0x36: {  	v28 =	vunpack.c.0.s8.s32 v16;
	v16 =	vimm.s32 $0xFBDAB998;
	v14 =	vunpack.c.0.s8.s32 v38  }
0x37: {  	v23 =	vunpack.c.0.s8.s32 v22;
	v24 =	vunpack.c.0.s8.s32 v24;
	v38 =	vimm.s32 $0x7E5D3C1B  }
0x38: {  	v10 =	vunpack.c.0.s8.s32 v3;
	v3 =	vunpack.c.0.s8.s32 v5;
	v4 =	vunpack.c.0.s8.s32 v4  }
0x39: {  	v37 =	vadd.s32 $0x1, v15;
	v21 =	vadd.s32 $0x2, v15;
	v41 =	vadd.s32 $0x3, v15  }
0x3a: {  	v53 =	vadd.s32 $0x4, v15;
	v14 =	vand.u32 $0xFF, v14;
	v24 =	vand.u32 $0xFF, v24  }
0x3b: {  	v11 =	vsel vm2, v8, v10;
	v3 =	vand.u32 $0xFF, v3;
	v2 =	vimm.s32 $0x14131211;
	v0, _, _ =	vpop (xrf0)  }
0x3c: {  	v2 =	vunpack.c.0.s8.s32 v2;
	(v2sf) =	vpush v0, $0xF;
	v0 =	vimm.s32 $0x74533211  }
0x3d: {  	vm0 =	vcmask $0x3F30;
	v1 =	vimm.s32 $0xF8D7B695;
	v0 =	vunpack.c.0.s8.s32 v0  }
0x3e: {  	vm1 =	vcmask $0x2F10;
	v1 =	vunpack.c.0.s8.s32 v1;
	v2 =	vsel vm2, v9, v2  }
0x3f: {  	v9 =	vsel vm2, v10, v9;
	v59 =	vcombine.low v2, v11;
	v0 =	vand.u32 $0xFF, v0  }
0x40: {  	v2 =	vimm.s32 $0x15141312;
	v1 =	vand.u32 $0xFF, v1;
	v0 =	vnsel vm3, $0x1E0, v0  }
0x41: {  	v10 =	vunpack.c.0.s8.s32 v40;
	v5 =	vunpack.c.0.s8.s32 v2;
	v34 =	vsel vm2, v1, v0  }
0x42: {  	v0 =	vnsel vm3, $0x1E1, v3;
	v1 =	vand.u32 $0xFF, v4;
	v3 =	vimm.s32 $0x19181716  }
0x43: {  	v4 =	vimm.s32 $0x1D1C1B1A;
	v2 =	vunpack.c.0.s8.s32 v3;
	v3 =	vimm.s32 $0x76553413  }
0x44: {  	v40 =	vimm.s32 $0xE2C1A09F;
	v4 =	vunpack.c.0.s8.s32 v4;
	v3 =	vunpack.c.0.s8.s32 v3  }
0x45: {  	v10 =	vand.u32 $0xFF, v10;
	v31 =	vsel vm2, v1, v0;
	v1 =	vunpack.c.0.s8.s32 v6  }
0x46: {  	v5 =	vsel vm2, v2, v5;
	v25 =	vsel vm2, v29, v4;
	v0 =	vand.u32 $0xFF, v3  }
0x47: {  	v1 =	vand.u32 $0xFF, v1;
	v6 =	vnsel vm3, $0x1E2, v0;
	v0 =	vimm.s32 $0x16151413  }
0x48: {  	v3 =	vimm.s32 $0x1A191817;
	v54 =	vcombine.low v5, v25;
	v12 =	vunpack.c.0.s8.s32 v0  }
0x49: {  	v0 =	vunpack.c.0.s8.s32 v3;
	v3 =	vimm.s32 $0x1E1D1C1B;
	v32 =	vsel vm2, v1, v6  }
0x4a: {  	v1 =	vunpack.c.0.s8.s32 v16;
	v16 =	vimm.s32 $0xFCDBBA99;
	v3 =	vunpack.c.0.s8.s32 v3  }
0x4b: {  	v6 =	vand.u32 $0xFF, v28;
	v28 =	vimm.s32 $0x87654321;
	v16 =	vunpack.c.0.s8.s32 v16  }
0x4c: {  	v28 =	vunpack.c.l.s4.s8 v28;
	v5 =	vsel vm2, v0, v12;
	v26 =	vsel vm2, v17, v3  }
0x4d: {  	v1 =	vand.u32 $0xFF, v1;
	v56 =	vcombine.low v5, v26;
	v5 =	vnsel vm3, $0x1E3, v6  }
0x4e: {  	v6 =	vimm.s32 $0x17161514;
	v18 =	vsel vm2, v1, v5;
	v1 =	vimm.s32 $0x3020100  }
0x4f: {  	s26 =	spop (v2sf);
	v5 =	vimm.s32 $0x1F1E1D1C;
	v36 =	vunpack.c.0.s8.s32 v6;
	v6 =	vimm.s32 $0x1B1A1918  }
0x50: {  	s6 =	sxor.u32 $0x80000000, s26;
	v1 =	vunpack.c.0.s8.s32 v1;
	v5 =	vunpack.c.0.s8.s32 v5;
	v6 =	vunpack.c.0.s8.s32 v6  }
0x51: {  	v10 =	vnsel vm3, $0x1E5, v10;
	v39 =	vand.u32 $0xFF, v16;
	v33 =	vunpack.c.0.s8.s32 v28;
	s6 =	simm.s32 @p0 $0xFFFFFFFF  }
0x52: {  	v7 =	vmov s6;
	v1 =	vsel vm2, v1, v5;
	v12 =	vsel vm2, v6, v36  }
0x53: {  	v36 =	vimm.s32 $0xE1C0BF9E;
	v57 =	vcombine.low v12, v1;
	v1 =	vnsel vm3, $0x1E4, v14  }
0x54: {  	v12 =	vunpack.c.0.s8.s32 v52;
	v16 =	vsel vm2, v39, v1;
	v1 =	vsel vm2, v23, v8  }
0x55: {  	v62 =	vcombine.low v9, v1;
	v1 =	vunpack.c.0.s8.s32 v44;
	v9 =	vimm.s32 $0x5040302  }
0x56: {  	v52 =	vimm.s32 $0xE3C2A180;
	v23 =	vimm.s32 $0xE0DFBE9D;
	v9 =	vunpack.c.0.s8.s32 v9  }
0x57: {  	v39 =	vimm.s32 $0xA9876543;
	v30 =	vunpack.c.0.s8.s32 v23;
	v1 =	vand.u32 $0xFF, v1  }
0x58: {  	v44 =	vimm.s32 $0x7F5E3D1C;
	v14 =	vsel vm2, v1, v10;
	v22 =	vsel vm2, v9, v29  }
0x59: {  	v1 =	vimm.s32 $0x7B5A3918;
	v9 =	vand.u32 $0xFF, v12;
	v10 =	vimm.s32 $0xFEDDBC9B  }
0x5a: {  	v12 =	vunpack.c.0.s8.s32 v63;
	v1 =	vunpack.c.0.s8.s32 v1;
	v10 =	vunpack.c.0.s8.s32 v10  }
0x5b: {  	v23 =	vimm.s32 $0x605F3E1D;
	v28 =	vunpack.c.0.s8.s32 v44;
	v9 =	vnsel vm3, $0x1E6, v9  }
0x5c: {  	v27 =	vand.u32 $0xFF, v12;
	v1 =	vand.u32 $0xFF, v1;
	v10 =	vand.u32 $0xFF, v10  }
0x5d: {  	v1 =	vnsel vm3, $0x1E7, v1;
	v12 =	vsel vm2, v10, v9;
	v9 =	vnsel vm3, $0x1E8, v24  }
0x5e: {  	v10 =	vand.u32 $0xFF, v30;
	v24 =	vand.u32 $0xF, v33;
	v33 =	vimm.s32 $0x32107654  }
0x5f: {  	v30 =	vunpack.c.0.s8.s32 v52;
	v1 =	vsel vm2, v27, v1;
	v9 =	vsel vm2, v10, v9  }
0x60: {  	v10 =	vimm.s32 $0x98765432;
	v11 =	vcombine.low v11, v24;
	v27 =	vunpack.c.0.s8.s32 v38  }
0x61: {  	v33 =	vunpack.c.l.s4.s8 v33;
	v24 =	vimm.s32 $0x43218765;
	v10 =	vunpack.c.l.s4.s8 v10  }
0x62: {  	v38 =	vimm.s32 $0xC0B0A09;
	[tilespmem:$0x1FBB0] =	vst v9;
	v9 =	vunpack.c.0.s8.s32 v35;
	v30 =	vand.u32 $0xFF, v30  }
0x63: {  	v44 =	vunpack.c.0.s8.s32 v38;
	[tilespmem:$0x1FE20] =	vst v11;
	v11 =	vunpack.c.0.s8.s32 v36;
	v10 =	vunpack.c.0.s8.s32 v10  }
0x64: {  	v33 =	vunpack.c.0.s8.s32 v33;
	v36 =	vimm.s32 $0x61403F1E;
	v9 =	vand.u32 $0xFF, v9  }
0x65: {  	v9 =	vnsel vm3, $0x1E9, v9;
	v11 =	vand.u32 $0xFF, v11;
	v10 =	vand.u32 $0xF, v10  }
0x66: {  	v9 =	vsel vm2, v11, v9;
	v11 =	vunpack.c.l.s4.s8 v39;
	v10 =	vcombine.low v25, v10  }
0x67: {  	v36 =	vunpack.c.0.s8.s32 v36;
	v63 =	vand.u32 $0xF, v33;
	v33 =	vunpack.c.l.s4.s8 v24  }
0x68: {  	s28 =	simm.s32 $0x20;
	v11 =	vunpack.c.0.s8.s32 v11;
	[tilespmem:$0x1FBD0] =	vst v10;
	v10 =	vand.u32 $0xFF, v27;
	v27 =	vunpack.c.0.s8.s32 v40  }
0x69: {  	v24 =	vmovc v41;
	v41 =	vadd.s32 s28, v41;
	v39 =	vadd.s32 s28, v21;
	v10 =	vnsel vm3, $0x1EA, v10  }
0x6a: {  	v35 =	vand.u32 $0xF, v11;
	v11 =	vand.u32 $0xFF, v28;
	v27 =	vand.u32 $0xFF, v27  }
0x6b: {  	v28 =	vnsel vm3, $0x1EB, v11;
	v11 =	vsel vm2, v27, v10;
	v10 =	vcombine.low v26, v35  }
0x6c: {  	[tilespmem:$0x4080] =	vst v7;
	v7 =	vand.u32 $0xFF, v36;
	v25 =	vimm.s32 $0xE4C3A281;
	v33 =	vunpack.c.0.s8.s32 v33  }
0x6d: {  	v7 =	vnsel vm3, $0x1ED, v7;
	v26 =	vadd.s32 s28, v15;
	[tilespmem:$0x1FE60] =	vst v10;
	v10 =	vsel vm2, v30, v28  }
0x6e: {  	v28 =	vunpack.c.0.s8.s32 v13;
	v30 =	vunpack.c.0.s8.s32 v23;
	v23 =	vmovc v37;
	v37 =	vadd.s32 s28, v37  }
0x6f: {  	v33 =	vand.u32 $0xF, v33;
	v40 =	vimm.s32 $0x54329876;
	v27 =	vsel vm1, v63, v5  }
0x70: {  	[tilespmem:$0x1FF10] =	vst v17;
	v13 =	vsel vm0, v28, v27;
	v28 =	vunpack.c.0.s8.s32 v25;
	v27 =	vimm.s32 $0xE5C4A382  }
0x71: {  	v8 =	vsel vm1, v33, v8;
	v30 =	vand.u32 $0xFF, v30;
	[tilespmem:$0x1FE90] =	vst v13;
	v36 =	vunpack.c.0.s8.s32 v27  }
0x72: {  	v8 =	vsel vm0, v44, v8;
	v30 =	vnsel vm3, $0x1EC, v30;
	v28 =	vand.u32 $0xFF, v28;
	v35 =	vld.idx.msk [tilespmem:v26+s3+$0x0], $0xffff  }
0x73: {  	v40 =	vunpack.c.l.s4.s8 v40;
	v37 =	vld.idx.msk [tilespmem:v37+s3+$0x0], $0xffff;
	v36 =	vand.u32 $0xFF, v36;
	v63 =	vsel vm2, v28, v30;
	[tilespmem:$0x1FEA0] =	vst v8  }
0x74: {  	v43 =	vadd.s32 $0x5, v15;
	v42 =	vadd.s32 $0x6, v15;
	[tilespmem:$0x1FBC0] =	vst v63;
	v7 =	vsel vm2, v36, v7  }
0x75: {  	s29 =	simm.s32 $0x220;
	v19 =	vadd.s32 $0x7, v15;
	v46 =	vadd.s32 $0x8, v15;
	v52 =	vunpack.c.0.s8.s32 v40;
	[tilespmem:$0x1FBE0] =	vst v7  }
0x76: {  	v33 =	vadd.s32 s29, v15;
	v44 =	vimm.s32 $0xD0C0B0A;
	v40 =	vadd.s32 s28, v53;
	v8 =	vld.idx.msk [tilespmem:v39+s3+$0x0], $0xffff  }
0x77: {  	v13 =	vand.u32 $0xF, v52;
	v52 =	vimm.s32 $0x6241201F;
	v36 =	vadd.s32 s28, v43  }
0x78: {  	v29 =	vsel vm1, v13, v29;
	v26 =	vmovc v42;
	v42 =	vadd.s32 s28, v42;
	v30 =	vunpack.c.0.s8.s32 v44;
	v38 =	vld.idx.msk [tilespmem:v41+s3+$0x0], $0xffff  }
0x79: {  	v63 =	vimm.s32 $0xE6C5A483;
	v41 =	vadd.s32 s29, v23;
	vm4 =	vgt.f32 v37, v35  }
0x7a: {  	v7 =	vsel vm0, v30, v29;
	v39 =	vunpack.c.0.s8.s32 v52;
	v35 =	vsel vm4, v37, v35  }
0x7b: {  	v13 =	vmovc v23;
	v40 =	vld.idx.msk [tilespmem:v40+s3+$0x0], $0xffff;
	v23 =	vadd.s32 s29, v21;
	v37 =	vunpack.c.0.s8.s32 v63;
	vm5 =	vgt.f32 v8, v35  }
0x7c: {  	v45 =	vadd.s32 $0x9, v15;
	v39 =	vand.u32 $0xFF, v39;
	v36 =	vld.idx.msk [tilespmem:v36+s3+$0x0], $0xffff;
	[tilespmem:$0x1FEC0] =	vst v7;
	v8 =	vsel vm5, v8, v35  }
0x7d: {  	v27 =	vnsel vm3, $0x1EE, v39;
	v33 =	vld.idx.msk [tilespmem:v33+s3+$0x0], $0xffff;
	v52 =	vand.u32 $0xFF, v37;
	vm3 =	vgt.f32 v38, v8  }
0x7e: {  	v63 =	vadd.s32 s28, v19;
	v37 =	vld.idx.msk [tilespmem:v41+s3+$0x0], $0xffff;
	[tilespmem:$0x1FC30] =	vst v19;
	v38 =	vsel vm3, v38, v8;
	v8 =	vsel vm2, v52, v27  }
0x7f: {  	v2 =	vsel vm2, v4, v2;
	v0 =	vsel vm2, v3, v0;
	v41 =	vadd.s32 s29, v24;
	v42 =	vld.idx.msk [tilespmem:v42+s3+$0x0], $0xffff;
	[tilespmem:$0x1FBF0] =	vst v8  }
0x80: {  	v20 =	vadd.s32 $0x10, v15;
	v44 =	vsel vm4, v55, v51;
	vm12 =	vgt.f32 v40, v38;
	v35 =	vld.idx.msk [tilespmem:v23+s3+$0x0], $0xffff;
	[tilespmem:$0x1FC00] =	vst v49  }
0x81: {  	v3 =	vimm.s32 $0x76543210;
	v25 =	vmovc v43;
	v23 =	vsel vm5, v50, v44;
	v38 =	vsel vm12, v40, v38;
	[tilespmem:$0x1FC40] =	vst v46  }
0x82: {  	v7 =	vmovc v24;
	v24 =	vadd.s32 s29, v53;
	[tilespmem:$0x1FC10] =	vst v48;
	v30 =	vsel vm3, v49, v23;
	vm13 =	vgt.f32 v36, v38  }
0x83: {  	v27 =	vadd.s32 s28, v46;
	vm3 =	vgt.f32 v37, v33;
	v39 =	vld.idx.msk [tilespmem:v63+s3+$0x0], $0xffff;
	[tilespmem:$0x1FC20] =	vst v47;
	v30 =	vsel vm12, v48, v30  }
0x84: {  	v36 =	vsel vm13, v36, v38;
	v38 =	vadd.s32 s29, v25;
	v41 =	vld.idx.msk [tilespmem:v41+s3+$0x0], $0xffff;
	v63 =	vsel vm13, v47, v30  }
0x85: {  	v33 =	vsel vm3, v37, v33;
	vm14 =	veq.f32 v42, v36;
	vm6 =	vgt.u32 v63, v58  }
0x86: {  	v29 =	vmovc v53;
	v53 =	vmovc v25;
	v25 =	vadd.s32 s28, v45;
	vm7 =	vgt.f32 v42, v36;
	vm5 =	vmand vm14, vm6  }
0x87: {  	v24 =	vld.idx.msk [tilespmem:v24+s3+$0x0], $0xffff;
	v52 =	vsel vm3, v55, v51;
	vm4 =	vgt.f32 v35, v33;
	vm5 =	vmor vm7, vm5  }
0x88: {  	[tilespmem:$0x1FC50] =	vst v45;
	v30 =	vadd.s32 $0x9, v51;
	v33 =	vsel vm4, v35, v33;
	v36 =	vsel vm5, v42, v36  }
0x89: {  	v40 =	vld.idx.msk [tilespmem:v27+s3+$0x0], $0xffff;
	v27 =	vsel vm5, v58, v63;
	v63 =	vadd.s32 $0xA, v15;
	vm13 =	vgt.f32 v41, v33  }
0x8a: {  	v38 =	vld.idx.msk [tilespmem:v38+s3+$0x0], $0xffff;
	vm15 =	veq.f32 v39, v36;
	vm12 =	vgt.u32 v27, v61;
	vm8 =	vgt.f32 v39, v36  }
0x8b: {  	v33 =	vsel vm13, v41, v33;
	v41 =	vadd.s32 s29, v26;
	vm5 =	vmand vm15, vm12  }
0x8c: {  	v23 =	vmovc v48;
	v48 =	vmovc v45;
	v45 =	vadd.s32 s28, v63;
	vm6 =	vgt.f32 v24, v33;
	vm5 =	vmor vm8, vm5  }
0x8d: {  	v8 =	vmovc v26;
	v26 =	vadd.s32 s29, v19;
	v33 =	vsel vm6, v24, v33;
	v36 =	vsel vm5, v39, v36  }
0x8e: {  	v35 =	vld.idx.msk [tilespmem:v25+s3+$0x0], $0xffff;
	v24 =	vadd.s32 $0xB, v15;
	v39 =	vsel vm5, v61, v27;
	vm14 =	veq.f32 v40, v36  }
0x8f: {  	vm15 =	vgt.u32 v39, v60;
	vm9 =	vgt.f32 v40, v36;
	vm12 =	vgt.f32 v38, v33  }
0x90: {  	vm5 =	vmand vm14, vm15;
	v37 =	vsel vm12, v38, v33;
	v33 =	vsel vm4, v50, v52  }
0x91: {  	v25 =	vld.idx.msk [tilespmem:v41+s3+$0x0], $0xffff;
	v52 =	vadd.s32 $0xC, v15;
	vm5 =	vmor vm9, vm5;
	v33 =	vsel vm13, v49, v33  }
0x92: {  	v49 =	vadd.s32 s28, v52;
	v36 =	vsel vm5, v40, v36;
	v39 =	vsel vm5, v60, v39  }
0x93: {  	v27 =	vld.idx.msk [tilespmem:v45+s3+$0x0], $0xffff;
	v33 =	vsel vm6, v23, v33;
	vm3 =	veq.f32 v35, v36;
	vm13 =	vgt.u32 v39, v30  }
0x94: {  	vm14 =	vgt.f32 v35, v36;
	v45 =	vsel vm12, v47, v33;
	vm3 =	vmand vm3, vm13  }
0x95: {  	v47 =	vadd.s32 s28, v24;
	v33 =	vadd.s32 $0xA, v51;
	vm3 =	vmor vm14, vm3  }
0x96: {  	[tilespmem:$0x1FC90] =	vst v24;
	vm8 =	vgt.u32 v45, v58;
	vm15 =	veq.f32 v25, v37;
	v35 =	vsel vm3, v35, v36  }
0x97: {  	v36 =	vld.idx.msk [tilespmem:v26+s3+$0x0], $0xffff;
	vm4 =	vmand vm15, vm8;
	v39 =	vsel vm3, v30, v39;
	vm3 =	vgt.f32 v25, v37  }
0x98: {  	v42 =	vld.idx.msk [tilespmem:v49+s3+$0x0], $0xffff;
	v49 =	vadd.s32 s29, v46;
	v26 =	vadd.s32 $0xE, v15;
	vm9 =	veq.f32 v27, v35  }
0x99: {  	vm10 =	vgt.u32 v39, v33;
	vm11 =	vgt.f32 v27, v35;
	vm3 =	vmor vm3, vm4  }
0x9a: {  	vm4 =	vcmask $0x2320;
	vm5 =	vmand vm9, vm10;
	v37 =	vsel vm3, v25, v37  }
0x9b: {  	v41 =	vsel vm3, v58, v45;
	v34 =	vsel vm4, $0x119, v34;
	vm3 =	vcmask $0x2724  }
0x9c: {  	v25 =	vadd.s32 $0xF, v15;
	v31 =	vsel vm4, $0x11A, v31;
	v32 =	vsel vm4, $0x11B, v32  }
0x9d: {  	v40 =	vld.idx.msk [tilespmem:v47+s3+$0x0], $0xffff;
	v45 =	vor.u32 $0x10, v51;
	v47 =	vadd.s32 s29, v63;
	v18 =	vsel vm4, $0x11C, v18  }
0x9e: {  	v16 =	vsel vm4, $0x11D, v16;
	v14 =	vsel vm4, $0x11E, v14;
	v12 =	vsel vm4, $0x11F, v12  }
0x9f: {  	v1 =	vsel vm4, $0x100, v1;
	vm5 =	vmor vm11, vm5;
	vm13 =	vgt.u32 v41, v61  }
0xa0: {  	v34 =	vsel vm3, $0x13A, v34;
	v31 =	vsel vm3, $0x13B, v31;
	v32 =	vsel vm3, $0x13C, v32  }
0xa1: {  	v18 =	vsel vm3, $0x13D, v18;
	v16 =	vsel vm3, $0x13E, v16;
	v14 =	vsel vm3, $0x13F, v14  }
0xa2: {  	v28 =	vmovc v50;
	v12 =	vsel vm3, $0x120, v12;
	v1 =	vsel vm3, $0x121, v1;
	v50 =	vsel vm5, v27, v35  }
0xa3: {  	v39 =	vsel vm5, v33, v39;
	v35 =	vadd.s32 $0xB, v51;
	v27 =	vadd.s32 $0xD, v15  }
0xa4: {  	vm12 =	veq.f32 v36, v37;
	vm15 =	vgt.u32 v39, v35;
	v23 =	vadd.s32 s28, v27  }
0xa5: {  	vm6 =	vmand vm12, vm13;
	vm12 =	vgt.f32 v36, v37;
	vm14 =	veq.f32 v40, v50  }
0xa6: {  	vm13 =	vgt.f32 v40, v50;
	vm8 =	vmor vm12, vm6;
	vm6 =	vcmask $0x2F2C  }
0xa7: {  	vm5 =	vmand vm14, vm15;
	v36 =	vsel vm8, v36, v37;
	v37 =	vadd.s32 $0xC, v51  }
0xa8: {  	v46 =	vsel vm8, v61, v41;
	v41 =	vadd.s32 $0xE, v51;
	vm5 =	vmor vm13, vm5  }
0xa9: {  	vm11 =	vgt.u32 v46, v60;
	v38 =	vsel vm5, v40, v50;
	v39 =	vsel vm5, v35, v39  }
0xaa: {  	v50 =	vadd.s32 s28, v26;
	vm5 =	vcmask $0x2B28;
	vm14 =	veq.f32 v42, v38  }
0xab: {  	v40 =	vld.idx.msk [tilespmem:v23+s3+$0x0], $0xffff;
	[tilespmem:$0x1FCD0] =	vst v26;
	vm15 =	vgt.u32 v39, v37;
	vm12 =	vgt.f32 v42, v38;
	v34 =	vsel vm5, $0x15B, v34  }
0xac: {  	v44 =	vld.idx.msk [tilespmem:v49+s3+$0x0], $0xffff;
	v49 =	vadd.s32 s28, v25;
	v31 =	vsel vm5, $0x15C, v31;
	v32 =	vsel vm5, $0x15D, v32  }
0xad: {  	v18 =	vsel vm5, $0x15E, v18;
	v16 =	vsel vm5, $0x15F, v16;
	v14 =	vsel vm5, $0x140, v14  }
0xae: {  	v12 =	vsel vm5, $0x141, v12;
	v1 =	vsel vm5, $0x142, v1;
	vm7 =	vmand vm14, vm15  }
0xaf: {  	v34 =	vsel vm6, $0x17C, v34;
	v31 =	vsel vm6, $0x17D, v31;
	v32 =	vsel vm6, $0x17E, v32  }
0xb0: {  	v18 =	vsel vm6, $0x17F, v18;
	v16 =	vsel vm6, $0x160, v16;
	v14 =	vsel vm6, $0x161, v14  }
0xb1: {  	v12 =	vsel vm6, $0x162, v12;
	v1 =	vsel vm6, $0x163, v1;
	vm9 =	vmor vm12, vm7  }
0xb2: {  	vm7 =	vcmask $0x3330;
	v38 =	vsel vm9, v42, v38;
	v23 =	vsel vm9, v37, v39  }
0xb3: {  	v39 =	vadd.s32 $0xD, v51;
	v34 =	vsel vm7, $0x19D, v34;
	v31 =	vsel vm7, $0x19E, v31  }
0xb4: {  	v32 =	vsel vm7, $0x19F, v32;
	v18 =	vsel vm7, $0x180, v18;
	v16 =	vsel vm7, $0x181, v16  }
0xb5: {  	v14 =	vsel vm7, $0x182, v14;
	v43 =	vld.idx.msk [tilespmem:v50+s3+$0x0], $0xffff;
	vm13 =	veq.f32 v40, v38;
	vm10 =	vgt.u32 v23, v39  }
0xb6: {  	v12 =	vsel vm7, $0x183, v12;
	vm14 =	vgt.f32 v40, v38;
	vm9 =	vmand vm13, vm10  }
0xb7: {  	vm15 =	veq.f32 v44, v36;
	vm10 =	vgt.f32 v44, v36;
	vm8 =	vmor vm14, vm9  }
0xb8: {  	v42 =	vld.idx.msk [tilespmem:v49+s3+$0x0], $0xffff;
	v49 =	vadd.s32 s28, v20;
	vm9 =	vmand vm15, vm11;
	v38 =	vsel vm8, v40, v38  }
0xb9: {  	v50 =	vsel vm8, v39, v23;
	vm10 =	vmor vm10, vm9;
	vm9 =	vcmask $0x3B38  }
0xba: {  	v23 =	vadd.s32 s29, v48;
	vm11 =	vgt.u32 v50, v41;
	vm8 =	veq.f32 v43, v38  }
0xbb: {  	vm12 =	vgt.f32 v43, v38;
	vm11 =	vmand vm8, vm11;
	vm8 =	vcmask $0x3734  }
0xbc: {  	v36 =	vsel vm10, v44, v36;
	vm11 =	vmor vm12, vm11;
	v34 =	vsel vm8, $0x1BE, v34  }
0xbd: {  	v31 =	vsel vm8, $0x1BF, v31;
	v32 =	vsel vm8, $0x1A0, v32;
	v38 =	vsel vm11, v43, v38  }
0xbe: {  	v40 =	vsel vm11, v41, v50;
	v43 =	vadd.s32 $0xF, v51;
	v50 =	vld.idx.msk [tilespmem:v49+s3+$0x0], $0xffff;
	v19 =	vsel vm9, $0x1DF, v34  }
0xbf: {  	vm11 =	veq.f32 v42, v38;
	vm12 =	vgt.u32 v40, v43;
	v34 =	vadd.s32 s28, v19  }
0xc0: {  	v18 =	vsel vm8, $0x1A1, v18;
	vm13 =	vgt.f32 v42, v38;
	vm11 =	vmand vm11, vm12  }
0xc1: {  	v16 =	vsel vm8, $0x1A2, v16;
	v14 =	vsel vm8, $0x1A3, v14;
	[tilespmem:$0x1FC60] =	vst v19;
	vm11 =	vmor vm13, vm11  }
0xc2: {  	v4 =	vsel vm8, $0x1A4, v12;
	v38 =	vsel vm11, v42, v38;
	v40 =	vsel vm11, v43, v40;
	v42 =	vld.idx.msk [tilespmem:v23+s3+$0x0], $0xffff  }
0xc3: {  	v48 =	vsel vm9, $0x1C1, v32;
	vm11 =	veq.f32 v50, v38;
	vm12 =	vgt.u32 v40, v45  }
0xc4: {  	v19 =	vsel vm9, $0x1C0, v31;
	vm13 =	vgt.f32 v50, v38;
	vm11 =	vmand vm11, vm12;
	v34 =	vld.idx.msk [tilespmem:v34+s3+$0x0], $0xffff  }
0xc5: {  	v49 =	vsel vm10, v60, v46;
	v14 =	vsel vm9, $0x1C4, v14;
	[tilespmem:$0x1FCA0] =	vst v19;
	vm11 =	vmor vm13, vm11  }
0xc6: {  	v23 =	vadd.s32 s28, v48;
	[tilespmem:$0x1FCC0] =	vst v48;
	v38 =	vsel vm11, v50, v38;
	v50 =	vadd.s32 s28, v19  }
0xc7: {  	vm12 =	vgt.u32 v49, v30;
	v44 =	vld.idx.msk [tilespmem:v47+s3+$0x0], $0xffff;
	v47 =	vadd.s32 s29, v52;
	vm10 =	veq.f32 v42, v36  }
0xc8: {  	v40 =	vsel vm11, v45, v40;
	vm10 =	vmand vm10, vm12;
	vm12 =	vgt.f32 v42, v36  }
0xc9: {  	vm10 =	vmor vm12, vm10;
	vm11 =	veq.f32 v34, v38;
	vm12 =	vgt.u32 v40, v59  }
0xca: {  	v19 =	vsel vm9, $0x1C2, v18;
	vm13 =	vgt.f32 v34, v38;
	vm11 =	vmand vm11, vm12  }
0xcb: {  	v36 =	vsel vm10, v42, v36;
	v31 =	vsel vm10, v30, v49;
	v49 =	vadd.s32 s29, v24;
	v32 =	vld.idx.msk [tilespmem:v50+s3+$0x0], $0xffff  }
0xcc: {  	vm11 =	vmor vm13, vm11;
	vm10 =	veq.f32 v44, v36;
	vm12 =	vgt.u32 v31, v33  }
0xcd: {  	[tilespmem:$0x1FD10] =	vst v19;
	v50 =	vadd.s32 s28, v19;
	v19 =	vsel vm9, $0x1C3, v16;
	v34 =	vsel vm11, v34, v38  }
0xce: {  	vm10 =	vmand vm10, vm12;
	vm12 =	vgt.f32 v44, v36;
	v48 =	vsel vm11, v59, v40  }
0xcf: {  	v18 =	vld.idx.msk [tilespmem:v23+s3+$0x0], $0xffff;
	v38 =	vcombine.low v2, v22;
	v2 =	vimm.s32 $0x6050403;
	vm10 =	vmor vm12, vm10  }
0xd0: {  	vm12 =	vgt.u32 v48, v54;
	v2 =	vunpack.c.0.s8.s32 v2;
	v24 =	vld.idx.msk [tilespmem:v49+s3+$0x0], $0xffff;
	vm11 =	veq.f32 v32, v34  }
0xd1: {  	v36 =	vsel vm10, v44, v36;
	vm11 =	vmand vm11, vm12;
	vm12 =	vgt.f32 v32, v34  }
0xd2: {  	v16 =	vsel vm10, v33, v31;
	v2 =	vsel vm2, v2, v17;
	vm11 =	vmor vm12, vm11  }
0xd3: {  	v46 =	vld.idx.msk [tilespmem:v50+s3+$0x0], $0xffff;
	v50 =	vadd.s32 s28, v19;
	v32 =	vsel vm11, v32, v34;
	v23 =	vsel vm11, v54, v48  }
0xd4: {  	[tilespmem:$0x1FD50] =	vst v19;
	vm11 =	veq.f32 v18, v32;
	vm12 =	vgt.u32 v23, v56;
	vm13 =	vgt.f32 v18, v32  }
0xd5: {  	v49 =	vld.idx.msk [tilespmem:v47+s3+$0x0], $0xffff;
	vm10 =	veq.f32 v24, v36;
	vm11 =	vmand vm11, vm12;
	vm12 =	vgt.u32 v16, v35  }
0xd6: {  	vm11 =	vmor vm13, vm11;
	vm10 =	vmand vm10, vm12;
	vm13 =	vgt.f32 v24, v36  }
0xd7: {  	v18 =	vsel vm11, v18, v32;
	v48 =	vsel vm11, v56, v23;
	vm10 =	vmor vm13, vm10  }
0xd8: {  	v34 =	vld.idx.msk [tilespmem:v50+s3+$0x0], $0xffff;
	v23 =	vadd.s32 s28, v14;
	vm11 =	veq.f32 v46, v18;
	vm12 =	vgt.u32 v48, v57  }
0xd9: {  	vm14 =	vgt.f32 v46, v18;
	v36 =	vsel vm10, v24, v36;
	v16 =	vsel vm10, v35, v16  }
0xda: {  	vm11 =	vmand vm11, vm12;
	vm10 =	veq.f32 v49, v36;
	vm12 =	vgt.u32 v16, v37  }
0xdb: {  	v19 =	vsel vm9, $0x1C5, v4;
	vm11 =	vmor vm14, vm11;
	vm10 =	vmand vm10, vm12  }
0xdc: {  	[tilespmem:$0x1FD70] =	vst v14;
	vm12 =	vgt.f32 v49, v36;
	v18 =	vsel vm11, v46, v18;
	v4 =	vsel vm11, v57, v48  }
0xdd: {  	[tilespmem:$0x1FD90] =	vst v19;
	vm10 =	vmor vm12, vm10;
	vm11 =	veq.f32 v34, v18;
	vm12 =	vgt.u32 v4, v62  }
0xde: {  	v24 =	vadd.s32 s29, v27;
	vm13 =	vgt.f32 v34, v18;
	v12 =	vld.idx.msk [tilespmem:v23+s3+$0x0], $0xffff;
	vm11 =	vmand vm11, vm12  }
0xdf: {  	v32 =	vsel vm10, v49, v36;
	v36 =	vmovc v27;
	v27 =	vadd.s32 s28, v19;
	vm11 =	vmor vm13, vm11  }
0xe0: {  	v1 =	vsel vm7, $0x184, v1;
	v18 =	vsel vm11, v34, v18;
	v34 =	vcombine.low v0, v2  }
0xe1: {  	v0 =	vsel vm8, $0x1A5, v1;
	v1 =	vunpack.c.l.s4.s8 v3;
	v2 =	vsel vm2, v5, v6;
	v5 =	vld [tilespmem:$0x1FBB0]  }
0xe2: {  	v11 =	vsel vm4, $0x103, v11;
	v3 =	vsel vm11, v62, v4;
	v6 =	vsel vm9, $0x1C6, v0  }
0xe3: {  	vm11 =	vgt.u32 v3, v38;
	[tilespmem:$0x1FDD0] =	vst v6;
	v1 =	vunpack.c.0.s8.s32 v1;
	vm2 =	veq.f32 v12, v18  }
0xe4: {  	vm12 =	vgt.f32 v12, v18;
	v6 =	vadd.s32 s28, v6;
	v4 =	vld.idx.msk [tilespmem:v27+s3+$0x0], $0xffff;
	vm2 =	vmand vm2, vm11  }
0xe5: {  	v11 =	vsel vm3, $0x124, v11;
	v0 =	vld.idx.msk [tilespmem:v24+s3+$0x0], $0xffff;
	vm2 =	vmor vm12, vm2  }
0xe6: {  	v46 =	vcombine.low v2, v1;
	v2 =	vsel vm10, v37, v16;
	v5 =	vsel vm4, $0x101, v5  }
0xe7: {  	v12 =	vsel vm2, v12, v18;
	v3 =	vsel vm2, v38, v3;
	v5 =	vsel vm3, $0x122, v5  }
0xe8: {  	vm12 =	vgt.u32 v2, v39;
	vm11 =	vgt.u32 v3, v34;
	v1 =	vsel vm5, $0x143, v5  }
0xe9: {  	v5 =	vld.idx.msk [tilespmem:v6+s3+$0x0], $0xffff;
	v6 =	vsel vm4, $0x102, v9;
	v1 =	vsel vm6, $0x164, v1;
	vm10 =	veq.f32 v4, v12  }
0xea: {  	vm2 =	veq.f32 v0, v32;
	vm13 =	vgt.f32 v4, v12;
	vm10 =	vmand vm10, vm11  }
0xeb: {  	vm2 =	vmand vm2, vm12;
	vm12 =	vgt.f32 v0, v32;
	v1 =	vsel vm7, $0x185, v1  }
0xec: {  	vm10 =	vmor vm13, vm10;
	vm2 =	vmor vm12, vm2;
	v1 =	vsel vm8, $0x1A6, v1  }
0xed: {  	v50 =	vsel vm9, $0x1C7, v1;
	v1 =	vsel vm3, $0x123, v6;
	v6 =	vadd.s32 s29, v26  }
0xee: {  	v4 =	vsel vm10, v4, v12;
	v3 =	vsel vm10, v34, v3;
	v9 =	vadd.s32 s28, v50  }
0xef: {  	v1 =	vsel vm5, $0x144, v1;
	vm10 =	veq.f32 v5, v4;
	vm11 =	vgt.u32 v3, v46  }
0xf0: {  	vm12 =	vgt.f32 v5, v4;
	v1 =	vsel vm6, $0x165, v1;
	vm10 =	vmand vm10, vm11  }
0xf1: {  	v0 =	vsel vm2, v0, v32;
	v32 =	vld [tilespmem:$0x1FE20];
	v1 =	vsel vm7, $0x186, v1;
	vm10 =	vmor vm12, vm10  }
0xf2: {  	s30 =	simm.s32 $0x420;
	v2 =	vsel vm2, v39, v2;
	v4 =	vsel vm10, v5, v4;
	v1 =	vsel vm8, $0x1A7, v1;
	v6 =	vld.idx.msk [tilespmem:v6+s3+$0x0], $0xffff  }
0xf3: {  	v5 =	vsel vm5, $0x145, v11;
	v11 =	vadd.s32 s30, v15;
	v3 =	vsel vm10, v46, v3;
	v9 =	vld.idx.msk [tilespmem:v9+s3+$0x0], $0xffff  }
0xf4: {  	v49 =	vsel vm9, $0x1C8, v1;
	v1 =	vsel vm6, $0x166, v5;
	v5 =	vsel vm4, $0x104, v10  }
0xf5: {  	vm10 =	vgt.u32 v2, v41;
	v1 =	vsel vm7, $0x187, v1;
	v5 =	vsel vm3, $0x125, v5  }
0xf6: {  	v10 =	vadd.s32 s28, v49;
	v1 =	vsel vm8, $0x1A8, v1;
	v5 =	vsel vm5, $0x146, v5  }
0xf7: {  	vm12 =	vgt.u32 v3, v32;
	v48 =	vsel vm9, $0x1C9, v1;
	v1 =	vsel vm6, $0x167, v5  }
0xf8: {  	v5 =	vadd.s32 s30, v13;
	vm2 =	veq.f32 v6, v0;
	vm11 =	veq.f32 v9, v4  }
0xf9: {  	vm2 =	vmand vm2, vm10;
	vm11 =	vmand vm11, vm12;
	vm12 =	vgt.f32 v6, v0  }
0xfa: {  	v1 =	vsel vm7, $0x188, v1;
	v11 =	vld.idx.msk [tilespmem:v11+s3+$0x0], $0xffff;
	vm10 =	vgt.f32 v9, v4;
	vm2 =	vmor vm12, vm2  }
0xfb: {  	v10 =	vld.idx.msk [tilespmem:v10+s3+$0x0], $0xffff;
	vm10 =	vmor vm10, vm11;
	v6 =	vsel vm2, v6, v0;
	v0 =	vsel vm8, $0x1A9, v1  }
0xfc: {  	v40 =	vadd.s32 s28, v48;
	v47 =	vsel vm9, $0x1CA, v0;
	v0 =	vsel vm10, v32, v3;
	v32 =	vld [tilespmem:$0x1FBD0]  }
0xfd: {  	v3 =	vld [tilespmem:$0x1FBC0]  }
0xfe: {  	v42 =	vadd.s32 s30, v21;
	v5 =	vld.idx.msk [tilespmem:v5+s3+$0x0], $0xffff;
	_ =	sdelay $0x1  }
0xff: {  	v24 =	vld [tilespmem:$0x1FE60];
	v16 =	vadd.s32 s30, v29;
	v4 =	vsel vm10, v9, v4;
	v1 =	vadd.s32 s30, v7  }
0x100: {  	v9 =	vld.idx.msk [tilespmem:v40+s3+$0x0], $0xffff;
	vm10 =	veq.f32 v10, v4;
	v44 =	vadd.s32 s28, v47;
	vm11 =	vgt.u32 v0, v32  }
0x101: {  	vm12 =	vgt.f32 v10, v4;
	v3 =	vsel vm4, $0x105, v3;
	vm10 =	vmand vm10, vm11  }
0x102: {  	v14 =	vld.idx.msk [tilespmem:v42+s3+$0x0], $0xffff;
	v3 =	vsel vm3, $0x126, v3;
	vm11 =	vmor vm12, vm10;
	vm10 =	vgt.f32 v5, v11  }
0x103: {  	v22 =	vmovc v29;
	v29 =	vld [tilespmem:$0x1FE90];
	v3 =	vsel vm5, $0x147, v3;
	v4 =	vsel vm11, v10, v4;
	v5 =	vsel vm10, v5, v11  }
0x104: {  	v1 =	vld.idx.msk [tilespmem:v1+s3+$0x0], $0xffff;
	v0 =	vsel vm11, v32, v0;
	v10 =	vadd.s32 s30, v53;
	v3 =	vsel vm6, $0x168, v3  }
0x105: {  	v11 =	vld.idx.msk [tilespmem:v44+s3+$0x0], $0xffff;
	vm11 =	veq.f32 v9, v4;
	vm12 =	vgt.u32 v0, v24;
	v3 =	vsel vm7, $0x189, v3  }
0x106: {  	v26 =	vld.idx.msk [tilespmem:v16+s3+$0x0], $0xffff;
	vm13 =	vgt.f32 v9, v4;
	vm11 =	vmand vm11, vm12;
	v3 =	vsel vm8, $0x1AA, v3  }
0x107: {  	vm12 =	vmor vm13, vm11;
	v44 =	vsel vm9, $0x1CB, v3;
	v3 =	vld [tilespmem:$0x1FBE0]  }
0x108: {  	vm11 =	vgt.f32 v14, v5;
	v4 =	vsel vm12, v9, v4  }
0x109: {  	v27 =	vmovc v7;
	v5 =	vsel vm11, v14, v5;
	v9 =	vadd.s32 s28, v44;
	v0 =	vsel vm12, v24, v0;
	v7 =	vld.idx.msk [tilespmem:v10+s3+$0x0], $0xffff  }
0x10a: {  	vm13 =	vgt.f32 v1, v5;
	vm12 =	veq.f32 v11, v4;
	vm14 =	vgt.u32 v0, v29  }
0x10b: {  	v17 =	vmovc v21;
	v21 =	vld [tilespmem:$0x1FC10];
	vm15 =	vgt.f32 v11, v4;
	v1 =	vsel vm13, v1, v5;
	v5 =	vadd.s32 s30, v8  }
0x10c: {  	v12 =	vld [tilespmem:$0x1FEA0];
	vm12 =	vmand vm12, vm14;
	vm14 =	vgt.f32 v26, v1;
	v3 =	vsel vm4, $0x106, v3  }
0x10d: {  	v24 =	vld [tilespmem:$0x1FC00];
	v10 =	vadd.s32 s29, v25;
	v1 =	vsel vm14, v26, v1;
	v3 =	vsel vm3, $0x127, v3  }
0x10e: {  	v16 =	vmovc v25;
	v25 =	vld [tilespmem:$0x1FC20];
	vm12 =	vmor vm15, vm12;
	v3 =	vsel vm5, $0x148, v3;
	vm15 =	vgt.f32 v7, v1  }
0x10f: {  	v3 =	vsel vm6, $0x169, v3;
	v1 =	vsel vm15, v7, v1;
	v7 =	vld [tilespmem:$0x1FBF0]  }
0x110: {  	v9 =	vld.idx.msk [tilespmem:v9+s3+$0x0], $0xffff;
	v3 =	vsel vm7, $0x18A, v3  }
0x111: {  	v19 =	vmov v8;
	v8 =	vsel vm10, v55, v51;
	v5 =	vld.idx.msk [tilespmem:v5+s3+$0x0], $0xffff;
	v3 =	vsel vm8, $0x1AB, v3  }
0x112: {  	v42 =	vsel vm9, $0x1CC, v3;
	v3 =	vsel vm11, v28, v8  }
0x113: {  	v4 =	vsel vm12, v11, v4;
	v0 =	vsel vm12, v29, v0;
	v3 =	vsel vm13, v24, v3  }
0x114: {  	vm13 =	vgt.u32 v0, v12;
	v7 =	vsel vm4, $0x107, v7;
	v3 =	vsel vm14, v21, v3  }
0x115: {  	v7 =	vsel vm3, $0x128, v7;
	vm3 =	veq.f32 v9, v4;
	v3 =	vsel vm15, v25, v3  }
0x116: {  	v26 =	vld [tilespmem:$0x1FC30];
	vm3 =	vmand vm3, vm13;
	vm13 =	veq.f32 v5, v1;
	vm14 =	vgt.u32 v3, v58  }
0x117: {  	vm15 =	vgt.f32 v5, v1;
	vm4 =	vmand vm13, vm14  }
0x118: {  	v7 =	vsel vm5, $0x149, v7;
	vm4 =	vmor vm15, vm4  }
0x119: {  	v1 =	vsel vm4, v5, v1;
	v5 =	vsel vm6, $0x16A, v7  }
0x11a: {  	vm12 =	vgt.f32 v9, v4;
	v8 =	vadd.s32 s28, v42;
	v5 =	vsel vm7, $0x18B, v5  }
0x11b: {  	v29 =	vld [tilespmem:$0x1FC40];
	v11 =	vadd.s32 s30, v26;
	vm3 =	vmor vm12, vm3;
	v5 =	vsel vm8, $0x1AC, v5  }
0x11c: {  	v40 =	vsel vm9, $0x1CD, v5;
	v5 =	vsel vm3, v12, v0;
	v0 =	vld [tilespmem:$0x1FEC0];
	_ =	sdelay $0x1  }
0x11d: {  	v10 =	vld.idx.msk [tilespmem:v10+s3+$0x0], $0xffff  }
0x11e: {  	v8 =	vld.idx.msk [tilespmem:v8+s3+$0x0], $0xffff;
	v7 =	vadd.s32 s29, v20  }
0x11f: {  	v4 =	vsel vm3, v9, v4;
	v9 =	vld.idx.msk [tilespmem:v11+s3+$0x0], $0xffff;
	v11 =	vadd.s32 s30, v29  }
0x120: {  	vm11 =	vgt.u32 v5, v0;
	v0 =	vld [tilespmem:$0x1FC50]  }
0x121: {  	v2 =	vsel vm2, v41, v2  }
0x122: {  	vm2 =	veq.f32 v10, v6;
	v3 =	vsel vm4, v58, v3;
	vm8 =	vgt.u32 v2, v43;
	[tilespmem:$0x1FF80] =	vst v5  }
0x123: {  	vm14 =	vgt.u32 v3, v61;
	vm2 =	vmand vm2, vm8;
	v31 =	vadd.s32 s28, v40;
	v5 =	vld.idx.msk [tilespmem:v7+s3+$0x0], $0xffff  }
0x124: {  	vm3 =	vgt.f32 v10, v6;
	vm10 =	veq.f32 v8, v4;
	vm12 =	vgt.f32 v8, v4;
	v7 =	vld.idx.msk [tilespmem:v11+s3+$0x0], $0xffff  }
0x125: {  	vm13 =	veq.f32 v9, v1;
	vm3 =	vmor vm3, vm2;
	v11 =	vadd.s32 s30, v0  }
0x126: {  	v23 =	vmovc v13;
	v13 =	vmovc v20;
	v20 =	vld [tilespmem:$0x1FC60];
	vm15 =	vgt.f32 v9, v1;
	vm4 =	vmand vm13, vm14;
	v6 =	vsel vm3, v10, v6  }
0x127: {  	v2 =	vsel vm3, v43, v2;
	vm4 =	vmor vm15, vm4;
	vm5 =	vmand vm10, vm11  }
0x128: {  	v1 =	vsel vm4, v9, v1;
	v3 =	vsel vm4, v61, v3;
	v10 =	vld.idx.msk [tilespmem:v31+s3+$0x0], $0xffff;
	vm2 =	vmor vm12, vm5  }
0x129: {  	vm13 =	vgt.u32 v3, v60;
	v31 =	vld [tilespmem:$0x1FC90];
	v4 =	vsel vm2, v8, v4;
	vm12 =	veq.f32 v7, v1  }
0x12a: {  	v8 =	vadd.s32 s30, v63;
	vm14 =	vgt.f32 v7, v1;
	vm4 =	vmand vm12, vm13;
	v9 =	vld.idx.msk [tilespmem:v11+s3+$0x0], $0xffff  }
0x12b: {  	s31 =	simm.s32 $0x620;
	vm15 =	vgt.u32 v2, v45;
	vm4 =	vmor vm14, vm4;
	v11 =	vadd.s32 s29, v20  }
0x12c: {  	vm3 =	veq.f32 v5, v6;
	v1 =	vsel vm4, v7, v1;
	v7 =	vadd.s32 s31, v23;
	[tilespmem:$0x1FC80] =	vst v23;
	v23 =	vld [tilespmem:$0x1FCA0]  }
0x12d: {  	v12 =	vadd.s32 s31, v15;
	vm8 =	vgt.f32 v5, v6;
	vm3 =	vmand vm3, vm15  }
0x12e: {  	v14 =	vadd.s32 s30, v31;
	vm5 =	vmor vm8, vm3;
	v3 =	vsel vm4, v60, v3;
	[tilespmem:$0x1FC70] =	vst v15  }
0x12f: {  	vm4 =	veq.f32 v10, v4;
	vm9 =	vgt.u32 v3, v30;
	v8 =	vld.idx.msk [tilespmem:v8+s3+$0x0], $0xffff;
	vm3 =	veq.f32 v9, v1  }
0x130: {  	v2 =	vsel vm5, v45, v2;
	v11 =	vld.idx.msk [tilespmem:v11+s3+$0x0], $0xffff;
	vm10 =	vgt.f32 v9, v1;
	vm6 =	vmand vm3, vm9  }
0x131: {  	vm3 =	vgt.f32 v10, v4;
	v4 =	vsel vm5, v5, v6;
	v6 =	vld.idx.msk [tilespmem:v7+s3+$0x0], $0xffff;
	v7 =	vadd.s32 s29, v23  }
0x132: {  	vm15 =	vgt.u32 v2, v59;
	v5 =	vld.idx.msk [tilespmem:v12+s3+$0x0], $0xffff;
	v10 =	vadd.s32 s30, v52;
	vm6 =	vmor vm10, vm6  }
0x133: {  	v12 =	vadd.s32 s31, v17;
	v1 =	vsel vm6, v9, v1;
	v3 =	vsel vm6, v30, v3;
	v9 =	vld.idx.msk [tilespmem:v14+s3+$0x0], $0xffff  }
0x134: {  	v14 =	vadd.s32 s30, v16;
	vm11 =	veq.f32 v8, v1;
	vm12 =	vgt.u32 v3, v33  }
0x135: {  	v18 =	vld [tilespmem:$0x1FCC0];
	vm13 =	vgt.f32 v8, v1;
	vm6 =	vmand vm11, vm12;
	vm14 =	veq.f32 v11, v4  }
0x136: {  	vm11 =	vgt.f32 v11, v4;
	vm5 =	vmor vm13, vm6;
	vm7 =	vmand vm14, vm15;
	v7 =	vld.idx.msk [tilespmem:v7+s3+$0x0], $0xffff  }
0x137: {  	v10 =	vld.idx.msk [tilespmem:v10+s3+$0x0], $0xffff;
	v1 =	vsel vm5, v8, v1;
	vm6 =	vmor vm11, vm7;
	v3 =	vsel vm5, v33, v3  }
0x138: {  	[tilespmem:$0x1FCB0] =	vst v17;
	v17 =	vld [tilespmem:$0x1FCD0];
	v8 =	vadd.s32 s30, v36;
	vm5 =	vgt.f32 v6, v5;
	vm12 =	veq.f32 v9, v1  }
0x139: {  	vm13 =	vgt.u32 v3, v35;
	vm14 =	vgt.f32 v9, v1;
	v4 =	vsel vm6, v11, v4  }
0x13a: {  	v5 =	vsel vm5, v6, v5;
	v2 =	vsel vm6, v59, v2;
	vm7 =	vmand vm12, vm13  }
0x13b: {  	v6 =	vadd.s32 s29, v18;
	v11 =	vld.idx.msk [tilespmem:v12+s3+$0x0], $0xffff;
	v12 =	vadd.s32 s31, v27;
	vm7 =	vmor vm14, vm7  }
0x13c: {  	vm13 =	vgt.u32 v2, v54;
	v1 =	vsel vm7, v9, v1;
	vm6 =	veq.f32 v7, v4  }
0x13d: {  	vm8 =	vgt.f32 v7, v4;
	v3 =	vsel vm7, v35, v3;
	v9 =	vadd.s32 s30, v17  }
0x13e: {  	v8 =	vld.idx.msk [tilespmem:v8+s3+$0x0], $0xffff;
	vm15 =	veq.f32 v10, v1;
	vm12 =	vgt.u32 v3, v37;
	vm14 =	vgt.f32 v10, v1  }
0x13f: {  	vm6 =	vmand vm6, vm13;
	[tilespmem:$0x1FCE0] =	vst v27;
	v27 =	vmovc v16;
	v16 =	vadd.s32 s31, v53;
	vm7 =	vmand vm15, vm12  }
0x140: {  	v6 =	vld.idx.msk [tilespmem:v6+s3+$0x0], $0xffff;
	vm8 =	vmor vm8, vm6;
	vm6 =	vgt.f32 v11, v5;
	vm7 =	vmor vm14, vm7  }
0x141: {  	[tilespmem:$0x1FCF0] =	vst v22;
	v4 =	vsel vm8, v7, v4;
	v1 =	vsel vm7, v10, v1;
	v10 =	vadd.s32 s31, v22;
	v22 =	vld [tilespmem:$0x1FD10]  }
0x142: {  	v5 =	vsel vm6, v11, v5;
	v2 =	vsel vm8, v54, v2;
	v3 =	vsel vm7, v37, v3;
	v9 =	vld.idx.msk [tilespmem:v9+s3+$0x0], $0xffff  }
0x143: {  	vm14 =	vgt.u32 v2, v56;
	vm7 =	vgt.u32 v3, v39;
	[tilespmem:$0x1FD00] =	vst v53;
	vm15 =	veq.f32 v8, v1  }
0x144: {  	v53 =	vadd.s32 s31, v19;
	vm12 =	vgt.f32 v8, v1;
	v7 =	vld.idx.msk [tilespmem:v12+s3+$0x0], $0xffff;
	vm7 =	vmand vm15, vm7  }
0x145: {  	vm8 =	vgt.f32 v6, v4;
	vm13 =	veq.f32 v6, v4;
	vm7 =	vmor vm12, vm7  }
0x146: {  	v11 =	vld.idx.msk [tilespmem:v14+s3+$0x0], $0xffff;
	vm15 =	vmand vm13, vm14;
	v1 =	vsel vm7, v8, v1;
	v3 =	vsel vm7, v39, v3  }
0x147: {  	v8 =	vld.idx.msk [tilespmem:v10+s3+$0x0], $0xffff;
	v10 =	vadd.s32 s29, v22;
	vm7 =	vmor vm8, vm15;
	vm12 =	veq.f32 v9, v1  }
0x148: {  	v12 =	vld.idx.msk [tilespmem:v16+s3+$0x0], $0xffff;
	vm13 =	vgt.u32 v3, v41;
	vm14 =	vgt.f32 v9, v1;
	v4 =	vsel vm7, v6, v4  }
0x149: {  	v16 =	vld [tilespmem:$0x1FD50];
	v2 =	vsel vm7, v56, v2;
	vm9 =	vmand vm12, vm13;
	vm10 =	vgt.f32 v7, v5  }
0x14a: {  	vm8 =	vmor vm14, vm9;
	v5 =	vsel vm10, v7, v5;
	v7 =	vadd.s32 s30, v13  }
0x14b: {  	vm14 =	vgt.u32 v2, v57;
	v1 =	vsel vm8, v9, v1;
	v3 =	vsel vm8, v41, v3  }
0x14c: {  	v9 =	vsel vm5, v55, v51;
	v51 =	vadd.s32 s30, v23;
	vm9 =	vgt.f32 v8, v5  }
0x14d: {  	[tilespmem:$0x1FD20] =	vst v19;
	vm8 =	veq.f32 v11, v1;
	vm11 =	vgt.u32 v3, v43;
	vm15 =	vgt.f32 v11, v1  }
0x14e: {  	v6 =	vld.idx.msk [tilespmem:v10+s3+$0x0], $0xffff;
	v9 =	vsel vm6, v28, v9;
	v10 =	vadd.s32 s29, v16;
	v5 =	vsel vm9, v8, v5  }
0x14f: {  	vm8 =	vmand vm8, vm11;
	v8 =	vld.idx.msk [tilespmem:v53+s3+$0x0], $0xffff;
	[tilespmem:$0x1FD40] =	vst v28;
	v9 =	vsel vm10, v24, v9;
	v28 =	vadd.s32 s31, v26  }
0x150: {  	[tilespmem:$0x1FD30] =	vst v55;
	v53 =	vadd.s32 s30, v18;
	v55 =	vadd.s32 s31, v0;
	vm12 =	vgt.f32 v12, v5  }
0x151: {  	vm8 =	vmor vm15, vm8;
	v9 =	vsel vm9, v21, v9;
	v5 =	vsel vm12, v12, v5;
	v7 =	vld.idx.msk [tilespmem:v7+s3+$0x0], $0xffff  }
0x152: {  	v1 =	vsel vm8, v11, v1;
	v11 =	vadd.s32 s30, v20;
	v9 =	vsel vm12, v25, v9  }
0x153: {  	v26 =	vld [tilespmem:$0x1FD70];
	v3 =	vsel vm8, v43, v3;
	v25 =	vadd.s32 s31, v63;
	vm13 =	veq.f32 v6, v4  }
0x154: {  	vm15 =	vgt.f32 v6, v4;
	vm5 =	vmand vm13, vm14;
	vm12 =	veq.f32 v8, v5  }
0x155: {  	v10 =	vld.idx.msk [tilespmem:v10+s3+$0x0], $0xffff;
	vm13 =	vgt.u32 v9, v58;
	vm14 =	vgt.f32 v8, v5;
	vm5 =	vmor vm15, vm5  }
0x156: {  	vm6 =	vmand vm12, vm13;
	vm12 =	vgt.u32 v3, v45;
	vm15 =	veq.f32 v7, v1  }
0x157: {  	v24 =	vld [tilespmem:$0x1FD90];
	vm13 =	vgt.f32 v7, v1;
	v4 =	vsel vm5, v6, v4;
	vm6 =	vmor vm14, vm6  }
0x158: {  	v2 =	vsel vm5, v57, v2;
	v6 =	vld.idx.msk [tilespmem:v28+s3+$0x0], $0xffff;
	v28 =	vadd.s32 s30, v26;
	vm8 =	vmand vm15, vm12  }
0x159: {  	v11 =	vld.idx.msk [tilespmem:v11+s3+$0x0], $0xffff;
	v5 =	vsel vm6, v8, v5;
	vm12 =	vgt.u32 v2, v62;
	v9 =	vsel vm6, v58, v9  }
0x15a: {  	v8 =	vld.idx.msk [tilespmem:v51+s3+$0x0], $0xffff;
	[tilespmem:$0x1FD60] =	vst v58;
	v51 =	vadd.s32 s29, v48;
	vm14 =	vmor vm13, vm8;
	vm5 =	vgt.f32 v10, v4  }
0x15b: {  	vm15 =	veq.f32 v10, v4;
	v12 =	vld.idx.msk [tilespmem:v53+s3+$0x0], $0xffff;
	v53 =	vadd.s32 s29, v47;
	v1 =	vsel vm14, v7, v1  }
0x15c: {  	vm8 =	vmand vm15, vm12;
	v3 =	vsel vm14, v45, v3;
	v7 =	vadd.s32 s31, v29  }
0x15d: {  	v29 =	vadd.s32 s30, v24;
	vm14 =	vgt.u32 v3, v59;
	vm5 =	vmor vm5, vm8  }
0x15e: {  	vm13 =	veq.f32 v11, v1;
	vm15 =	vgt.f32 v11, v1;
	vm12 =	veq.f32 v6, v5  }
0x15f: {  	v4 =	vsel vm5, v10, v4;
	vm7 =	vmand vm13, vm14;
	vm13 =	vgt.u32 v9, v61  }
0x160: {  	vm6 =	vmor vm15, vm7;
	vm14 =	vmand vm12, vm13;
	vm15 =	vgt.f32 v6, v5  }
0x161: {  	v1 =	vsel vm6, v11, v1;
	v7 =	vld.idx.msk [tilespmem:v7+s3+$0x0], $0xffff;
	v3 =	vsel vm6, v59, v3;
	v11 =	vadd.s32 s29, v26  }
0x162: {  	vm12 =	vmor vm15, vm14;
	vm13 =	veq.f32 v8, v1;
	vm14 =	vgt.u32 v3, v54  }
0x163: {  	v2 =	vsel vm5, v62, v2;
	vm15 =	vgt.f32 v8, v1;
	vm7 =	vmand vm13, vm14  }
0x164: {  	v5 =	vsel vm12, v6, v5;
	v6 =	vsel vm12, v61, v9;
	vm7 =	vmor vm15, vm7  }
0x165: {  	[tilespmem:$0x1FD80] =	vst v61;
	vm13 =	vgt.u32 v6, v60;
	v1 =	vsel vm7, v8, v1;
	v8 =	vadd.s32 s30, v22  }
0x166: {  	v3 =	vsel vm7, v54, v3;
	v9 =	vld.idx.msk [tilespmem:v11+s3+$0x0], $0xffff;
	vm12 =	veq.f32 v7, v5;
	vm14 =	veq.f32 v12, v1  }
0x167: {  	v10 =	vld.idx.msk [tilespmem:v55+s3+$0x0], $0xffff;
	vm15 =	vgt.u32 v3, v56;
	v11 =	vadd.s32 s29, v24;
	vm6 =	vmand vm12, vm13  }
0x168: {  	vm12 =	vgt.f32 v7, v5;
	vm13 =	vgt.f32 v12, v1;
	vm7 =	vmand vm14, vm15  }
0x169: {  	vm15 =	vgt.u32 v2, v38;
	vm6 =	vmor vm12, vm6;
	vm7 =	vmor vm13, vm7  }
0x16a: {  	v5 =	vsel vm6, v7, v5;
	v1 =	vsel vm7, v12, v1;
	v6 =	vsel vm6, v60, v6;
	v7 =	vld.idx.msk [tilespmem:v8+s3+$0x0], $0xffff  }
0x16b: {  	v3 =	vsel vm7, v56, v3;
	v8 =	vadd.s32 s30, v16;
	[tilespmem:$0x1FDA0] =	vst v60;
	vm14 =	veq.f32 v9, v4  }
0x16c: {  	vm13 =	veq.f32 v10, v5;
	[tilespmem:$0x1FDB0] =	vst v63;
	vm12 =	vgt.f32 v9, v4;
	vm5 =	vmand vm14, vm15  }
0x16d: {  	v11 =	vld.idx.msk [tilespmem:v11+s3+$0x0], $0xffff;
	vm14 =	vgt.u32 v6, v30;
	vm15 =	vgt.f32 v10, v5;
	vm5 =	vmor vm12, vm5  }
0x16e: {  	vm6 =	vmand vm13, vm14;
	vm13 =	vgt.u32 v3, v57;
	v4 =	vsel vm5, v9, v4  }
0x16f: {  	vm6 =	vmor vm15, vm6;
	v2 =	vsel vm5, v38, v2;
	vm12 =	veq.f32 v7, v1  }
0x170: {  	v9 =	vadd.s32 s31, v31;
	v8 =	vld.idx.msk [tilespmem:v8+s3+$0x0], $0xffff;
	vm14 =	vgt.f32 v7, v1;
	vm8 =	vmand vm12, vm13  }
0x171: {  	v31 =	vadd.s32 s31, v52;
	v5 =	vsel vm6, v10, v5;
	vm15 =	vmor vm14, vm8  }
0x172: {  	vm12 =	veq.f32 v11, v4;
	vm13 =	vgt.u32 v2, v34;
	v1 =	vsel vm15, v7, v1;
	v7 =	vld.idx.msk [tilespmem:v25+s3+$0x0], $0xffff  }
0x173: {  	v10 =	vld.idx.msk [tilespmem:v28+s3+$0x0], $0xffff;
	vm5 =	vgt.f32 v11, v4;
	vm8 =	vmand vm12, vm13;
	v3 =	vsel vm15, v57, v3  }
0x174: {  	v6 =	vsel vm6, v30, v6;
	[tilespmem:$0x1FDC0] =	vst v30;
	vm5 =	vmor vm5, vm8;
	v30 =	vld [tilespmem:$0x1FDD0];
	vm15 =	vgt.u32 v3, v62  }
0x175: {  	v4 =	vsel vm5, v11, v4;
	v11 =	vadd.s32 s29, v50;
	vm14 =	veq.f32 v8, v1  }
0x176: {  	v2 =	vsel vm5, v34, v2;
	vm12 =	vgt.f32 v8, v1;
	vm7 =	vmand vm14, vm15  }
0x177: {  	vm14 =	vgt.u32 v6, v33;
	vm6 =	vmor vm12, vm7;
	vm13 =	veq.f32 v7, v5  }
0x178: {  	v1 =	vsel vm6, v8, v1;
	v8 =	vld.idx.msk [tilespmem:v9+s3+$0x0], $0xffff;
	vm12 =	vgt.f32 v7, v5;
	v3 =	vsel vm6, v62, v3  }
0x179: {  	v12 =	vld.idx.msk [tilespmem:v29+s3+$0x0], $0xffff;
	v9 =	vadd.s32 s29, v30;
	vm15 =	vmand vm13, vm14;
	vm14 =	veq.f32 v10, v1  }
0x17a: {  	vm13 =	vmor vm12, vm15;
	vm15 =	vgt.u32 v3, v38;
	vm12 =	vgt.f32 v10, v1  }
0x17b: {  	vm7 =	vmand vm14, vm15;
	v5 =	vsel vm13, v7, v5;
	v6 =	vsel vm13, v33, v6  }
0x17c: {  	[tilespmem:$0x1FDF0] =	vst v33;
	v7 =	vadd.s32 s30, v30;
	v33 =	vadd.s32 s31, v36;
	vm7 =	vmor vm12, vm7  }
0x17d: {  	[tilespmem:$0x1FDE0] =	vst v52;
	vm14 =	vgt.u32 v6, v35;
	v1 =	vsel vm7, v10, v1;
	vm13 =	veq.f32 v8, v5  }
0x17e: {  	v9 =	vld.idx.msk [tilespmem:v9+s3+$0x0], $0xffff;
	v3 =	vsel vm7, v38, v3;
	vm6 =	vmand vm13, vm14;
	vm15 =	veq.f32 v12, v1  }
0x17f: {  	v10 =	vld.idx.msk [tilespmem:v31+s3+$0x0], $0xffff;
	vm12 =	vgt.u32 v3, v34;
	vm13 =	vgt.f32 v8, v5;
	vm14 =	vgt.f32 v12, v1  }
0x180: {  	vm7 =	vmand vm15, vm12;
	vm6 =	vmor vm13, vm6;
	vm12 =	vgt.u32 v2, v46  }
0x181: {  	vm7 =	vmor vm14, vm7;
	v5 =	vsel vm6, v8, v5;
	v7 =	vld.idx.msk [tilespmem:v7+s3+$0x0], $0xffff;
	v8 =	vadd.s32 s30, v50;
	[tilespmem:$0x1FE00] =	vst v35  }
0x182: {  	v6 =	vsel vm6, v35, v6;
	[tilespmem:$0x1FE10] =	vst v36;
	v35 =	vadd.s32 s30, v49;
	v36 =	vadd.s32 s30, v48  }
0x183: {  	v1 =	vsel vm7, v12, v1;
	v3 =	vsel vm7, v34, v3;
	vm15 =	veq.f32 v9, v4  }
0x184: {  	v11 =	vld.idx.msk [tilespmem:v11+s3+$0x0], $0xffff;
	vm13 =	vgt.f32 v9, v4;
	vm14 =	veq.f32 v10, v5;
	vm5 =	vmand vm15, vm12  }
0x185: {  	v19 =	vld [tilespmem:$0x1FE20];
	vm15 =	vgt.u32 v6, v37;
	vm12 =	vgt.f32 v10, v5;
	vm5 =	vmor vm13, vm5  }
0x186: {  	vm6 =	vmand vm14, vm15;
	vm14 =	vgt.u32 v3, v46;
	vm13 =	veq.f32 v7, v1  }
0x187: {  	v8 =	vld.idx.msk [tilespmem:v8+s3+$0x0], $0xffff;
	vm15 =	vgt.f32 v7, v1;
	v4 =	vsel vm5, v9, v4;
	vm6 =	vmor vm12, vm6  }
0x188: {  	v2 =	vsel vm5, v46, v2;
	v9 =	vadd.s32 s31, v17;
	vm8 =	vmand vm13, vm14  }
0x189: {  	v5 =	vsel vm6, v10, v5;
	vm13 =	veq.f32 v11, v4;
	vm12 =	vmor vm15, vm8  }
0x18a: {  	vm14 =	vgt.u32 v2, v19;
	vm9 =	vgt.f32 v11, v4;
	v1 =	vsel vm12, v7, v1;
	v7 =	vld.idx.msk [tilespmem:v33+s3+$0x0], $0xffff  }
0x18b: {  	v6 =	vsel vm6, v37, v6;
	vm5 =	vmand vm13, vm14;
	v3 =	vsel vm12, v46, v3  }
0x18c: {  	v10 =	vld.idx.msk [tilespmem:v35+s3+$0x0], $0xffff;
	vm5 =	vmor vm9, vm5;
	vm12 =	vgt.u32 v3, v19;
	vm15 =	veq.f32 v8, v1  }
0x18d: {  	[tilespmem:$0x1FE30] =	vst v37;
	v37 =	vadd.s32 s30, v47;
	vm13 =	vgt.f32 v8, v1;
	vm7 =	vmand vm15, vm12  }
0x18e: {  	v4 =	vsel vm5, v11, v4;
	v11 =	vadd.s32 s31, v13;
	vm6 =	vmor vm13, vm7  }
0x18f: {  	v61 =	vmovc v16;
	v16 =	vld [tilespmem:$0x1FE60];
	vm15 =	vgt.u32 v6, v39;
	vm14 =	veq.f32 v7, v5;
	v1 =	vsel vm6, v8, v1  }
0x190: {  	v8 =	vld.idx.msk [tilespmem:v9+s3+$0x0], $0xffff;
	vm13 =	vgt.f32 v7, v5;
	v3 =	vsel vm6, v19, v3;
	[tilespmem:$0x1FE40] =	vst v27;
	v9 =	vadd.s32 s31, v27  }
0x191: {  	vm12 =	vmand vm14, vm15;
	v12 =	vld.idx.msk [tilespmem:v36+s3+$0x0], $0xffff;
	vm14 =	veq.f32 v10, v1;
	vm15 =	vgt.u32 v3, v32  }
0x192: {  	vm7 =	vmor vm13, vm12;
	vm12 =	vgt.f32 v10, v1;
	vm6 =	vmand vm14, vm15  }
0x193: {  	v5 =	vsel vm7, v7, v5;
	vm6 =	vmor vm12, vm6;
	v6 =	vsel vm7, v39, v6  }
0x194: {  	[tilespmem:$0x1FE50] =	vst v39;
	v39 =	vld [tilespmem:$0x1FE90];
	v1 =	vsel vm6, v10, v1;
	vm14 =	vgt.u32 v6, v41;
	v3 =	vsel vm6, v32, v3  }
0x195: {  	vm13 =	veq.f32 v8, v5;
	v7 =	vld.idx.msk [tilespmem:v9+s3+$0x0], $0xffff;
	v9 =	vadd.s32 s30, v44;
	vm12 =	vgt.u32 v3, v16  }
0x196: {  	v10 =	vld.idx.msk [tilespmem:v37+s3+$0x0], $0xffff;
	vm6 =	vmand vm13, vm14;
	vm15 =	veq.f32 v12, v1;
	vm13 =	vgt.f32 v8, v5  }
0x197: {  	vm14 =	vgt.f32 v12, v1;
	vm7 =	vmand vm15, vm12;
	vm6 =	vmor vm13, vm6  }
0x198: {  	v2 =	vsel vm5, v19, v2;
	[tilespmem:$0x1FE70] =	vst v13;
	vm7 =	vmor vm14, vm7;
	v6 =	vsel vm6, v41, v6  }
0x199: {  	[tilespmem:$0x1FE80] =	vst v41;
	v5 =	vsel vm6, v8, v5;
	v1 =	vsel vm7, v12, v1;
	vm12 =	vgt.u32 v6, v43  }
0x19a: {  	v3 =	vsel vm7, v16, v3;
	vm15 =	veq.f32 v7, v5;
	v8 =	vld.idx.msk [tilespmem:v9+s3+$0x0], $0xffff;
	v9 =	vadd.s32 s30, v42  }
0x19b: {  	v17 =	vld [tilespmem:$0x1FEA0];
	vm13 =	veq.f32 v10, v1;
	vm14 =	vgt.u32 v3, v39;
	vm6 =	vmand vm15, vm12  }
0x19c: {  	v11 =	vld.idx.msk [tilespmem:v11+s3+$0x0], $0xffff;
	vm15 =	vgt.f32 v10, v1;
	vm7 =	vmand vm13, vm14;
	vm12 =	vgt.f32 v7, v5  }
0x19d: {  	v41 =	vadd.s32 s29, v49;
	vm7 =	vmor vm15, vm7;
	vm6 =	vmor vm12, vm6  }
0x19e: {  	v52 =	vld [tilespmem:$0x1FEC0];
	v1 =	vsel vm7, v10, v1;
	v3 =	vsel vm7, v39, v3;
	v10 =	vadd.s32 s30, v40  }
0x19f: {  	v5 =	vsel vm6, v7, v5;
	v6 =	vsel vm6, v43, v6;
	v7 =	vld.idx.msk [tilespmem:v9+s3+$0x0], $0xffff;
	v9 =	vadd.s32 s31, v20  }
0x1a0: {  	vm14 =	vgt.u32 v3, v17;
	vm13 =	veq.f32 v8, v1;
	vm15 =	vgt.f32 v8, v1  }
0x1a1: {  	[tilespmem:$0x1FEB0] =	vst v43;
	vm7 =	vmand vm13, vm14;
	vm13 =	veq.f32 v11, v5;
	vm14 =	vgt.u32 v6, v45  }
0x1a2: {  	v12 =	vld.idx.msk [tilespmem:v41+s3+$0x0], $0xffff;
	vm12 =	vmor vm15, vm7;
	vm7 =	vmand vm13, vm14;
	vm15 =	vgt.f32 v11, v5  }
0x1a3: {  	v8 =	vsel vm12, v8, v1;
	vm7 =	vmor vm15, vm7;
	v1 =	vsel vm12, v17, v3;
	v10 =	vld.idx.msk [tilespmem:v10+s3+$0x0], $0xffff  }
0x1a4: {  	v3 =	vadd.s32 s31, v23;
	v5 =	vsel vm7, v11, v5;
	vm13 =	vgt.u32 v1, v52;
	v9 =	vld.idx.msk [tilespmem:v9+s3+$0x0], $0xffff  }
0x1a5: {  	v6 =	vsel vm7, v45, v6;
	v11 =	vadd.s32 s31, v18;
	vm12 =	veq.f32 v7, v8  }
0x1a6: {  	vm14 =	vgt.f32 v7, v8;
	vm7 =	vgt.u32 v6, v59;
	vm6 =	vmand vm12, vm13  }
0x1a7: {  	vm15 =	veq.f32 v12, v4;
	vm12 =	vgt.u32 v2, v32;
	vm5 =	vmor vm14, vm6  }
0x1a8: {  	vm13 =	vmand vm15, vm12;
	vm14 =	vgt.f32 v12, v4;
	v7 =	vsel vm5, v7, v8;
	v8 =	vld.idx.msk [tilespmem:v51+s3+$0x0], $0xffff  }
0x1a9: {  	v3 =	vld.idx.msk [tilespmem:v3+s3+$0x0], $0xffff;
	vm8 =	vmor vm14, vm13;
	vm6 =	vgt.f32 v10, v7;
	vm15 =	veq.f32 v9, v5  }
0x1aa: {  	[tilespmem:$0x1FED0] =	vst v45;
	v4 =	vsel vm8, v12, v4;
	vm12 =	vgt.f32 v9, v5;
	vm13 =	vmand vm15, vm7  }
0x1ab: {  	[tilespmem:$0x1FEE0] =	vst v59;
	v2 =	vsel vm8, v32, v2;
	vm7 =	veq.f32 v10, v7;
	vm9 =	vmor vm12, vm13  }
0x1ac: {  	v58 =	vmovc v22;
	v7 =	vld.idx.msk [tilespmem:v11+s3+$0x0], $0xffff;
	v11 =	vadd.s32 s29, v44;
	vm12 =	vgt.u32 v2, v16;
	v5 =	vsel vm9, v9, v5  }
0x1ad: {  	v6 =	vsel vm9, v59, v6;
	vm8 =	veq.f32 v8, v4;
	v9 =	vadd.s32 s31, v58  }
0x1ae: {  	v10 =	vld.idx.msk [tilespmem:v53+s3+$0x0], $0xffff;
	vm14 =	veq.f32 v3, v5;
	vm15 =	vgt.u32 v6, v54;
	vm13 =	vgt.f32 v3, v5  }
0x1af: {  	vm8 =	vmand vm8, vm12;
	vm9 =	vmand vm14, vm15;
	vm14 =	vgt.f32 v8, v4  }
0x1b0: {  	v55 =	vadd.s32 s29, v42;
	vm9 =	vmor vm13, vm9;
	vm8 =	vmor vm14, vm8  }
0x1b1: {  	v3 =	vsel vm9, v3, v5;
	v4 =	vsel vm8, v8, v4;
	v5 =	vsel vm9, v54, v6  }
0x1b2: {  	[tilespmem:$0x1FEF0] =	vst v54;
	v6 =	vimm.s32 $0x6543A987;
	v2 =	vsel vm8, v16, v2;
	vm15 =	veq.f32 v7, v3  }
0x1b3: {  	v11 =	vld.idx.msk [tilespmem:v11+s3+$0x0], $0xffff;
	vm12 =	vgt.u32 v5, v56;
	v6 =	vunpack.c.l.s4.s8 v6;
	vm13 =	veq.f32 v10, v4  }
0x1b4: {  	v8 =	vld.idx.msk [tilespmem:v9+s3+$0x0], $0xffff;
	vm14 =	vgt.u32 v2, v39;
	v9 =	vadd.s32 s31, v61;
	vm9 =	vmand vm15, vm12  }
0x1b5: {  	vm15 =	vgt.f32 v7, v3;
	vm8 =	vmand vm13, vm14;
	vm12 =	vgt.f32 v10, v4  }
0x1b6: {  	v58 =	vadd.s32 s29, v40;
	vm9 =	vmor vm15, vm9;
	vm8 =	vmor vm12, vm8  }
0x1b7: {  	v0 =	vld [tilespmem:$0x1FF10];
	v6 =	vunpack.c.0.s8.s32 v6;
	v3 =	vsel vm9, v7, v3;
	v5 =	vsel vm9, v56, v5  }
0x1b8: {  	[tilespmem:$0x1FF00] =	vst v56;
	v4 =	vsel vm8, v10, v4;
	v2 =	vsel vm8, v39, v2;
	vm14 =	vgt.u32 v5, v57  }
0x1b9: {  	vm12 =	veq.f32 v11, v4;
	v6 =	vand.u32 $0xF, v6;
	vm13 =	veq.f32 v8, v3;
	v7 =	vld.idx.msk [tilespmem:v9+s3+$0x0], $0xffff  }
0x1ba: {  	v9 =	vadd.s32 s31, v26;
	vm9 =	vmand vm13, vm14;
	vm13 =	vgt.u32 v2, v17  }
0x1bb: {  	v10 =	vld.idx.msk [tilespmem:v55+s3+$0x0], $0xffff;
	vm15 =	vgt.f32 v8, v3;
	vm14 =	vgt.f32 v11, v4;
	vm8 =	vmand vm12, vm13  }
0x1bc: {  	v6 =	vsel vm1, v6, v0;
	vm9 =	vmor vm15, vm9;
	vm8 =	vmor vm14, vm8  }
0x1bd: {  	v3 =	vsel vm9, v8, v3;
	v5 =	vsel vm9, v57, v5;
	v8 =	vadd.s32 s31, v24  }
0x1be: {  	[tilespmem:$0x1FF20] =	vst v57;
	v4 =	vsel vm8, v11, v4;
	vm12 =	vgt.u32 v5, v62;
	vm15 =	veq.f32 v7, v3  }
0x1bf: {  	v11 =	vsel vm8, v17, v2;
	vm1 =	vgt.f32 v7, v3;
	v9 =	vld.idx.msk [tilespmem:v9+s3+$0x0], $0xffff;
	vm13 =	vmand vm15, vm12  }
0x1c0: {  	v2 =	vld.idx.msk [tilespmem:v58+s3+$0x0], $0xffff;
	vm14 =	veq.f32 v10, v4;
	vm15 =	vgt.u32 v11, v52;
	vm1 =	vmor vm1, vm13  }
0x1c1: {  	vm12 =	vmand vm14, vm15;
	vm13 =	vgt.f32 v10, v4;
	v3 =	vsel vm1, v7, v3  }
0x1c2: {  	vm9 =	vmor vm13, vm12;
	v7 =	vimm.s32 $0xE0D0C0B;
	v5 =	vsel vm1, v62, v5  }
0x1c3: {  	v8 =	vld.idx.msk [tilespmem:v8+s3+$0x0], $0xffff;
	v4 =	vsel vm9, v10, v4;
	v7 =	vunpack.c.0.s8.s32 v7;
	vm15 =	vgt.u32 v5, v38  }
0x1c4: {  	[tilespmem:$0x1FF30] =	vst v62;
	v10 =	vadd.s32 s31, v30;
	vm14 =	vgt.f32 v9, v3;
	vm1 =	veq.f32 v9, v3  }
0x1c5: {  	v0 =	vld [tilespmem:$0x1FF80];
	[tilespmem:$0x1FF40] =	vst v38;
	vm13 =	veq.f32 v2, v4;
	vm12 =	vmand vm1, vm15;
	vm1 =	vgt.f32 v2, v4  }
0x1c6: {  	[tilespmem:$0x1FF50] =	vst v50;
	v60 =	vsel vm0, v7, v6;
	v4 =	vadd.s32 s31, v50;
	vm0 =	vmor vm14, vm12  }
0x1c7: {  	[tilespmem:$0x1FF60] =	vst v49;
	v2 =	vsel vm0, v9, v3;
	v3 =	vsel vm0, v38, v5;
	v5 =	vadd.s32 s31, v49  }
0x1c8: {  	[tilespmem:$0x1FF70] =	vst v48;
	v7 =	vadd.s32 s31, v48;
	vm0 =	veq.f32 v8, v2;
	vm14 =	vgt.u32 v3, v34  }
0x1c9: {  	v59 =	vmovc v52;
	vm15 =	vgt.f32 v8, v2;
	v9 =	vld.idx.msk [tilespmem:v10+s3+$0x0], $0xffff;
	[tilespmem:$0x1FF90] =	vst v47;
	v10 =	vadd.s32 s31, v47;
	vm0 =	vmand vm0, vm14  }
0x1ca: {  	v0 =	vsel vm2, v59, v0;
	v62 =	vadd.s32 s31, v44;
	v6 =	vmovc v59;
	[tilespmem:$0x1FFA0] =	vst v44;
	vm0 =	vmor vm15, vm0  }
0x1cb: {  	vm2 =	vgt.u32 v0, v60;
	v61 =	vsel vm0, v8, v2;
	v8 =	vld.idx.msk [tilespmem:v4+s3+$0x0], $0xffff;
	[tilespmem:$0x1FFB0] =	vst v42;
	v4 =	vadd.s32 s31, v42  }
0x1cc: {  	v1 =	vsel vm5, v6, v1;
	vm2 =	vmand vm4, vm2;
	v2 =	vmov v6;
	v6 =	vld.idx.msk [tilespmem:v5+s3+$0x0], $0xffff;
	[tilespmem:$0x1FFC0] =	vst v40  }
0x1cd: {  	vm2 =	vmor vm3, vm2;
	vm3 =	vgt.u32 v1, v60;
	v5 =	vld.idx.msk [tilespmem:v7+s3+$0x0], $0xffff;
	[tilespmem:$0x1FFD0] =	vst v34  }
0x1ce: {  	s8 =	simm.s32 $0x40A0;
	v16 =	vadd.s32 s31, v40;
	v18 =	vsel vm2, v60, v0;
	vm2 =	vmand vm7, vm3;
	v19 =	vld.idx.msk [tilespmem:v10+s3+$0x0], $0xffff  }
0x1cf: {  	v63 =	vsel vm0, v34, v3;
	vm0 =	vmor vm6, vm2;
	v3 =	vld.idx.msk [tilespmem:v62+s3+$0x0], $0xffff;
	[tilespmem:s8+$0xFFFFFFF0] =	vst v18  }
0x1d0: {  	s10 =	simm.s32 $0x40C0;
	v1 =	vsel vm0, v60, v1;
	v7 =	vld.idx.msk [tilespmem:v4+s3+$0x0], $0xffff;
	[tilespmem:$0x1FFE0] =	vst v60  }
0x1d1: {  	[tilespmem:s10+$0xFFFFFFF0] =	vst v1  }
0x1d2: {  	[tilespmem:$0x1FFF0] =	vst v46  }
0x1d3: {  	v0 =	vsel vm9, v2, v11;
	v11 =	vld.idx.msk [tilespmem:v16+s3+$0x0], $0xffff  }
0x1d4: {  	vm3 =	vgt.u32 v63, v46;
	vm2 =	veq.f32 v9, v61  }
0x1d5: {  	s11 =	simm.s32 $0x2;
	s9 =	sshll.u32 s2, $0x6;
	vm2 =	vmand vm2, vm3;
	vm3 =	vgt.f32 v9, v61  }
0x1d6: {  	s12 =	simm.s32 $0xA20;
	s5 =	sadd.s32 $0x8800, s5;
	s4 =	sadd.s32 s4, s9;
	vm0 =	vmor vm3, vm2;
	vm2 =	vgt.u32 v0, v60  }
0x1d7: {  	s7 =	sadd.s32 s5, s9;
	s9 =	simm.s32 $0x40C0;
	s6 =	sshll.u32 s2, $0x9;
	v18 =	vsel vm0, v9, v61;
	v1 =	vsel vm0, v46, v63;
	vm0 =	vmand vm13, vm2  }
.LBB2_1:
0x1d8: {  	[tilespmem:$0x1FBA0] =	vst v11;
	v11 =	vld [tilespmem:$0x1FC70]  }
0x1d9: {  	v12 =	vld [tilespmem:$0x1FC80]  }
0x1da: {  	v13 =	vld [tilespmem:$0x1FCB0]  }
0x1db: {  	v14 =	vld [tilespmem:$0x1FCE0]  }
0x1dc: {  	v15 =	vld [tilespmem:$0x1FCF0]  }
0x1dd: {  	v20 =	vld [tilespmem:$0x1FD00]  }
0x1de: {  	v22 =	vld [tilespmem:$0x1FD20]  }
0x1df: {  	v25 =	vld [tilespmem:$0x1FC30]  }
0x1e0: {  	v26 =	vld [tilespmem:$0x1FC40]  }
0x1e1: {  	v27 =	vld [tilespmem:$0x1FC50]  }
0x1e2: {  	v29 =	vld [tilespmem:$0x1FDB0]  }
0x1e3: {  	v30 =	vld [tilespmem:$0x1FC90]  }
0x1e4: {  	v33 =	vld [tilespmem:$0x1FDE0]  }
0x1e5: {  	v35 =	vld [tilespmem:$0x1FE10]  }
0x1e6: {  	v37 =	vld [tilespmem:$0x1FCD0]  }
0x1e7: {  	v39 =	vld [tilespmem:$0x1FE40]  }
0x1e8: {  	v41 =	vld [tilespmem:$0x1FE70]  }
0x1e9: {  	v43 =	vld [tilespmem:$0x1FC60]  }
0x1ea: {  	v45 =	vld [tilespmem:$0x1FCA0]  }
0x1eb: {  	v51 =	vld [tilespmem:$0x1FCC0]  }
0x1ec: {  	v53 =	vld [tilespmem:$0x1FD10]  }
0x1ed: {  	s13 =	sadd.s32 $0xFFFFFE00, s12;
	v55 =	vld [tilespmem:$0x1FD50];
	v9 =	vadd.s32 s12, v11  }
0x1ee: {  	v63 =	vld [tilespmem:$0x1FD70];
	v11 =	vadd.s32 s13, v11  }
0x1ef: {  	v21 =	vld [tilespmem:$0x1FF60];
	v10 =	vadd.s32 s12, v12;
	v12 =	vadd.s32 s13, v12  }
0x1f0: {  	v28 =	vld [tilespmem:$0x1FE20]  }
0x1f1: {  	v24 =	vld [tilespmem:$0x1FF70];
	v36 =	vadd.s32 s13, v13  }
0x1f2: {  	v31 =	vadd.s32 s12, v13;
	v49 =	vld.idx.msk [tilespmem:v9+s3+$0x0], $0xffff  }
0x1f3: {  	v50 =	vadd.s32 s13, v14;
	v40 =	vld.idx.msk [tilespmem:v11+s3+$0x0], $0xffff  }
0x1f4: {  	v32 =	vadd.s32 s12, v14;
	v54 =	vld.idx.msk [tilespmem:v12+s3+$0x0], $0xffff  }
0x1f5: {  	v17 =	vld.idx.msk [tilespmem:v10+s3+$0x0], $0xffff  }
0x1f6: {  	[tilespmem:$0x1FB80] =	vst v19;
	v34 =	vadd.s32 s12, v15;
	v15 =	vadd.s32 s13, v15;
	v19 =	vld.idx.msk [tilespmem:v36+s3+$0x0], $0xffff  }
0x1f7: {  	vm2 =	vgt.f32 v8, v18;
	v31 =	vld.idx.msk [tilespmem:v31+s3+$0x0], $0xffff  }
0x1f8: {  	vm3 =	veq.f32 v8, v18;
	v38 =	vadd.s32 s12, v20;
	v36 =	vadd.s32 s12, v21;
	v21 =	vld.idx.msk [tilespmem:v50+s3+$0x0], $0xffff  }
0x1f9: {  	v42 =	vadd.s32 s12, v22;
	v44 =	vadd.s32 s12, v25;
	v22 =	vadd.s32 s13, v22;
	v23 =	vld.idx.msk [tilespmem:v32+s3+$0x0], $0xffff  }
0x1fa: {  	v20 =	vadd.s32 s13, v20;
	v32 =	vadd.s32 s12, v24;
	v24 =	vld [tilespmem:$0x1FD30];
	vm10 =	vgt.f32 v54, v40  }
0x1fb: {  	v46 =	vadd.s32 s12, v26;
	vm4 =	vgt.u32 v1, v28;
	v15 =	vld.idx.msk [tilespmem:v15+s3+$0x0], $0xffff;
	v54 =	vsel vm10, v54, v40  }
0x1fc: {  	v47 =	vadd.s32 s12, v27;
	vm3 =	vmand vm3, vm4;
	v34 =	vld.idx.msk [tilespmem:v34+s3+$0x0], $0xffff;
	vm5 =	vgt.f32 v19, v54  }
0x1fd: {  	vm2 =	vmor vm2, vm3;
	vm3 =	vgt.f32 v17, v49;
	v19 =	vsel vm5, v19, v54;
	v54 =	vld [tilespmem:$0x1FD40]  }
0x1fe: {  	v48 =	vadd.s32 s12, v29;
	v22 =	vld.idx.msk [tilespmem:v22+s3+$0x0], $0xffff;
	v17 =	vsel vm3, v17, v49;
	v49 =	vlaneseq.u32  }
0x1ff: {  	v40 =	vsel vm2, v8, v18;
	v8 =	vld.idx.msk [tilespmem:v20+s3+$0x0], $0xffff;
	v20 =	vadd.s32 s13, v25;
	v18 =	vsel vm3, v24, v49  }
0x200: {  	vm3 =	vgt.f32 v31, v17;
	v25 =	vsel vm10, v24, v49;
	v24 =	vld [tilespmem:$0x1FC00];
	vm6 =	vgt.f32 v21, v19  }
0x201: {  	v57 =	vadd.s32 s12, v30;
	v17 =	vsel vm3, v31, v17;
	v19 =	vsel vm6, v21, v19;
	v21 =	vld.idx.msk [tilespmem:v42+s3+$0x0], $0xffff  }
0x202: {  	v58 =	vadd.s32 s12, v33;
	v42 =	vld [tilespmem:$0x1FC10];
	v18 =	vsel vm3, v54, v18;
	vm3 =	vgt.f32 v23, v17  }
0x203: {  	v59 =	vadd.s32 s12, v35;
	v60 =	vadd.s32 s12, v37;
	v17 =	vsel vm3, v23, v17;
	v23 =	vld.idx.msk [tilespmem:v44+s3+$0x0], $0xffff  }
0x204: {  	v61 =	vadd.s32 s12, v39;
	v62 =	vadd.s32 s12, v41;
	v13 =	vadd.s32 s12, v43;
	v44 =	vld [tilespmem:$0x1FC20]  }
0x205: {  	v16 =	vadd.s32 s12, v45;
	vm11 =	vgt.f32 v15, v19;
	v31 =	vsel vm5, v54, v25;
	v25 =	vld [tilespmem:$0x1FD60]  }
0x206: {  	v14 =	vadd.s32 s12, v51;
	v56 =	vadd.s32 s12, v53;
	v50 =	vld [tilespmem:$0x1FF90];
	v15 =	vsel vm11, v15, v19  }
0x207: {  	v33 =	vadd.s32 s13, v33;
	v38 =	vld.idx.msk [tilespmem:v38+s3+$0x0], $0xffff;
	vm12 =	vgt.f32 v8, v15;
	v31 =	vsel vm6, v24, v31  }
0x208: {  	v20 =	vld.idx.msk [tilespmem:v20+s3+$0x0], $0xffff;
	v19 =	vadd.s32 s13, v26;
	v8 =	vsel vm12, v8, v15;
	v31 =	vsel vm11, v42, v31  }
0x209: {  	v18 =	vsel vm3, v24, v18;
	v24 =	vld [tilespmem:$0x1FD80];
	vm13 =	vgt.f32 v34, v17;
	v15 =	vsel vm12, v44, v31  }
0x20a: {  	v49 =	vld.idx.msk [tilespmem:v47+s3+$0x0], $0xffff;
	vm14 =	veq.f32 v22, v8;
	vm3 =	vgt.f32 v22, v8;
	vm15 =	vgt.u32 v15, v25  }
0x20b: {  	v47 =	vld.idx.msk [tilespmem:v57+s3+$0x0], $0xffff;
	v17 =	vsel vm13, v34, v17;
	v34 =	vadd.s32 s13, v27;
	vm4 =	vmand vm14, vm15  }
0x20c: {  	v26 =	vld [tilespmem:$0x1FDA0];
	v18 =	vsel vm13, v42, v18;
	vm8 =	vgt.f32 v38, v17;
	vm3 =	vmor vm3, vm4  }
0x20d: {  	v19 =	vld.idx.msk [tilespmem:v19+s3+$0x0], $0xffff;
	v17 =	vsel vm8, v38, v17;
	v8 =	vsel vm3, v22, v8;
	v15 =	vsel vm3, v25, v15  }
0x20e: {  	v54 =	vld.idx.msk [tilespmem:v46+s3+$0x0], $0xffff;
	vm11 =	veq.f32 v21, v17;
	vm3 =	veq.f32 v20, v8;
	vm9 =	vgt.u32 v15, v24  }
0x20f: {  	v27 =	vld [tilespmem:$0x1FDC0];
	vm15 =	vgt.f32 v21, v17;
	vm10 =	vgt.f32 v20, v8;
	vm3 =	vmand vm3, vm9  }
0x210: {  	v38 =	vld.idx.msk [tilespmem:v60+s3+$0x0], $0xffff;
	v22 =	vsel vm8, v44, v18;
	v44 =	vadd.s32 s13, v29;
	vm3 =	vmor vm10, vm3  }
0x211: {  	v60 =	vld.idx.msk [tilespmem:v34+s3+$0x0], $0xffff;
	vm12 =	vgt.u32 v22, v25;
	v8 =	vsel vm3, v20, v8;
	v15 =	vsel vm3, v24, v15  }
0x212: {  	v46 =	vld.idx.msk [tilespmem:v58+s3+$0x0], $0xffff;
	vm3 =	vmand vm11, vm12;
	vm13 =	veq.f32 v19, v8;
	vm14 =	vgt.u32 v15, v26  }
0x213: {  	v58 =	vld [tilespmem:$0x1FDF0];
	v20 =	vadd.s32 s13, v30;
	vm7 =	vgt.f32 v19, v8;
	vm4 =	vmand vm13, vm14  }
0x214: {  	v41 =	vadd.s32 s13, v41;
	v42 =	vld.idx.msk [tilespmem:v59+s3+$0x0], $0xffff;
	vm3 =	vmor vm15, vm3;
	vm4 =	vmor vm7, vm4  }
0x215: {  	v30 =	vld.idx.msk [tilespmem:v44+s3+$0x0], $0xffff;
	v44 =	vsel vm2, v28, v1;
	v8 =	vsel vm4, v19, v8;
	v15 =	vsel vm4, v26, v15  }
0x216: {  	v31 =	vld.idx.msk [tilespmem:v62+s3+$0x0], $0xffff;
	v17 =	vsel vm3, v21, v17;
	vm2 =	veq.f32 v60, v8;
	vm4 =	vgt.u32 v15, v27  }
0x217: {  	v62 =	vld.idx.msk [tilespmem:v36+s3+$0x0], $0xffff;
	v19 =	vsel vm3, v25, v22;
	vm3 =	vgt.f32 v60, v8;
	vm2 =	vmand vm2, vm4  }
0x218: {  	v43 =	vadd.s32 s13, v43;
	v20 =	vld.idx.msk [tilespmem:v20+s3+$0x0], $0xffff;
	vm8 =	vgt.u32 v19, v24;
	vm2 =	vmor vm3, vm2  }
0x219: {  	vm3 =	veq.f32 v23, v17;
	v8 =	vsel vm2, v60, v8;
	v15 =	vsel vm2, v27, v15;
	v60 =	vld [tilespmem:$0x1FE00]  }
0x21a: {  	v36 =	vld.idx.msk [tilespmem:v32+s3+$0x0], $0xffff;
	vm2 =	vmand vm3, vm8;
	vm3 =	veq.f32 v30, v8;
	vm9 =	vgt.u32 v15, v58  }
0x21b: {  	v11 =	vadd.s32 s12, v63;
	v18 =	vld.idx.msk [tilespmem:v13+s3+$0x0], $0xffff;
	vm11 =	vgt.f32 v30, v8;
	vm3 =	vmand vm3, vm9  }
0x21c: {  	v50 =	vadd.s32 s12, v50;
	v59 =	vadd.s32 s13, v35;
	v21 =	vld.idx.msk [tilespmem:v33+s3+$0x0], $0xffff;
	vm3 =	vmor vm11, vm3  }
0x21d: {  	v57 =	vadd.s32 s13, v55;
	v13 =	vsel vm3, v30, v8;
	v15 =	vsel vm3, v58, v15;
	v30 =	vld [tilespmem:$0x1FE30]  }
0x21e: {  	v34 =	vld.idx.msk [tilespmem:v61+s3+$0x0], $0xffff;
	v61 =	vadd.s32 s13, v37;
	vm3 =	veq.f32 v20, v13;
	vm13 =	vgt.u32 v15, v60  }
0x21f: {  	v1 =	vld.idx.msk [tilespmem:v56+s3+$0x0], $0xffff;
	vm10 =	vgt.f32 v23, v17;
	vm14 =	vgt.f32 v20, v13;
	vm3 =	vmand vm3, vm13  }
0x220: {  	v56 =	vadd.s32 s13, v53;
	v33 =	vld [tilespmem:$0x1FE50];
	vm12 =	vmor vm10, vm2;
	vm3 =	vmor vm14, vm3  }
0x221: {  	v22 =	vld.idx.msk [tilespmem:v59+s3+$0x0], $0xffff;
	vm2 =	veq.f32 v6, v40;
	v13 =	vsel vm3, v20, v13;
	v15 =	vsel vm3, v60, v15  }
0x222: {  	v32 =	vld.idx.msk [tilespmem:v50+s3+$0x0], $0xffff;
	v17 =	vsel vm12, v23, v17;
	vm9 =	veq.f32 v21, v13;
	vm10 =	vgt.u32 v15, v30  }
0x223: {  	v50 =	vld [tilespmem:$0x1FBD0];
	v19 =	vsel vm12, v24, v19;
	vm12 =	vgt.f32 v21, v13;
	vm4 =	vmand vm9, vm10  }
0x224: {  	v35 =	vld [tilespmem:$0x1FE80];
	vm15 =	veq.f32 v54, v17;
	v20 =	vadd.s32 s13, v39;
	vm4 =	vmor vm12, vm4  }
0x225: {  	v23 =	vld.idx.msk [tilespmem:v61+s3+$0x0], $0xffff;
	vm8 =	vgt.u32 v19, v26;
	v13 =	vsel vm4, v21, v13;
	v15 =	vsel vm4, v30, v15  }
0x226: {  	vm3 =	vmand vm15, vm8;
	vm14 =	veq.f32 v22, v13;
	vm15 =	vgt.u32 v15, v33  }
0x227: {  	vm11 =	vgt.f32 v54, v17;
	vm9 =	vgt.f32 v22, v13;
	vm4 =	vmand vm14, vm15  }
0x228: {  	v37 =	vld [tilespmem:$0x1FEB0];
	vm13 =	vmor vm11, vm3;
	vm3 =	vgt.u32 v44, v50;
	vm4 =	vmor vm9, vm4  }
0x229: {  	v17 =	vsel vm13, v54, v17;
	v20 =	vld.idx.msk [tilespmem:v20+s3+$0x0], $0xffff;
	v13 =	vsel vm4, v22, v13;
	v15 =	vsel vm4, v33, v15  }
0x22a: {  	v19 =	vsel vm13, v26, v19;
	vm13 =	veq.f32 v23, v13;
	vm14 =	vgt.u32 v15, v35  }
0x22b: {  	v48 =	vld.idx.msk [tilespmem:v48+s3+$0x0], $0xffff;
	vm2 =	vmand vm2, vm3;
	vm8 =	vgt.f32 v23, v13;
	vm5 =	vmand vm13, vm14  }
0x22c: {  	v39 =	vld [tilespmem:$0x1FED0];
	vm10 =	veq.f32 v49, v17;
	vm11 =	vgt.u32 v19, v27;
	vm5 =	vmor vm8, vm5  }
0x22d: {  	vm12 =	vmand vm10, vm11;
	v21 =	vld.idx.msk [tilespmem:v41+s3+$0x0], $0xffff;
	v13 =	vsel vm5, v23, v13;
	v15 =	vsel vm5, v35, v15  }
0x22e: {  	vm15 =	vgt.f32 v49, v17;
	vm3 =	veq.f32 v20, v13;
	vm5 =	vgt.u32 v15, v37  }
0x22f: {  	vm4 =	vmor vm15, vm12;
	vm8 =	vgt.f32 v20, v13;
	vm3 =	vmand vm3, vm5  }
0x230: {  	v24 =	vld [tilespmem:$0x1FEE0];
	v54 =	vadd.s32 s13, v45;
	v17 =	vsel vm4, v49, v17;
	vm3 =	vmor vm8, vm3  }
0x231: {  	v22 =	vld.idx.msk [tilespmem:v43+s3+$0x0], $0xffff;
	v19 =	vsel vm4, v27, v19;
	v13 =	vsel vm3, v20, v13;
	v15 =	vsel vm3, v37, v15  }
0x232: {  	vm9 =	veq.f32 v48, v17;
	vm11 =	veq.f32 v21, v13;
	vm12 =	vgt.u32 v15, v39  }
0x233: {  	vm10 =	vgt.u32 v19, v58;
	vm14 =	vgt.f32 v21, v13;
	vm4 =	vmand vm11, vm12  }
0x234: {  	v25 =	vld [tilespmem:$0x1FEF0];
	vm13 =	vgt.f32 v48, v17;
	v20 =	vadd.s32 s13, v51;
	vm4 =	vmor vm14, vm4  }
0x235: {  	v23 =	vld.idx.msk [tilespmem:v54+s3+$0x0], $0xffff;
	vm3 =	vmand vm9, vm10;
	v13 =	vsel vm4, v21, v13;
	v15 =	vsel vm4, v39, v15  }
0x236: {  	vm15 =	vmor vm13, vm3;
	vm9 =	veq.f32 v22, v13;
	vm10 =	vgt.u32 v15, v24  }
0x237: {  	v17 =	vsel vm15, v48, v17;
	vm11 =	vgt.f32 v22, v13;
	vm4 =	vmand vm9, vm10  }
0x238: {  	v19 =	vsel vm15, v58, v19;
	v58 =	vld [tilespmem:$0x1FF00];
	vm12 =	veq.f32 v47, v17;
	vm4 =	vmor vm11, vm4  }
0x239: {  	vm13 =	vgt.u32 v19, v60;
	v20 =	vld.idx.msk [tilespmem:v20+s3+$0x0], $0xffff;
	v13 =	vsel vm4, v22, v13;
	v15 =	vsel vm4, v24, v15  }
0x23a: {  	[tilespmem:$0x1FB90] =	vst v0;
	v0 =	vld [tilespmem:$0x1FD90];
	vm4 =	vmand vm12, vm13;
	vm14 =	veq.f32 v23, v13;
	vm15 =	vgt.u32 v15, v25  }
0x23b: {  	v4 =	vld [tilespmem:$0x1FDD0];
	vm12 =	vgt.f32 v47, v17;
	vm13 =	vgt.f32 v23, v13;
	vm5 =	vmand vm14, vm15  }
0x23c: {  	vm3 =	vgt.f32 v6, v40;
	v21 =	vld.idx.msk [tilespmem:v56+s3+$0x0], $0xffff;
	vm4 =	vmor vm12, vm4;
	vm5 =	vmor vm13, vm5  }
0x23d: {  	v19 =	vsel vm4, v60, v19;
	v60 =	vld [tilespmem:$0x1FF20];
	v13 =	vsel vm5, v23, v13;
	v15 =	vsel vm5, v25, v15  }
0x23e: {  	vm2 =	vmor vm3, vm2;
	vm3 =	veq.f32 v20, v13;
	vm5 =	vgt.u32 v15, v58  }
0x23f: {  	v10 =	vadd.s32 s12, v0;
	vm14 =	vgt.f32 v20, v13;
	vm3 =	vmand vm3, vm5  }
0x240: {  	v59 =	vadd.s32 s13, v63;
	v61 =	vld [tilespmem:$0x1FF30];
	v40 =	vsel vm2, v6, v40;
	vm3 =	vmor vm14, vm3  }
0x241: {  	v6 =	vmovc v62;
	v62 =	vadd.s32 s13, v4;
	v22 =	vld.idx.msk [tilespmem:v57+s3+$0x0], $0xffff;
	v13 =	vsel vm3, v20, v13;
	v15 =	vsel vm3, v58, v15  }
0x242: {  	v17 =	vsel vm4, v47, v17;
	vm9 =	veq.f32 v21, v13;
	vm10 =	vgt.u32 v15, v60  }
0x243: {  	v2 =	vld [tilespmem:$0x1FF50];
	vm15 =	veq.f32 v46, v17;
	vm12 =	vgt.f32 v21, v13;
	vm4 =	vmand vm9, vm10  }
0x244: {  	v63 =	vld [tilespmem:$0x1FF40];
	vm8 =	vgt.u32 v19, v30;
	v20 =	vadd.s32 s13, v0;
	vm4 =	vmor vm12, vm4  }
0x245: {  	vm11 =	vgt.f32 v46, v17;
	v23 =	vld.idx.msk [tilespmem:v59+s3+$0x0], $0xffff;
	v13 =	vsel vm4, v21, v13;
	v15 =	vsel vm4, v60, v15  }
0x246: {  	vm3 =	vmand vm15, vm8;
	vm13 =	veq.f32 v22, v13;
	vm14 =	vgt.u32 v15, v61  }
0x247: {  	v0 =	vld [tilespmem:$0x1FF60];
	vm3 =	vmor vm11, vm3;
	vm15 =	vgt.f32 v22, v13;
	vm4 =	vmand vm13, vm14  }
0x248: {  	v52 =	vadd.s32 s12, v2;
	v19 =	vsel vm3, v30, v19;
	v30 =	vld [tilespmem:$0x1FFD0];
	vm4 =	vmor vm15, vm4  }
0x249: {  	v9 =	vadd.s32 s12, v4;
	v20 =	vld.idx.msk [tilespmem:v20+s3+$0x0], $0xffff;
	v13 =	vsel vm4, v22, v13;
	v15 =	vsel vm4, v61, v15  }
0x24a: {  	v41 =	vadd.s32 s13, v2;
	vm9 =	veq.f32 v23, v13;
	vm10 =	vgt.u32 v15, v63  }
0x24b: {  	v4 =	vld [tilespmem:$0x1FFF0];
	v17 =	vsel vm3, v46, v17;
	vm11 =	vgt.f32 v23, v13;
	vm4 =	vmand vm9, vm10  }
0x24c: {  	vm3 =	veq.f32 v42, v17;
	vm12 =	vgt.u32 v19, v33;
	v21 =	vld.idx.msk [tilespmem:v62+s3+$0x0], $0xffff;
	vm4 =	vmor vm11, vm4  }
0x24d: {  	v43 =	vadd.s32 s13, v0;
	v0 =	vld [tilespmem:$0x1FF70];
	v13 =	vsel vm4, v23, v13;
	v15 =	vsel vm4, v63, v15  }
0x24e: {  	vm8 =	vgt.f32 v42, v17;
	vm13 =	veq.f32 v20, v13;
	vm14 =	vgt.u32 v15, v30  }
0x24f: {  	vm3 =	vmand vm3, vm12;
	vm15 =	vgt.f32 v20, v13;
	vm4 =	vmand vm13, vm14  }
0x250: {  	v12 =	vadd.s32 s12, v55;
	vm3 =	vmor vm8, vm3;
	vm4 =	vmor vm15, vm4  }
0x251: {  	v17 =	vsel vm3, v42, v17;
	v22 =	vld.idx.msk [tilespmem:v41+s3+$0x0], $0xffff;
	v13 =	vsel vm4, v20, v13;
	v15 =	vsel vm4, v30, v15  }
0x252: {  	v20 =	vadd.s32 s13, v0;
	v0 =	vld [tilespmem:$0x1FF90];
	vm9 =	veq.f32 v21, v13;
	vm10 =	vgt.u32 v15, v4  }
0x253: {  	v19 =	vsel vm3, v33, v19;
	vm11 =	vgt.f32 v21, v13;
	vm4 =	vmand vm9, vm10  }
0x254: {  	vm3 =	veq.f32 v38, v17;
	vm12 =	vgt.u32 v19, v35;
	vm4 =	vmor vm11, vm4  }
0x255: {  	vm8 =	vgt.f32 v38, v17;
	v23 =	vld.idx.msk [tilespmem:v43+s3+$0x0], $0xffff;
	v13 =	vsel vm4, v21, v13;
	v15 =	vsel vm4, v4, v15  }
0x256: {  	vm3 =	vmand vm3, vm12;
	vm13 =	veq.f32 v22, v13;
	vm14 =	vgt.u32 v15, v28  }
0x257: {  	vm15 =	vgt.f32 v22, v13;
	v45 =	vadd.s32 s13, v0;
	v0 =	vld [tilespmem:$0x1FFA0];
	vm5 =	vmand vm13, vm14  }
0x258: {  	v49 =	vld [tilespmem:$0x1FE60];
	v47 =	vsel vm2, v50, v44;
	vm2 =	vmor vm8, vm3;
	vm4 =	vmor vm15, vm5  }
0x259: {  	v17 =	vsel vm2, v38, v17;
	v20 =	vld.idx.msk [tilespmem:v20+s3+$0x0], $0xffff;
	v13 =	vsel vm4, v22, v13;
	v15 =	vsel vm4, v28, v15  }
0x25a: {  	v19 =	vsel vm2, v35, v19;
	vm3 =	veq.f32 v23, v13;
	vm4 =	vgt.u32 v15, v50  }
0x25b: {  	v2 =	vld [tilespmem:$0x1FFB0];
	vm2 =	veq.f32 v34, v17;
	vm9 =	vgt.f32 v23, v13;
	vm3 =	vmand vm3, vm4  }
0x25c: {  	v51 =	vld [tilespmem:$0x1FE90];
	vm12 =	vgt.f32 v34, v17;
	v48 =	vadd.s32 s13, v0;
	vm3 =	vmor vm9, vm3  }
0x25d: {  	v21 =	vld.idx.msk [tilespmem:v45+s3+$0x0], $0xffff;
	v57 =	vadd.s32 s12, v0;
	v13 =	vsel vm3, v23, v13;
	v15 =	vsel vm3, v50, v15  }
0x25e: {  	v8 =	vld.idx.msk [tilespmem:v52+s3+$0x0], $0xffff;
	vm3 =	vgt.u32 v19, v37;
	vm10 =	veq.f32 v20, v13;
	vm11 =	vgt.u32 v15, v49  }
0x25f: {  	v52 =	vld [tilespmem:$0x1FFC0];
	vm3 =	vmand vm2, vm3;
	vm2 =	vgt.f32 v20, v13;
	vm4 =	vmand vm10, vm11  }
0x260: {  	v53 =	vld [tilespmem:$0x1FEA0];
	v50 =	vadd.s32 s13, v2;
	vm3 =	vmor vm12, vm3;
	vm4 =	vmor vm2, vm4  }
0x261: {  	v22 =	vld.idx.msk [tilespmem:v48+s3+$0x0], $0xffff;
	vm2 =	veq.f32 v5, v40;
	v13 =	vsel vm4, v20, v13;
	v15 =	vsel vm4, v49, v15  }
0x262: {  	v17 =	vsel vm3, v34, v17;
	vm13 =	veq.f32 v21, v13;
	vm14 =	vgt.u32 v15, v51  }
0x263: {  	v19 =	vsel vm3, v37, v19;
	vm15 =	vgt.f32 v21, v13;
	vm4 =	vmand vm13, vm14  }
0x264: {  	v54 =	vld [tilespmem:$0x1FEC0];
	v20 =	vadd.s32 s13, v52;
	vm3 =	veq.f32 v31, v17;
	vm4 =	vmor vm15, vm4  }
0x265: {  	vm9 =	vgt.u32 v19, v39;
	v23 =	vld.idx.msk [tilespmem:v50+s3+$0x0], $0xffff;
	v13 =	vsel vm4, v21, v13;
	v15 =	vsel vm4, v51, v15  }
0x266: {  	vm3 =	vmand vm3, vm9;
	vm10 =	veq.f32 v22, v13;
	vm11 =	vgt.u32 v15, v53  }
0x267: {  	vm13 =	vgt.f32 v31, v17;
	vm12 =	vgt.f32 v22, v13;
	vm5 =	vmand vm10, vm11  }
0x268: {  	vm14 =	vmor vm13, vm3;
	vm3 =	vgt.u32 v47, v49;
	vm4 =	vmor vm12, vm5  }
0x269: {  	v55 =	vld [tilespmem:$0x1FFE0];
	v17 =	vsel vm14, v31, v17;
	v13 =	vsel vm4, v22, v13;
	v15 =	vsel vm4, v53, v15  }
0x26a: {  	v19 =	vsel vm14, v39, v19;
	v20 =	vld.idx.msk [tilespmem:v20+s3+$0x0], $0xffff;
	vm15 =	veq.f32 v23, v13;
	vm9 =	vgt.u32 v15, v54  }
0x26b: {  	vm2 =	vmand vm2, vm3;
	vm10 =	vgt.f32 v23, v13;
	vm4 =	vmand vm15, vm9  }
0x26c: {  	v16 =	vld.idx.msk [tilespmem:v16+s3+$0x0], $0xffff;
	vm13 =	vgt.u32 v19, v24;
	vm11 =	veq.f32 v18, v17;
	vm4 =	vmor vm10, vm4  }
0x26d: {  	vm12 =	vgt.f32 v18, v17;
	vm14 =	vmand vm11, vm13;
	v13 =	vsel vm4, v23, v13  }
0x26e: {  	v15 =	vsel vm4, v54, v15;
	vm4 =	vmor vm12, vm14;
	vm14 =	vgt.f32 v5, v40  }
0x26f: {  	vm15 =	veq.f32 v20, v13;
	vm9 =	vgt.u32 v15, v55;
	vm10 =	vgt.f32 v20, v13  }
0x270: {  	v14 =	vld.idx.msk [tilespmem:v14+s3+$0x0], $0xffff;
	v56 =	vsel vm4, v18, v17;
	v17 =	vsel vm4, v24, v19;
	vm2 =	vmor vm14, vm2  }
0x271: {  	v0 =	vld [tilespmem:$0x1FB80];
	vm6 =	vmand vm15, vm9;
	vm11 =	veq.f32 v16, v56;
	vm13 =	vgt.u32 v17, v25  }
0x272: {  	vm12 =	vgt.f32 v16, v56;
	v18 =	vsel vm2, v49, v47;
	vm4 =	vmand vm11, vm13  }
0x273: {  	vm5 =	vmor vm10, vm6;
	vm10 =	vgt.u32 v18, v51;
	vm3 =	vmor vm12, vm4  }
0x274: {  	v15 =	vsel vm5, v55, v15;
	v13 =	vsel vm3, v16, v56;
	v16 =	vsel vm3, v25, v17  }
0x275: {  	v17 =	vsel vm2, v5, v40;
	vm15 =	veq.f32 v14, v13;
	vm8 =	vgt.u32 v16, v58  }
0x276: {  	vm3 =	vgt.f32 v14, v13;
	vm2 =	veq.f32 v0, v17;
	vm4 =	vmand vm15, vm8  }
0x277: {  	vm9 =	vgt.f32 v0, v17;
	vm2 =	vmand vm2, vm10;
	vm3 =	vmor vm3, vm4  }
0x278: {  	v12 =	vld.idx.msk [tilespmem:v12+s3+$0x0], $0xffff;
	vm2 =	vmor vm9, vm2;
	v13 =	vsel vm3, v14, v13;
	v58 =	vsel vm3, v58, v16  }
0x279: {  	v16 =	vadd.s32 s12, v2;
	vm11 =	veq.f32 v1, v13;
	vm12 =	vgt.u32 v58, v60  }
0x27a: {  	v17 =	vsel vm2, v0, v17;
	vm3 =	vgt.f32 v1, v13;
	vm5 =	vmand vm11, vm12  }
0x27b: {  	v18 =	vsel vm2, v51, v18;
	vm2 =	veq.f32 v3, v17;
	vm3 =	vmor vm3, vm5  }
0x27c: {  	v11 =	vld.idx.msk [tilespmem:v11+s3+$0x0], $0xffff;
	vm15 =	vgt.f32 v3, v17;
	v1 =	vsel vm3, v1, v13;
	v59 =	vsel vm3, v60, v58  }
0x27d: {  	vm9 =	vgt.u32 v18, v53;
	vm13 =	veq.f32 v12, v1;
	vm14 =	vgt.u32 v59, v61  }
0x27e: {  	vm2 =	vmand vm2, vm9;
	vm3 =	vgt.f32 v12, v1;
	vm4 =	vmand vm13, vm14  }
0x27f: {  	vm2 =	vmor vm15, vm2;
	vm3 =	vmor vm3, vm4  }
0x280: {  	v10 =	vld.idx.msk [tilespmem:v10+s3+$0x0], $0xffff;
	v62 =	vsel vm2, v3, v17;
	v1 =	vsel vm3, v12, v1;
	v61 =	vsel vm3, v61, v59  }
0x281: {  	v0 =	vld [tilespmem:$0x1FB90];
	v17 =	vsel vm2, v53, v18;
	vm10 =	veq.f32 v11, v1;
	vm11 =	vgt.u32 v61, v63  }
0x282: {  	v60 =	vld.idx.msk [tilespmem:v16+s3+$0x0], $0xffff;
	v16 =	vadd.s32 s12, v52;
	vm3 =	vgt.f32 v11, v1;
	vm4 =	vmand vm10, vm11  }
0x283: {  	vm0 =	vmor vm1, vm0;
	vm12 =	vgt.u32 v17, v54;
	vm2 =	vmor vm3, vm4  }
0x284: {  	v9 =	vld.idx.msk [tilespmem:v9+s3+$0x0], $0xffff;
	vm15 =	vgt.f32 v7, v62;
	v1 =	vsel vm2, v11, v1;
	v11 =	vsel vm2, v63, v61  }
0x285: {  	s10 =	sadd.s32 $0x20, s10;
	v2 =	vld [tilespmem:$0x1FBA0];
	vm3 =	veq.f32 v7, v62;
	vm13 =	veq.f32 v10, v1;
	vm14 =	vgt.u32 v11, v30  }
0x286: {  	s11 =	sadd.s32 $0x2, s11;
	[tilespmem:s10+$0xFFFFFFF0] =	vst v15;
	v15 =	vld.idx.msk [tilespmem:v57+s3+$0x0], $0xffff;
	vm2 =	vmand vm3, vm12;
	vm3 =	vgt.f32 v10, v1;
	vm4 =	vmand vm13, vm14  }
0x287: {  	p0 =	slt.u32 s11, $0x1E;
	v0 =	vsel vm0, v55, v0;
	v63 =	vld.idx.msk [tilespmem:v16+s3+$0x0], $0xffff;
	vm2 =	vmor vm15, vm2;
	vm1 =	vmor vm3, vm4  }
.Ltmp0:
0x288: {  	[tilespmem:s8+$0x0] =	vst v0;
	v0 =	vsel vm2, v54, v17;
	v1 =	vsel vm1, v10, v1;
	v10 =	vsel vm1, v30, v11;
	(pc) =	sbr.rel @p0 .LBB2_1-.Ltmp0, $4  }
0x289: {  	v11 =	vsel vm2, v7, v62;
	vm1 =	veq.f32 v9, v1;
	vm3 =	vgt.u32 v10, v4  }
0x28a: {  	v19 =	vmovc v32;
	vm0 =	vgt.f32 v9, v1;
	vm2 =	veq.f32 v2, v11;
	vm1 =	vmand vm1, vm3  }
0x28b: {  	v5 =	vmovc v36;
	v3 =	vmovc v15;
	vm3 =	vgt.u32 v0, v55;
	vm0 =	vmor vm0, vm1;
	vm1 =	vgt.f32 v2, v11  }
0x28c: {  	s12 =	sadd.s32 $0x400, s12;
	s8 =	smov.u32 s9;
	s9 =	smov.u32 s10;
	v7 =	vmovc v60;
	v11 =	vmovc v63;
	v18 =	vsel vm0, v9, v1;
	v1 =	vsel vm0, v4, v10;
	vm0 =	vmand vm2, vm3  }
0x28d: {  	v9 =	vld [tilespmem:$0x1FE20];
	_ =	sdelay $0x3  }
0x28e: {  	v62 =	vld [tilespmem:$0x1FBD0]  }
0x28f: {  	vm2 =	veq.f32 v8, v18;
	vm3 =	vgt.u32 v1, v9  }
0x290: {  	vm4 =	vgt.f32 v8, v18;
	vm2 =	vmand vm2, vm3  }
0x291: {  	vm2 =	vmor vm4, vm2  }
0x292: {  	v63 =	vld [tilespmem:$0x1FE60];
	v61 =	vsel vm2, v8, v18;
	v1 =	vsel vm2, v9, v1  }
0x293: {  	vm2 =	veq.f32 v6, v61;
	vm3 =	vgt.u32 v1, v62  }
0x294: {  	vm2 =	vmand vm2, vm3;
	vm3 =	vgt.f32 v6, v61  }
0x295: {  	vm2 =	vmor vm3, vm2  }
0x296: {  	v6 =	vsel vm2, v6, v61;
	v1 =	vsel vm2, v62, v1  }
0x297: {  	vm2 =	veq.f32 v5, v6;
	vm3 =	vgt.u32 v1, v63  }
0x298: {  	vm13 =	vgt.f32 v5, v6;
	vm2 =	vmand vm2, vm3  }
0x299: {  	vm2 =	vmor vm13, vm2  }
0x29a: {  	v5 =	vsel vm2, v5, v6;
	v6 =	vld [tilespmem:$0x1FE90];
	_ =	sdelay $0x3  }
0x29b: {  	v1 =	vsel vm2, v63, v1  }
0x29c: {  	vm2 =	veq.f32 v19, v5;
	vm3 =	vgt.u32 v1, v6  }
0x29d: {  	vm14 =	vgt.f32 v19, v5;
	vm2 =	vmand vm2, vm3  }
0x29e: {  	vm2 =	vmor vm14, vm2  }
0x29f: {  	v2 =	vsel vm2, v19, v5;
	v5 =	vld [tilespmem:$0x1FEA0];
	_ =	sdelay $0x3  }
0x2a0: {  	v1 =	vsel vm2, v6, v1  }
0x2a1: {  	vm2 =	veq.f32 v3, v2;
	vm3 =	vgt.u32 v1, v5  }
0x2a2: {  	vm15 =	vgt.f32 v3, v2;
	vm2 =	vmand vm2, vm3  }
0x2a3: {  	vm2 =	vmor vm15, vm2  }
0x2a4: {  	v2 =	vsel vm2, v3, v2;
	v3 =	vld [tilespmem:$0x1FEC0];
	_ =	sdelay $0x3  }
0x2a5: {  	v4 =	vld [tilespmem:$0x1FFE0];
	v1 =	vsel vm2, v5, v1  }
0x2a6: {  	vm2 =	veq.f32 v7, v2;
	vm3 =	vgt.u32 v1, v3  }
0x2a7: {  	vm2 =	vmand vm2, vm3;
	vm3 =	vgt.f32 v7, v2  }
0x2a8: {  	vm2 =	vmor vm3, vm2  }
0x2a9: {  	s3 =	simm.s32 $0xF;
	v2 =	vsel vm2, v7, v2;
	v3 =	vsel vm2, v3, v1;
	v1 =	vlaneseq.u32  }
0x2aa: {  	vm2 =	veq.f32 v11, v2;
	vm3 =	vgt.u32 v3, v4;
	v5 =	vadd.s32 s3, v1  }
0x2ab: {  	vm0 =	vmor vm1, vm0;
	vm1 =	vgt.f32 v11, v2;
	vm2 =	vmand vm2, vm3  }
0x2ac: {  	v0 =	vsel vm0, v4, v0;
	vm0 =	vmor vm1, vm2  }
0x2ad: {  	[tilespmem:s8+$0x0] =	vst v0;
	v0 =	vsel vm0, v4, v3  }
0x2ae: {  	s8 =	simm.s32 $0x4080;
	[tilespmem:s9+$0x0] =	vst v0  }
0x2af: {  	s10 =	simm.s32 $0x4090;
	v0 =	vld.idx.msk [tilespmem:v5+s8+$0x0], $0xffff  }
0x2b0: {  	v2 =	vld [tilespmem:s10+$0x0];
	_ =	sdelay $0x4  }
0x2b1: {  	vm0 =	vne.s32 v2, v0;
	vm1 =	vne.s32 v2, $0xA  }
0x2b2: {  	v0 =	vimm.s32 $0x0;
	vm0 =	vmand vm1, vm0  }
0x2b3: {  	v3 =	vsel vm0, $0x1, v0  }
0x2b4: {  	(xrf0) =	vadd.scan.msk.s32 $0xffff, v3;
	_ =	sdelay $0x1  }
0x2b5: {  	s3 =	simm.s32 $0x0  }
0x2b6: {  	v3 =	vmov s3  }
0x2b7: {  	v3 =	vadd.s32 $0xFFFFFFFF, v3  }
0x2b8: {  	v3 =	vbroadcast v3, $0x0  }
0x2b9: {  	v4, _, _ =	vpop (xrf0)  }
0x2ba: {  	s11 =	simm.s32 $0x1F;
	v3 =	vadd.s32 v4, v3;
	(v2sf) =	vpush v4, $0xF  }
0x2bb: {  	s9 =	simm.s32 $0x4300;
	v4 =	vadd.s32 s11, v1;
	s11 =	simm.s32 $0x2F  }
.LBB2_3:
0x2bc: {  	p0 =	sne.s32 s11, $0x1FF;
	_ =	sdelay $0x2  }
0x2bd: {  	[tilespmem:v3+s9+$0x0] =	vst.idx.msk vm0, v2  }
0x2be: {  	s10 =	sadd.s32 $0x10, s10;
	v3 =	vld.idx.msk [tilespmem:v4+s8+$0x0], $0xffff  }
0x2bf: {  	v2 =	vld [tilespmem:s10+$0x0];
	_ =	sdelay $0x4  }
0x2c0: {  	vm0 =	vne.s32 v2, v3;
	vm1 =	vne.s32 v2, $0xA  }
0x2c1: {  	vm0 =	vmand vm1, vm0  }
0x2c2: {  	v3 =	vsel vm0, $0x1, v0  }
0x2c3: {  	(xrf0) =	vadd.scan.msk.s32 $0xffff, v3;
	s12 =	spop (v2sf)  }
0x2c4: {  	s3 =	sadd.s32 s3, s12  }
0x2c5: {  	v3 =	vmov s3  }
0x2c6: {  	v3 =	vadd.s32 $0xFFFFFFFF, v3  }
.Ltmp1:
0x2c7: {  	v3 =	vbroadcast v3, $0x0;
	(pc) =	sbr.rel @p0 .LBB2_3-.Ltmp1, $4  }
0x2c8: {  	_ = 	snop  }
0x2c9: {  	v4, _, _ =	vpop (xrf0)  }
0x2ca: {  	v3 =	vadd.s32 v4, v3;
	(v2sf) =	vpush v4, $0xF  }
0x2cb: {  	v4 =	vadd.s32 s11, v1;
	s11 =	sadd.s32 $0x10, s11  }
0x2cc: {  	_ =	sdelay $0x4  }
0x2cd: {  	[tilespmem:v3+s9+$0x0] =	vst.idx.msk vm0, v2  }
0x2ce: {  	s29 =	sadd.s32 $0x10, s10;
	v1 =	vld.idx.msk [tilespmem:v4+s8+$0x0], $0xffff  }
0x2cf: {  	v2 =	vld [tilespmem:s29+$0x0];
	_ =	sdelay $0x4  }
0x2d0: {  	vm0 =	vne.s32 v2, v1;
	vm1 =	vne.s32 v2, $0xA  }
0x2d1: {  	vm0 =	vmand vm1, vm0  }
0x2d2: {  	v0 =	vsel vm0, $0x1, v0  }
0x2d3: {  	(xrf0) =	vadd.scan.msk.s32 $0xffff, v0;
	_ =	sdelay $0x5  }
0x2d4: {  	v0, _, _ =	vpop (xrf0)  }
0x2d5: {  	(v2sf) =	vpush v0, $0xF;
	_ =	sdelay $0x1  }
0x2d6: {  	s30 =	spop (v2sf)  }
0x2d7: {  	s31 =	sadd.s32 s3, s30  }
0x2d8: {  	v1 =	vmov s31  }
0x2d9: {  	v1 =	vadd.s32 $0xFFFFFFFF, v1  }
0x2da: {  	v1 =	vbroadcast v1, $0x0;
	_ =	sdelay $0x1  }
0x2db: {  	v0 =	vadd.s32 v0, v1;
	_ =	sdelay $0x4  }
0x2dc: {  	s11 =	simm.s32 $0x4300;
	s8 =	simm.s32 $0x0;
	[tilespmem:v0+s9+$0x0] =	vst.idx.msk vm0, v2  }
0x2dd: {  	[hbm4b:s7+s8] =	stream.linear.scatter [tilespmem:s11], [sflag:$0x2], $0x200, $0x38;
	[tilespmem:$0x6800] =	vst v63  }
0x2de: {  	s3 =	simm.s32 $0x2;
	s12 =	spop (v2sf)  }
0x2df: {  	_ =	swait.ge [sflag:s3], $0x200  }
0x2e0: {  	[sflag:s3] =	ssyncset.done $0x0  }
0x2e1: {  	[sflag:s3] =	ssyncadd.s32 $0xFFFFFE00  }
0x2e2: {  	s7 =	sadd.s32 s31, s12;
	[sflag:s3] =	ssyncset.done $0x0  }
0x2e3: {  	[smem:s2], [sflag:$0x2] =	smem.add.s32 s7  }
0x2e4: {  	_ =	swait.done [sflag:s3]  }
0x2e5: {  	[sflag:s3] =	ssyncset.s32 $0x0  }
0x2e6: {  	[sflag:s3] =	ssyncset.done $0x0  }
0x2e7: {  	s13 =	sor.u32 $0x10000, s2;
	[sflag:s3] =	ssyncset.done $0x0  }
0x2e8: {  	[smem:s13], [sflag:$0x2] =	smem.add.s32 s7  }
0x2e9: {  	_ =	swait.done [sflag:s3]  }
0x2ea: {  	[sflag:s3] =	ssyncset.s32 $0x0  }
0x2eb: {  	[sflag:s3] =	ssyncset.done $0x0  }
0x2ec: {  	s14 =	sor.u32 $0x20000, s2;
	[sflag:s3] =	ssyncset.done $0x0  }
0x2ed: {  	[smem:s14], [sflag:$0x2] =	smem.add.s32 s7  }
0x2ee: {  	_ =	swait.done [sflag:s3]  }
0x2ef: {  	[sflag:s3] =	ssyncset.s32 $0x0  }
0x2f0: {  	[sflag:s3] =	ssyncset.done $0x0  }
0x2f1: {  	s15 =	sor.u32 $0x30000, s2;
	[sflag:s3] =	ssyncset.done $0x0  }
0x2f2: {  	[smem:s15], [sflag:$0x2] =	smem.add.s32 s7  }
0x2f3: {  	_ =	swait.done [sflag:s3]  }
0x2f4: {  	[sflag:s3] =	ssyncset.s32 $0x0  }
0x2f5: {  	[sflag:s3] =	ssyncset.done $0x0  }
0x2f6: {  	s16 =	sor.u32 $0x40000, s2;
	[sflag:s3] =	ssyncset.done $0x0  }
0x2f7: {  	[smem:s16], [sflag:$0x2] =	smem.add.s32 s7  }
0x2f8: {  	_ =	swait.done [sflag:s3]  }
0x2f9: {  	[sflag:s3] =	ssyncset.s32 $0x0  }
0x2fa: {  	[sflag:s3] =	ssyncset.done $0x0  }
0x2fb: {  	s17 =	sor.u32 $0x50000, s2;
	[sflag:s3] =	ssyncset.done $0x0  }
0x2fc: {  	[smem:s17], [sflag:$0x2] =	smem.add.s32 s7  }
0x2fd: {  	_ =	swait.done [sflag:s3]  }
0x2fe: {  	[sflag:s3] =	ssyncset.s32 $0x0  }
0x2ff: {  	[sflag:s3] =	ssyncset.done $0x0  }
0x300: {  	s18 =	sor.u32 $0x60000, s2;
	[sflag:s3] =	ssyncset.done $0x0  }
0x301: {  	[smem:s18], [sflag:$0x2] =	smem.add.s32 s7  }
0x302: {  	_ =	swait.done [sflag:s3]  }
0x303: {  	[sflag:s3] =	ssyncset.s32 $0x0  }
0x304: {  	[sflag:s3] =	ssyncset.done $0x0  }
0x305: {  	s19 =	sor.u32 $0x70000, s2;
	[sflag:s3] =	ssyncset.done $0x0  }
0x306: {  	[smem:s19], [sflag:$0x2] =	smem.add.s32 s7  }
0x307: {  	_ =	swait.done [sflag:s3]  }
0x308: {  	[sflag:s3] =	ssyncset.s32 $0x0  }
0x309: {  	[sflag:s3] =	ssyncset.done $0x0  }
0x30a: {  	s20 =	sor.u32 $0x80000, s2;
	[sflag:s3] =	ssyncset.done $0x0  }
0x30b: {  	[smem:s20], [sflag:$0x2] =	smem.add.s32 s7  }
0x30c: {  	_ =	swait.done [sflag:s3]  }
0x30d: {  	[sflag:s3] =	ssyncset.s32 $0x0  }
0x30e: {  	[sflag:s3] =	ssyncset.done $0x0  }
0x30f: {  	s21 =	sor.u32 $0x90000, s2;
	[sflag:s3] =	ssyncset.done $0x0  }
0x310: {  	[smem:s21], [sflag:$0x2] =	smem.add.s32 s7  }
0x311: {  	_ =	swait.done [sflag:s3]  }
0x312: {  	[sflag:s3] =	ssyncset.s32 $0x0  }
0x313: {  	[sflag:s3] =	ssyncset.done $0x0  }
0x314: {  	s22 =	sor.u32 $0xA0000, s2;
	[sflag:s3] =	ssyncset.done $0x0  }
0x315: {  	[smem:s22], [sflag:$0x2] =	smem.add.s32 s7  }
0x316: {  	_ =	swait.done [sflag:s3]  }
0x317: {  	[sflag:s3] =	ssyncset.s32 $0x0  }
0x318: {  	[sflag:s3] =	ssyncset.done $0x0  }
0x319: {  	s23 =	sor.u32 $0xB0000, s2;
	[sflag:s3] =	ssyncset.done $0x0  }
0x31a: {  	[smem:s23], [sflag:$0x2] =	smem.add.s32 s7  }
0x31b: {  	_ =	swait.done [sflag:s3]  }
0x31c: {  	[sflag:s3] =	ssyncset.s32 $0x0  }
0x31d: {  	[sflag:s3] =	ssyncset.done $0x0  }
0x31e: {  	s24 =	sor.u32 $0xC0000, s2;
	[sflag:s3] =	ssyncset.done $0x0  }
0x31f: {  	[smem:s24], [sflag:$0x2] =	smem.add.s32 s7  }
0x320: {  	_ =	swait.done [sflag:s3]  }
0x321: {  	[sflag:s3] =	ssyncset.s32 $0x0  }
0x322: {  	[sflag:s3] =	ssyncset.done $0x0  }
0x323: {  	s25 =	sor.u32 $0xD0000, s2;
	[sflag:s3] =	ssyncset.done $0x0  }
0x324: {  	[smem:s25], [sflag:$0x2] =	smem.add.s32 s7  }
0x325: {  	_ =	swait.done [sflag:s3]  }
0x326: {  	[sflag:s3] =	ssyncset.s32 $0x0  }
0x327: {  	[sflag:s3] =	ssyncset.done $0x0  }
0x328: {  	s26 =	sor.u32 $0xE0000, s2;
	[sflag:s3] =	ssyncset.done $0x0  }
0x329: {  	[smem:s26], [sflag:$0x2] =	smem.add.s32 s7  }
0x32a: {  	_ =	swait.done [sflag:s3]  }
0x32b: {  	[sflag:s3] =	ssyncset.s32 $0x0  }
0x32c: {  	[sflag:s3] =	ssyncset.done $0x0  }
0x32d: {  	s28 =	sor.u32 $0xF0000, s2;
	[sflag:s3] =	ssyncset.done $0x0  }
0x32e: {  	[smem:s28], [sflag:$0x2] =	smem.add.s32 s7  }
0x32f: {  	_ =	swait.done [sflag:s3]  }
0x330: {  	[sflag:s3] =	ssyncset.s32 $0x0  }
0x331: {  	[sflag:s3] =	ssyncset.done $0x0  }
0x332: {  	[bflag:$0x0] =	sbarrier.arrive $0xFFFF  }
0x333: {  	s29 =	sld [smem:$0x0]  }
0x334: {  	s30 =	sld [smem:$0x1]  }
0x335: {  	v0 =	vlaneseq.u32;
	s31 =	sld [smem:$0x2]  }
0x336: {  	vm0 =	veq.s32 v0, $0x1;
	s11 =	sld [smem:$0x3];
	v2 =	vmov s29  }
0x337: {  	s12 =	sld [smem:$0x4];
	v1 =	vsel vm0, s30, v2;
	vm0 =	veq.s32 v0, $0x2  }
0x338: {  	s13 =	sld [smem:$0x5];
	v1 =	vsel vm0, s31, v1;
	vm0 =	veq.s32 v0, $0x3  }
0x339: {  	s14 =	sld [smem:$0x6];
	v1 =	vsel vm0, s11, v1;
	vm0 =	veq.s32 v0, $0x4  }
0x33a: {  	s15 =	sld [smem:$0x7];
	v1 =	vsel vm0, s12, v1;
	vm0 =	veq.s32 v0, $0x5  }
0x33b: {  	s16 =	sld [smem:$0x8];
	v1 =	vsel vm0, s13, v1;
	vm0 =	veq.s32 v0, $0x6  }
0x33c: {  	s17 =	sld [smem:$0x9];
	v1 =	vsel vm0, s14, v1;
	vm0 =	veq.s32 v0, $0x7  }
0x33d: {  	s18 =	sld [smem:$0xA];
	v1 =	vsel vm0, s15, v1;
	vm0 =	veq.s32 v0, $0x8  }
0x33e: {  	s19 =	sld [smem:$0xB];
	v1 =	vsel vm0, s16, v1;
	vm0 =	veq.s32 v0, $0x9  }
0x33f: {  	s20 =	sld [smem:$0xC];
	v1 =	vsel vm0, s17, v1;
	vm0 =	veq.s32 v0, $0xA  }
0x340: {  	s21 =	sld [smem:$0xD];
	v1 =	vsel vm0, s18, v1;
	vm0 =	veq.s32 v0, $0xB  }
0x341: {  	s22 =	sld [smem:$0xE];
	s7 =	sadd.s32 s29, s30;
	v1 =	vsel vm0, s19, v1;
	vm0 =	veq.s32 v0, $0xC  }
0x342: {  	s23 =	sld [smem:$0xF];
	s9 =	sadd.s32 s31, s7;
	v1 =	vsel vm0, s20, v1;
	vm0 =	veq.s32 v0, $0xD  }
0x343: {  	s10 =	sadd.s32 s11, s9;
	v1 =	vsel vm0, s21, v1;
	vm0 =	veq.s32 v0, $0xE  }
0x344: {  	s11 =	sadd.s32 s12, s10;
	v1 =	vsel vm0, s22, v1;
	vm0 =	veq.s32 v0, $0xF  }
0x345: {  	s12 =	sadd.s32 s13, s11;
	v1 =	vsel vm0, s23, v1  }
0x346: {  	s6 =	sadd.s32 $0x10, s6;
	s13 =	sadd.s32 s14, s12;
	(xrf0) =	vadd.scan.msk.s32 $0xffff, v1  }
0x347: {  	v17 =	vimm.s32 $0x0;
	s28 =	sadd.s32 $0xFFFFFFF0, s6;
	v2 =	vbroadcast v2, $0x0;
	s14 =	sadd.s32 s15, s13  }
0x348: {  	v20 =	vor.u32 s6, v0;
	v18 =	vor.u32 s28, v0;
	v4 =	vmov s9;
	s15 =	sadd.s32 s16, s14  }
0x349: {  	v5 =	vmov s10;
	vm1 =	vge.s32 v18, v2;
	v6 =	vmov s11;
	s16 =	sadd.s32 s17, s15  }
0x34a: {  	v21 =	vsel vm1, $0x1, v17;
	vm1 =	vge.s32 v18, v4;
	v7 =	vmov s12;
	s17 =	sadd.s32 s18, s16  }
0x34b: {  	v8 =	vmov s13;
	v9 =	vmov s14;
	v10 =	vmov s15;
	s18 =	sadd.s32 s19, s17  }
0x34c: {  	v11 =	vmov s16;
	v12 =	vmov s17;
	s24 =	sadd.s32 s20, s18;
	v13 =	vmov s18;
	v3, _, _ =	vpop (xrf0)  }
0x34d: {  	s25 =	sadd.s32 s21, s24;
	v19 =	vsub.s32 v3, v1;
	v1 =	vbroadcast v3, $0xF;
	v3 =	vmov s7  }
0x34e: {  	v14 =	vmov s24;
	s26 =	sadd.s32 s22, s25;
	v15 =	vmov s25;
	vm2 =	vge.s32 v18, v3  }
0x34f: {  	v16 =	vmov s26;
	vm0 =	vge.s32 v20, v2;
	v22 =	vsel vm2, $0x1, v17  }
0x350: {  	v21 =	vadd.s32 v22, v21;
	v22 =	vsel vm1, $0x1, v17;
	vm1 =	vge.s32 v18, v5  }
0x351: {  	v21 =	vadd.s32 v22, v21;
	v22 =	vsel vm1, $0x1, v17;
	vm1 =	vge.s32 v18, v6  }
0x352: {  	vm2 =	vge.s32 v18, v7;
	v21 =	vadd.s32 v22, v21;
	v22 =	vsel vm1, $0x1, v17  }
0x353: {  	vm1 =	vge.s32 v18, v8;
	v21 =	vadd.s32 v22, v21;
	v22 =	vsel vm2, $0x1, v17  }
0x354: {  	v21 =	vadd.s32 v22, v21;
	v22 =	vsel vm1, $0x1, v17;
	vm1 =	vge.s32 v18, v9  }
0x355: {  	v21 =	vadd.s32 v22, v21;
	v22 =	vsel vm1, $0x1, v17;
	vm1 =	vge.s32 v18, v10  }
0x356: {  	v21 =	vadd.s32 v22, v21;
	v22 =	vsel vm1, $0x1, v17;
	vm1 =	vge.s32 v18, v11  }
0x357: {  	v21 =	vadd.s32 v22, v21;
	v22 =	vsel vm1, $0x1, v17;
	vm1 =	vge.s32 v18, v12  }
0x358: {  	v21 =	vadd.s32 v22, v21;
	v22 =	vsel vm1, $0x1, v17;
	vm1 =	vge.s32 v18, v13  }
0x359: {  	p0 =	sne.s32 s2, $0x0;
	[tilespmem:$0x6780] =	vst v19;
	v21 =	vadd.s32 v22, v21;
	v22 =	vsel vm1, $0x1, v17;
	vm1 =	vge.s32 v18, v14  }
0x35a: {  	s2 =	simm.s32 @!p0 $0x0;
	s7 =	simm.s32 @!p0 $0x6700;
	[tilespmem:$0x6700] =	vst @!p0 v1;
	v21 =	vadd.s32 v22, v21;
	v22 =	vsel vm1, $0x1, v17;
	vm1 =	vge.s32 v18, v15  }
0x35b: {  	[hbm4b:s1+s2] =	stream.linear.scatter @!p0 [tilespmem:s7], [sflag:$0x2], $0x80, $0x38;
	v19 =	vadd.s32 v22, v21;
	v21 =	vsel vm1, $0x1, v17;
	vm1 =	vge.s32 v18, v16;
	[tilespmem:$0x6800] =	vst v63  }
0x35c: {  	s1 =	simm.s32 @!p0 $0x2;
	v19 =	vadd.s32 v21, v19;
	v21 =	vsel vm1, $0x1, v17;
	vm1 =	vge.s32 v20, v3  }
0x35d: {  	_ =	swait.ge @!p0 [sflag:s1], $0x80;
	v19 =	vadd.s32 v21, v19;
	v21 =	vsel vm0, $0x1, v17;
	v22 =	vsel vm1, $0x1, v17  }
0x35e: {  	[sflag:s1] =	ssyncset.done @!p0 $0x0;
	vm0 =	vge.s32 v20, v4;
	vm1 =	vge.s32 v20, v5;
	v21 =	vadd.s32 v22, v21  }
0x35f: {  	[sflag:s1] =	ssyncadd.s32 @!p0 $0xFFFFFF80;
	s1 =	simm.s32 $0x4500;
	v22 =	vsel vm0, $0x1, v17;
	v23 =	vsel vm1, $0x1, v17;
	vm0 =	vge.s32 v20, v6  }
0x360: {  	[tilespmem:s1], [sflag:$0x2] =	stream.linear.gather [hbm4b:s5+s8], $0x2000, $0x38;
	v21 =	vadd.s32 v22, v21;
	v22 =	vsel vm0, $0x1, v17;
	vm0 =	vge.s32 v20, v7;
	[tilespmem:$0x6800] =	vst v63  }
0x361: {  	_ =	swait.ge [sflag:s3], $0x2000;
	v21 =	vadd.s32 v23, v21;
	v23 =	vsel vm0, $0x1, v17;
	vm0 =	vge.s32 v20, v8  }
0x362: {  	[sflag:s3] =	ssyncset.done $0x0;
	v21 =	vadd.s32 v22, v21;
	v22 =	vsel vm0, $0x1, v17;
	vm0 =	vge.s32 v20, v9  }
0x363: {  	s2 =	simm.s32 $0x6780;
	[sflag:s3] =	ssyncadd.s32 $0xFFFFE000;
	v21 =	vadd.s32 v23, v21;
	v23 =	vsel vm0, $0x1, v17;
	vm0 =	vge.s32 v20, v10  }
0x364: {  	v24 =	vld.idx.msk [tilespmem:v19+s2+$0x0], $0xffff;
	v19 =	vshll.u32 v19, $0x9;
	v21 =	vadd.s32 v22, v21;
	v22 =	vsel vm0, $0x1, v17  }
0x365: {  	vm0 =	vge.s32 v20, v11;
	v19 =	vadd.s32 v18, v19;
	v21 =	vadd.s32 v23, v21  }
0x366: {  	v23 =	vsel vm0, $0x1, v17;
	vm0 =	vge.s32 v20, v12;
	v21 =	vadd.s32 v22, v21  }
0x367: {  	v22 =	vsel vm0, $0x1, v17;
	vm0 =	vge.s32 v20, v13;
	v21 =	vadd.s32 v23, v21  }
0x368: {  	v21 =	vadd.s32 v22, v21;
	v22 =	vsel vm0, $0x1, v17;
	vm0 =	vge.s32 v20, v14  }
0x369: {  	v21 =	vadd.s32 v22, v21;
	v22 =	vsel vm0, $0x1, v17;
	vm0 =	vge.s32 v20, v15  }
0x36a: {  	v21 =	vadd.s32 v22, v21;
	v22 =	vsel vm0, $0x1, v17;
	vm0 =	vge.s32 v20, v16  }
0x36b: {  	v19 =	vsub.s32 v19, v24;
	v21 =	vadd.s32 v22, v21;
	v22 =	vsel vm0, $0x1, v17  }
0x36c: {  	s29 =	sadd.s32 $0x20, s6;
	vm0 =	vlt.s32 v19, $0x1FFF;
	v23 =	vadd.s32 v22, v21  }
0x36d: {  	s30 =	sadd.s32 $0xFFFFFFF0, s29;
	v22 =	vnsel vm0, $0x1FFF, v19;
	vm0 =	vlt.s32 v20, v1;
	v19 =	vshll.u32 v23, $0x9  }
0x36e: {  	v21 =	vor.u32 s29, v0;
	v19 =	vadd.s32 v20, v19;
	v20 =	vor.u32 s30, v0  }
0x36f: {  	vm2 =	vge.s32 v21, v2;
	vm1 =	vge.s32 v20, v2;
	vm3 =	vge.s32 v20, v3  }
0x370: {  	v24 =	vsel vm1, $0x1, v17;
	v25 =	vsel vm3, $0x1, v17;
	vm1 =	vge.s32 v20, v4  }
0x371: {  	v24 =	vadd.s32 v25, v24;
	v25 =	vsel vm1, $0x1, v17;
	vm1 =	vge.s32 v20, v5  }
0x372: {  	v23 =	vld.idx.msk [tilespmem:v23+s2+$0x0], $0xffff;
	v24 =	vadd.s32 v25, v24;
	v25 =	vsel vm1, $0x1, v17;
	vm1 =	vge.s32 v20, v6  }
0x373: {  	vm3 =	vge.s32 v20, v7;
	v24 =	vadd.s32 v25, v24;
	v25 =	vsel vm1, $0x1, v17  }
0x374: {  	vm1 =	vge.s32 v20, v8;
	v24 =	vadd.s32 v25, v24;
	v25 =	vsel vm3, $0x1, v17  }
0x375: {  	vm5 =	vlt.s32 v20, v1;
	v24 =	vadd.s32 v25, v24;
	v25 =	vsel vm1, $0x1, v17  }
0x376: {  	vm3 =	vge.s32 v20, v16;
	vm1 =	vge.s32 v20, v9;
	v24 =	vadd.s32 v25, v24  }
0x377: {  	v25 =	vsel vm1, $0x1, v17;
	vm1 =	vge.s32 v20, v10;
	v23 =	vsub.s32 v19, v23  }
0x378: {  	v24 =	vadd.s32 v25, v24;
	v25 =	vsel vm1, $0x1, v17;
	vm1 =	vge.s32 v20, v11  }
0x379: {  	v24 =	vadd.s32 v25, v24;
	v25 =	vsel vm1, $0x1, v17;
	vm1 =	vge.s32 v20, v12  }
0x37a: {  	v24 =	vadd.s32 v25, v24;
	v25 =	vsel vm1, $0x1, v17;
	vm1 =	vge.s32 v20, v13  }
0x37b: {  	v24 =	vadd.s32 v25, v24;
	v25 =	vsel vm1, $0x1, v17;
	vm1 =	vge.s32 v20, v14  }
0x37c: {  	v24 =	vadd.s32 v25, v24;
	v25 =	vsel vm1, $0x1, v17;
	vm1 =	vge.s32 v20, v15  }
0x37d: {  	vm15 =	vlt.s32 v23, $0x1FFF;
	v24 =	vadd.s32 v25, v24;
	v25 =	vsel vm1, $0x1, v17  }
0x37e: {  	vm1 =	vlt.s32 v18, v1;
	v18 =	vadd.s32 v25, v24;
	v24 =	vsel vm3, $0x1, v17  }
0x37f: {  	vm3 =	vge.s32 v21, v3;
	v18 =	vadd.s32 v24, v18;
	v24 =	vsel vm2, $0x1, v17  }
0x380: {  	v25 =	vsel vm3, $0x1, v17;
	vm2 =	vge.s32 v21, v4;
	vm3 =	vge.s32 v21, v5  }
0x381: {  	v24 =	vadd.s32 v25, v24;
	v25 =	vsel vm2, $0x1, v17;
	v26 =	vsel vm3, $0x1, v17  }
0x382: {  	vm2 =	vge.s32 v21, v6;
	vm3 =	vge.s32 v21, v7;
	v24 =	vadd.s32 v25, v24  }
0x383: {  	v25 =	vsel vm2, $0x1, v17;
	vm2 =	vge.s32 v21, v8;
	v24 =	vadd.s32 v26, v24  }
0x384: {  	v26 =	vsel vm3, $0x1, v17;
	vm3 =	vge.s32 v21, v9;
	v24 =	vadd.s32 v25, v24  }
0x385: {  	v27 =	vsel vm2, $0x1, v17;
	vm2 =	vge.s32 v21, v10;
	v25 =	vld.idx.msk [tilespmem:v18+s2+$0x0], $0xffff;
	v24 =	vadd.s32 v26, v24  }
0x386: {  	v26 =	vsel vm3, $0x1, v17;
	vm3 =	vge.s32 v21, v11;
	v18 =	vshll.u32 v18, $0x9  }
0x387: {  	v24 =	vadd.s32 v27, v24;
	v27 =	vsel vm2, $0x1, v17;
	vm2 =	vge.s32 v21, v12  }
0x388: {  	v18 =	vadd.s32 v20, v18;
	v24 =	vadd.s32 v26, v24;
	v26 =	vsel vm3, $0x1, v17  }
0x389: {  	vm3 =	vge.s32 v21, v14;
	v24 =	vadd.s32 v27, v24;
	v27 =	vsel vm2, $0x1, v17  }
0x38a: {  	vm2 =	vge.s32 v21, v13;
	v24 =	vadd.s32 v26, v24;
	v18 =	vsub.s32 v18, v25  }
0x38b: {  	v24 =	vadd.s32 v27, v24;
	v25 =	vsel vm2, $0x1, v17;
	vm2 =	vlt.s32 v18, $0x1FFF  }
0x38c: {  	v24 =	vadd.s32 v25, v24;
	v25 =	vsel vm3, $0x1, v17;
	vm3 =	vge.s32 v21, v15  }
0x38d: {  	s31 =	sadd.s32 $0x20, s29;
	v24 =	vadd.s32 v25, v24;
	v25 =	vsel vm3, $0x1, v17;
	vm3 =	vge.s32 v21, v16  }
0x38e: {  	s3 =	sadd.s32 $0xFFFFFFF0, s31;
	v26 =	vnsel vm2, $0x1FFF, v18;
	v18 =	vadd.s32 v25, v24;
	v24 =	vsel vm3, $0x1, v17  }
0x38f: {  	vm2 =	vlt.s32 v21, v1;
	v24 =	vadd.s32 v24, v18;
	v18 =	vor.u32 s3, v0  }
0x390: {  	vm3 =	vge.s32 v18, v2;
	vm4 =	vge.s32 v18, v3;
	vm12 =	vge.s32 v18, v7  }
0x391: {  	v19 =	vsel vm3, $0x1, v17;
	v25 =	vsel vm4, $0x1, v17;
	vm3 =	vge.s32 v18, v4  }
0x392: {  	v19 =	vadd.s32 v25, v19;
	v25 =	vsel vm3, $0x1, v17;
	vm3 =	vge.s32 v18, v5  }
0x393: {  	v19 =	vadd.s32 v25, v19;
	v25 =	vsel vm3, $0x1, v17;
	vm3 =	vge.s32 v18, v6  }
0x394: {  	v62 =	vshll.u32 v24, $0x9;
	v19 =	vadd.s32 v25, v19;
	v25 =	vsel vm3, $0x1, v17  }
0x395: {  	vm3 =	vge.s32 v18, v8;
	v19 =	vadd.s32 v25, v19;
	v25 =	vsel vm12, $0x1, v17  }
0x396: {  	v19 =	vadd.s32 v25, v19;
	v25 =	vsel vm3, $0x1, v17;
	vm3 =	vge.s32 v18, v9  }
0x397: {  	v19 =	vadd.s32 v25, v19;
	v25 =	vsel vm3, $0x1, v17;
	vm3 =	vge.s32 v18, v10  }
0x398: {  	v19 =	vadd.s32 v25, v19;
	v25 =	vsel vm3, $0x1, v17;
	vm3 =	vge.s32 v18, v11  }
0x399: {  	v19 =	vadd.s32 v25, v19;
	v25 =	vsel vm3, $0x1, v17;
	vm3 =	vge.s32 v18, v12  }
0x39a: {  	v19 =	vadd.s32 v25, v19;
	v25 =	vsel vm3, $0x1, v17;
	vm3 =	vge.s32 v18, v13  }
0x39b: {  	v19 =	vadd.s32 v25, v19;
	v25 =	vsel vm3, $0x1, v17;
	vm3 =	vge.s32 v18, v14  }
0x39c: {  	v19 =	vadd.s32 v25, v19;
	v25 =	vsel vm3, $0x1, v17;
	vm3 =	vge.s32 v18, v15  }
0x39d: {  	v25 =	vadd.s32 v25, v19;
	v27 =	vsel vm3, $0x1, v17;
	vm3 =	vge.s32 v18, v16  }
0x39e: {  	v19 =	vor.u32 s31, v0;
	v25 =	vadd.s32 v27, v25;
	v27 =	vsel vm3, $0x1, v17  }
0x39f: {  	vm3 =	vge.s32 v19, v2;
	vm13 =	vge.s32 v19, v3;
	v25 =	vadd.s32 v27, v25  }
0x3a0: {  	v27 =	vsel vm3, $0x1, v17;
	v28 =	vsel vm13, $0x1, v17;
	vm3 =	vge.s32 v19, v4  }
0x3a1: {  	vm14 =	vge.s32 v19, v5;
	v27 =	vadd.s32 v28, v27;
	v57 =	vsel vm3, $0x1, v17  }
0x3a2: {  	v29 =	vsel vm14, $0x1, v17;
	vm3 =	vge.s32 v19, v6;
	v27 =	vadd.s32 v57, v27  }
0x3a3: {  	v58 =	vsel vm3, $0x1, v17;
	vm3 =	vge.s32 v19, v7;
	v27 =	vadd.s32 v29, v27  }
0x3a4: {  	v59 =	vsel vm3, $0x1, v17;
	vm3 =	vge.s32 v19, v8;
	v27 =	vadd.s32 v58, v27  }
0x3a5: {  	v22 =	vld.idx.msk [tilespmem:v22+s1+$0x0], $0xffff;
	v60 =	vsel vm3, $0x1, v17;
	vm3 =	vge.s32 v19, v9;
	v27 =	vadd.s32 v59, v27  }
0x3a6: {  	v26 =	vld.idx.msk [tilespmem:v26+s1+$0x0], $0xffff;
	v61 =	vsel vm3, $0x1, v17;
	vm3 =	vge.s32 v19, v10;
	v27 =	vadd.s32 v60, v27  }
0x3a7: {  	v63 =	vsel vm3, $0x1, v17;
	vm3 =	vge.s32 v19, v11;
	v27 =	vadd.s32 v61, v27  }
0x3a8: {  	v28 =	vadd.s32 v21, v62;
	v20 =	vsel vm3, $0x1, v17;
	v21 =	vadd.s32 v63, v27;
	v27 =	vld.idx.msk [tilespmem:v25+s2+$0x0], $0xffff  }
0x3a9: {  	vm0 =	vmmov vm0;
	v20 =	vadd.s32 v20, v21;
	v21 =	vnsel vm15, $0x1FFF, v23  }
0x3aa: {  	v22 =	vnsel vm1, $0xFFFFFFFF, v22;
	vm1 =	vmmov vm0;
	vm0 =	vmmov vm2  }
0x3ab: {  	v26 =	vnsel vm5, $0xFFFFFFFF, v26;
	vm2 =	vge.s32 v19, v12;
	v23 =	vshll.u32 v25, $0x9  }
0x3ac: {  	v24 =	vld.idx.msk [tilespmem:v24+s2+$0x0], $0xffff;
	v25 =	vsel vm2, $0x1, v17;
	vm2 =	vge.s32 v19, v13;
	v23 =	vadd.s32 v18, v23  }
0x3ad: {  	v20 =	vadd.s32 v25, v20;
	v25 =	vsel vm2, $0x1, v17;
	v23 =	vsub.s32 v23, v27  }
0x3ae: {  	vm3 =	vge.s32 v19, v14;
	v20 =	vadd.s32 v25, v20;
	v27 =	vld.idx.msk [tilespmem:v21+s1+$0x0], $0xffff;
	vm2 =	vlt.s32 v23, $0x1FFF  }
0x3af: {  	v21 =	vnsel vm2, $0x1FFF, v23;
	v23 =	vsel vm3, $0x1, v17;
	vm2 =	vge.s32 v19, v15  }
0x3b0: {  	v20 =	vadd.s32 v23, v20;
	v23 =	vsel vm2, $0x1, v17;
	vm2 =	vge.s32 v19, v16  }
0x3b1: {  	s5 =	simm.s32 $0x6510;
	v24 =	vsub.s32 v28, v24;
	v20 =	vadd.s32 v23, v20;
	v23 =	vsel vm2, $0x1, v17  }
0x3b2: {  	[tilespmem:s5+$0xFFFFFFF0] =	vst v22;
	s3 =	simm.s32 $0x6530;
	vm3 =	vlt.s32 v24, $0x1FFF;
	vm2 =	vlt.s32 v19, v1;
	v22 =	vadd.s32 v23, v20  }
0x3b3: {  	s6 =	simm.s32 $0x4;
	s7 =	sadd.s32 $0x20, s31;
	[tilespmem:s3+$0xFFFFFFF0] =	vst v26;
	v23 =	vnsel vm3, $0x1FFF, v24;
	v20 =	vshll.u32 v22, $0x9;
	v24 =	vnsel vm1, $0xFFFFFFFF, v27  }
.LBB2_5:
0x3b4: {  	v20 =	vadd.s32 v19, v20  }
0x3b5: {  	s8 =	sadd.s32 $0xFFFFFFF0, s7;
	s6 =	sadd.s32 $0x2, s6;
	v21 =	vld.idx.msk [tilespmem:v21+s1+$0x0], $0xffff;
	v19 =	vor.u32 s7, v0;
	[tilespmem:s5+$0x0] =	vst v24;
	vm1 =	vmmov vm0;
	vm0 =	vmmov vm2;
	s5 =	smov.u32 s3  }
0x3b6: {  	vm3 =	vlt.s32 v18, v1;
	vm2 =	vge.s32 v19, v2;
	p1 =	slt.u32 s6, $0x1E;
	v18 =	vor.u32 s8, v0  }
0x3b7: {  	vm4 =	vge.s32 v18, v2;
	vm5 =	vge.s32 v18, v3;
	vm6 =	vge.s32 v18, v7  }
0x3b8: {  	v24 =	vsel vm4, $0x1, v17;
	v25 =	vsel vm5, $0x1, v17;
	vm4 =	vge.s32 v18, v4;
	v22 =	vld.idx.msk [tilespmem:v22+s2+$0x0], $0xffff  }
0x3b9: {  	v24 =	vadd.s32 v25, v24;
	v25 =	vsel vm4, $0x1, v17;
	vm4 =	vge.s32 v18, v5;
	v26 =	vld.idx.msk [tilespmem:v23+s1+$0x0], $0xffff  }
0x3ba: {  	v23 =	vadd.s32 v25, v24;
	v24 =	vsel vm4, $0x1, v17;
	vm4 =	vge.s32 v18, v6  }
0x3bb: {  	s3 =	sadd.s32 $0x20, s3;
	v21 =	vnsel vm3, $0xFFFFFFFF, v21;
	v23 =	vadd.s32 v24, v23;
	v24 =	vsel vm4, $0x1, v17  }
0x3bc: {  	vm3 =	vge.s32 v18, v8;
	v23 =	vadd.s32 v24, v23;
	v24 =	vsel vm6, $0x1, v17;
	[tilespmem:s3+$0xFFFFFFF0] =	vst v21  }
0x3bd: {  	v21 =	vadd.s32 v24, v23;
	v23 =	vsel vm3, $0x1, v17;
	vm3 =	vge.s32 v18, v9  }
0x3be: {  	v21 =	vadd.s32 v23, v21;
	v23 =	vsel vm3, $0x1, v17;
	vm3 =	vge.s32 v18, v10  }
0x3bf: {  	v21 =	vadd.s32 v23, v21;
	v23 =	vsel vm3, $0x1, v17;
	vm3 =	vge.s32 v18, v11  }
0x3c0: {  	v21 =	vadd.s32 v23, v21;
	v23 =	vsel vm3, $0x1, v17;
	vm3 =	vge.s32 v18, v12  }
0x3c1: {  	v21 =	vadd.s32 v23, v21;
	v23 =	vsel vm3, $0x1, v17;
	vm3 =	vge.s32 v18, v13  }
0x3c2: {  	v21 =	vadd.s32 v23, v21;
	v23 =	vsel vm3, $0x1, v17;
	vm3 =	vge.s32 v18, v14  }
0x3c3: {  	v21 =	vadd.s32 v23, v21;
	v23 =	vsel vm3, $0x1, v17;
	vm3 =	vge.s32 v18, v15  }
0x3c4: {  	v21 =	vadd.s32 v23, v21;
	v23 =	vsel vm3, $0x1, v17;
	vm3 =	vge.s32 v18, v16  }
0x3c5: {  	v21 =	vadd.s32 v23, v21;
	v23 =	vsel vm3, $0x1, v17;
	vm3 =	vge.s32 v19, v3  }
0x3c6: {  	v21 =	vadd.s32 v23, v21;
	v23 =	vsel vm2, $0x1, v17;
	v24 =	vsel vm3, $0x1, v17  }
0x3c7: {  	vm2 =	vge.s32 v19, v4;
	vm3 =	vge.s32 v19, v5;
	v23 =	vadd.s32 v24, v23  }
0x3c8: {  	v24 =	vsel vm2, $0x1, v17;
	v25 =	vsel vm3, $0x1, v17;
	vm2 =	vge.s32 v19, v6  }
0x3c9: {  	v23 =	vadd.s32 v24, v23;
	v24 =	vsel vm2, $0x1, v17;
	vm2 =	vge.s32 v19, v7  }
0x3ca: {  	v23 =	vadd.s32 v25, v23;
	v25 =	vsel vm2, $0x1, v17;
	vm2 =	vge.s32 v19, v8  }
0x3cb: {  	v23 =	vadd.s32 v24, v23;
	v24 =	vsel vm2, $0x1, v17;
	vm2 =	vge.s32 v19, v9;
	v27 =	vld.idx.msk [tilespmem:v21+s2+$0x0], $0xffff  }
0x3cc: {  	v23 =	vadd.s32 v25, v23;
	v25 =	vsel vm2, $0x1, v17;
	vm2 =	vge.s32 v19, v10  }
0x3cd: {  	v23 =	vadd.s32 v24, v23;
	v24 =	vsel vm2, $0x1, v17;
	vm2 =	vge.s32 v19, v11  }
0x3ce: {  	v23 =	vadd.s32 v25, v23;
	v25 =	vsel vm2, $0x1, v17;
	vm2 =	vge.s32 v19, v12  }
0x3cf: {  	v21 =	vshll.u32 v21, $0x9;
	v23 =	vadd.s32 v24, v23;
	v24 =	vsel vm2, $0x1, v17  }
0x3d0: {  	v21 =	vadd.s32 v18, v21;
	vm2 =	vge.s32 v19, v13;
	v23 =	vadd.s32 v25, v23  }
0x3d1: {  	v21 =	vsub.s32 v21, v27;
	v23 =	vadd.s32 v24, v23;
	v24 =	vsel vm2, $0x1, v17  }
0x3d2: {  	vm3 =	vge.s32 v19, v14;
	vm2 =	vlt.s32 v21, $0x1FFF;
	v23 =	vadd.s32 v24, v23  }
.Ltmp2:
0x3d3: {  	v24 =	vsel vm3, $0x1, v17;
	v21 =	vnsel vm2, $0x1FFF, v21;
	vm2 =	vge.s32 v19, v15;
	(pc) =	sbr.rel @p1 .LBB2_5-.Ltmp2, $4  }
0x3d4: {  	v23 =	vadd.s32 v24, v23;
	v24 =	vsel vm2, $0x1, v17;
	vm2 =	vge.s32 v19, v16  }
0x3d5: {  	v25 =	vsub.s32 v20, v22;
	v23 =	vadd.s32 v24, v23;
	v24 =	vsel vm2, $0x1, v17  }
0x3d6: {  	vm3 =	vlt.s32 v25, $0x1FFF;
	vm2 =	vlt.s32 v19, v1;
	v22 =	vadd.s32 v24, v23  }
0x3d7: {  	s7 =	sadd.s32 $0x20, s7;
	v23 =	vnsel vm3, $0x1FFF, v25;
	v24 =	vnsel vm1, $0xFFFFFFFF, v26;
	v20 =	vshll.u32 v22, $0x9  }
0x3d8: {  	_ =	sdelay $0x3  }
0x3d9: {  	v0 =	vld.idx.msk [tilespmem:v22+s2+$0x0], $0xffff;
	_ =	sdelay $0x3  }
0x3da: {  	v2 =	vadd.s32 v19, v20  }
0x3db: {  	v0 =	vsub.s32 v2, v0  }
0x3dc: {  	vm1 =	vlt.s32 v0, $0x1FFF  }
0x3dd: {  	v0 =	vnsel vm1, $0x1FFF, v0;
	_ =	sdelay $0x2  }
0x3de: {  	v62 =	vld.idx.msk [tilespmem:v21+s1+$0x0], $0xffff  }
0x3df: {  	v3 =	vld.idx.msk [tilespmem:v23+s1+$0x0], $0xffff  }
0x3e0: {  	v0 =	vld.idx.msk [tilespmem:v0+s1+$0x0], $0xffff;
	_ =	sdelay $0x1  }
0x3e1: {  	vm14 =	vlt.s32 v18, v1  }
0x3e2: {  	[tilespmem:s5+$0x0] =	vst v24;
	vm0 =	vmmov vm0;
	vm2 =	vmmov vm2;
	s28 =	sadd.s32 $0x20, s3;
	v1 =	vnsel vm14, $0xFFFFFFFF, v62  }
0x3e3: {  	vm15 =	vmmov vm2;
	v63 =	vnsel vm0, $0xFFFFFFFF, v3;
	[tilespmem:s28+$0xFFFFFFF0] =	vst v1  }
0x3e4: {  	[tilespmem:s3+$0x0] =	vst v63;
	v0 =	vnsel vm15, $0xFFFFFFFF, v0  }
0x3e5: {  	s29 =	simm.s32 $0x0;
	s30 =	simm.s32 $0x6500;
	s31 =	simm.s32 $0x2;
	[tilespmem:s28+$0x0] =	vst v0  }
0x3e6: {  	[hbm4b:s4+s29] =	stream.linear.scatter [tilespmem:s30], [sflag:$0x2], $0x200, $0x38;
	[tilespmem:$0x6800] =	vst v63  }
0x3e7: {  	_ =	swait.ge [sflag:s31], $0x200  }
0x3e8: {  	[sflag:s31] =	ssyncset.done $0x0  }
0x3e9: {  	[sflag:s31] =	ssyncadd.s32 $0xFFFFFE00  }
0x3ea: {  	_ =	sfence.sel $0x180000  }
0x3eb: {  	[bflag:$0x0] =	sbarrier.arrive $0xFFFF  }
0x3ec: {  	_ =	strace $0x90000047  }
0x3ed: {  	s0 =	sadd.s32 @!p0 $0x100000, s0;
	[bflag:$0x2] =	sbarrier.arrive $0xFFFF  }
0x3ee: {  	[sflag:s0] =	ssyncadd.tile.s32 @!p0 $0x1;
	_ =	shalt  }
.Lfunc_end2:
_tile_overlayer_lowered:
.L_overlay_start_2:
0x3ef: {  	(tag) =	ssettag $0x2  }
0x3f0: {  	s0 =	rddreg [dreg:$0x0];
	s2 =	stileid.u32  }
0x3f1: {  	s1 =	rddreg [dreg:$0x1];
	p0 =	sne.s32 s2, $0x0  }
0x3f2: {  	s3 =	rddreg [dreg:$0x2];
	[bflag:$0x3] =	sbarrier.arrive $0xFFFF;
	s2 =	simm.s32 @!p0 $0x1C02  }
0x3f3: {  	[timem:s3], [sflag:s2] =	dma.local @!p0 [hbm:s0], s1  }
0x3f4: {  	s0 =	simm.s32 @!p0 $0x2  }
0x3f5: {  	_ =	swait.ge @!p0 [sflag:s0], s1  }
0x3f6: {  	s1 =	ssub.s32 @!p0 $0x0, s1;
	[sflag:s0] =	ssyncset.done @!p0 $0x0  }
0x3f7: {  	[sflag:s0] =	ssyncadd.s32 @!p0 s1  }
0x3f8: {  	[bflag:$0x3] =	sbarrier.arrive $0xFFFF  }
0x3f9: {  	_ =	shalt  }

</sc_bundles>
